<compile_context>
chip_gen: v7x
topology: tpu7x:2x2x1
jax: 0.10.2.dev20260603
libtpu: 0.0.44.dev20260713+nightly
codegen_flags: <defaults>
</compile_context>

<pallas_src>
import functools

import jax
import jax.numpy as jnp
from jax import lax
from jax.experimental import pallas as pl
from jax.experimental.pallas import tpu as pltpu
from jax.experimental.pallas import tpu_sc as plsc

NUM_WORDS = 1000000
EMB = 32
BATCH = 16384
HIST = 50
NW = 32
ELEMS_PER_W = BATCH // NW
GROUP = 16
NGROUPS = ELEMS_PER_W // GROUP
ITERS = NGROUPS // 2
TR = EMB // 8
CB = BATCH // 128


SPAD = GROUP + 1


def _gather_body(idx_hbm, table_hbm, out_hbm, idx_v, buf_a, buf_b,
                 stage, gs_a, gs_b, wb_sem):
    wid = lax.axis_index("s") * 2 + lax.axis_index("c")
    base = wid * ELEMS_PER_W
    pltpu.sync_copy(idx_hbm.at[wid], idx_v)

    bufs = (buf_a, buf_b)
    g_sems = (gs_a, gs_b)

    lane = lax.iota(jnp.int32, 16)
    tr_lo = lane // 8
    tr_hi = tr_lo + 2
    s_vec = lane % 8
    e_vecs = [jnp.full((16,), e, jnp.int32) for e in range(GROUP)]
    stage_out = stage.at[:, :, :, pl.ds(0, GROUP)]

    def fire(g, half):
        for j in range(GROUP):
            pltpu.async_copy(
                table_hbm.at[idx_v.at[g * GROUP + j]],
                bufs[half].at[pl.ds(j * HIST, HIST)],
                g_sems[half],
            )

    fire(0, 0)

    def step(i, carry):
        for half in range(2):
            g = 2 * i + half
            buf = bufs[half]

            pltpu.make_async_copy(
                table_hbm.at[pl.ds(0, GROUP * HIST)], buf,
                g_sems[half]).wait()

            @pl.when(g + 1 < NGROUPS)
            def _():
                fire(g + 1, 1 - half)

            @pl.when(g >= 1)
            def _():
                pltpu.make_async_copy(
                    out_hbm.at[:, :, 0, :, pl.ds(0, GROUP)], stage_out,
                    wb_sem).wait()

            def transpose_t(th, c):
                for dt in range(2):
                    t = th * 2 + dt
                    t_vec = jnp.full((16,), t, jnp.int32)
                    for e in range(GROUP):
                        r = e * HIST + t
                        v1 = buf[r, pl.ds(0, 16)]
                        v2 = buf[r, pl.ds(16, 16)]
                        plsc.store_scatter(
                            stage, [t_vec, tr_lo, s_vec, e_vecs[e]], v1)
                        plsc.store_scatter(
                            stage, [t_vec, tr_hi, s_vec, e_vecs[e]], v2)
                return c

            lax.fori_loop(0, HIST // 2, transpose_t, 0)

            b0 = base + g * GROUP
            cb = b0 // 128
            l0 = b0 % 128
            pltpu.async_copy(
                stage_out, out_hbm.at[:, :, cb, :, pl.ds(l0, GROUP)],
                wb_sem)
        return carry

    lax.fori_loop(0, ITERS, step, 0)

    pltpu.make_async_copy(
        out_hbm.at[:, :, 0, :, pl.ds(0, GROUP)], stage_out, wb_sem).wait()


@jax.jit
def kernel(indices, embedding_weight):
    idx = indices.astype(jnp.int32).reshape(NW, ELEMS_PER_W, HIST)
    mesh = plsc.VectorSubcoreMesh(core_axis_name="c", subcore_axis_name="s")
    out5 = pl.kernel(
        _gather_body,
        mesh=mesh,
        out_type=jax.ShapeDtypeStruct((HIST, TR, CB, 8, 128), jnp.float32),
        compiler_params=pltpu.CompilerParams(
            use_tc_tiling_on_sc=False, needs_layout_passes=False),
        scratch_types=[
            pltpu.VMEM((ELEMS_PER_W, HIST), jnp.int32),
            pltpu.VMEM((GROUP * HIST, EMB), jnp.float32),
            pltpu.VMEM((GROUP * HIST, EMB), jnp.float32),
            pltpu.VMEM((HIST, TR, 8, SPAD), jnp.float32),
            pltpu.SemaphoreType.DMA,
            pltpu.SemaphoreType.DMA,
            pltpu.SemaphoreType.DMA,
        ],
    )(idx, embedding_weight)
    return out5.transpose((2, 4, 0, 1, 3)).reshape(BATCH, HIST, EMB)

# --- scband reference (transcript-rebuilt; emitter-appended) ---
"""Pipeline reference for scband-encoder-rnn-35527969472713 (READ-ONLY COPY).

The authoritative reference and input builder live on the scoring server;
editing this copy changes nothing except your own understanding.
"""

import jax, jax.numpy as jnp
import numpy as np

NUM_WORDS = 1000000
EMB_SIZE = 32
BATCH = 16384
HIST_LEN = 50


def setup_inputs(seed: int = 0) -> dict:
    key = jax.random.key(seed)
    k_idx, k_emb = jax.random.split(key)
    indices = jax.random.randint(k_idx, (BATCH, HIST_LEN), 0, NUM_WORDS, dtype=jnp.int64)
    # learned parameter: embedding table, nn.Embedding default init ~ N(0, 1)
    embedding_weight = jax.random.normal(k_emb, (NUM_WORDS, EMB_SIZE), dtype=jnp.float32)
    return {"indices": indices, "embedding_weight": embedding_weight}


def reference(indices, embedding_weight):
    # EncoderRNN embedding lookup: embedded = self.embedding(input_seq)
    embedded = jnp.take(embedding_weight, indices, axis=0)
    return embedded

if __name__ == "__main__":
    import jax
    _d = setup_inputs()
    print(jax.jit(kernel)(*tuple(_d.values())))

</pallas_src>

<mosaic_0001>
#map = affine_map<(d0, d1) -> (0, 0, 0)>
#map1 = affine_map<(d0, d1) -> (0, 0)>
#map2 = affine_map<(d0, d1) -> (0, 0, 0, 0, 0)>
module attributes {stable_mosaic.version = 14 : i64} {
  func.func @_gather_body(%arg0: i32, %arg1: i32, %arg2: memref<32x512x50xi32, #tpu.memory_space<hbm>>, %arg3: memref<1000000x32xf32, #tpu.memory_space<hbm>>, %arg4: memref<50x4x128x8x128xf32, #tpu.memory_space<hbm>>, %arg5: memref<512x50xi32, #tpu.memory_space<vmem>>, %arg6: memref<800x32xf32, #tpu.memory_space<vmem>>, %arg7: memref<800x32xf32, #tpu.memory_space<vmem>>, %arg8: memref<50x4x8x17xf32, #tpu.memory_space<vmem>>, %arg9: memref<!tpu.dma_semaphore, #tpu.memory_space<semaphore_mem>>, %arg10: memref<!tpu.dma_semaphore, #tpu.memory_space<semaphore_mem>>, %arg11: memref<!tpu.dma_semaphore, #tpu.memory_space<semaphore_mem>>) attributes {dimension_semantics = [#tpu.dimension_semantics<core_parallel>, #tpu.dimension_semantics<subcore_parallel>], iteration_bounds = array<i64: 2, 16>, scalar_prefetch = 0 : i64, scratch_operands = 7 : i64, tpu.core_type = #tpu.core_type<sc_vector_subcore>, window_params = [{transform_indices = #map}, {transform_indices = #map1}, {transform_indices = #map2}]} {
    %mul3A = arith.constant 2 : i32
    %mul3A_0 = arith.muli %arg1, %mul3A : i32
    %add3A = arith.addi %mul3A_0, %arg0 : i32
    %mul3A_1 = arith.constant 512 : i32
    %mul3A_2 = arith.muli %add3A, %mul3A_1 : i32
    "tpu.region"() ({
      %run_scoped3A = tpu.sem_alloc : memref<!tpu.dma_semaphore, #tpu.memory_space<semaphore_mem>>
      %dma_start3A_266 = arith.constant 0 : i32
      %dma_start3A_267 = arith.constant 0 : i32
      %dma_start3A_268 = tpu.memref_slice %arg2[%add3A, %dma_start3A_266, %dma_start3A_267] : memref<32x512x50xi32, #tpu.memory_space<hbm>> -> memref<1x512x50xi32, #tpu.memory_space<hbm>>
      %dma_start3A_269 = tpu.memref_squeeze %dma_start3A_268 : memref<1x512x50xi32, #tpu.memory_space<hbm>> -> memref<512x50xi32, #tpu.memory_space<hbm>>
      %dma_start3A_270 = arith.constant 0 : i32
      %dma_start3A_271 = arith.constant 0 : i32
      %dma_start3A_272 = tpu.memref_slice %arg2[%add3A, %dma_start3A_270, %dma_start3A_271] : memref<32x512x50xi32, #tpu.memory_space<hbm>> -> memref<1x512x50xi32, #tpu.memory_space<hbm>>
      %dma_start3A_273 = tpu.memref_squeeze %dma_start3A_272 : memref<1x512x50xi32, #tpu.memory_space<hbm>> -> memref<512x50xi32, #tpu.memory_space<hbm>>
      tpu.enqueue_dma source(%dma_start3A_273 : memref<512x50xi32, #tpu.memory_space<hbm>>) target(%arg5 : memref<512x50xi32, #tpu.memory_space<vmem>>) target_semaphore(%run_scoped3A : memref<!tpu.dma_semaphore, #tpu.memory_space<semaphore_mem>>)
      %dma_wait3A_274 = arith.constant 0 : i32
      %dma_wait3A_275 = arith.constant 0 : i32
      %dma_wait3A_276 = tpu.memref_slice %arg2[%add3A, %dma_wait3A_274, %dma_wait3A_275] : memref<32x512x50xi32, #tpu.memory_space<hbm>> -> memref<1x512x50xi32, #tpu.memory_space<hbm>>
      %dma_wait3A_277 = tpu.memref_squeeze %dma_wait3A_276 : memref<1x512x50xi32, #tpu.memory_space<hbm>> -> memref<512x50xi32, #tpu.memory_space<hbm>>
      %dma_wait3A_278 = arith.constant 0 : i32
      %dma_wait3A_279 = arith.constant 0 : i32
      %dma_wait3A_280 = tpu.memref_slice %arg2[%add3A, %dma_wait3A_278, %dma_wait3A_279] : memref<32x512x50xi32, #tpu.memory_space<hbm>> -> memref<1x512x50xi32, #tpu.memory_space<hbm>>
      %dma_wait3A_281 = tpu.memref_squeeze %dma_wait3A_280 : memref<1x512x50xi32, #tpu.memory_space<hbm>> -> memref<512x50xi32, #tpu.memory_space<hbm>>
      tpu.wait_dma2 semaphore(%run_scoped3A : memref<!tpu.dma_semaphore, #tpu.memory_space<semaphore_mem>>) src(%dma_wait3A_281 : memref<512x50xi32, #tpu.memory_space<hbm>>) dst(%arg5 : memref<512x50xi32, #tpu.memory_space<vmem>>)
      tpu.yield
    }) : () -> ()
    %iota3A = tpu.iota {dimensions = array<i32: 0>} : vector<16xi32>
    %jit3A = arith.constant 8 : i32
    %div3A = vector.broadcast %jit3A : i32 to vector<16xi32>
    %div3A_3 = arith.divsi %iota3A, %div3A : vector<16xi32>
    %sign3A = arith.constant 0 : i32
    %sign3A_4 = vector.broadcast %sign3A : i32 to vector<16xi32>
    %sign3A_5 = arith.cmpi sgt, %iota3A, %sign3A_4 : vector<16xi32>
    %sign3A_6 = arith.extui %sign3A_5 : vector<16xi1> to vector<16xi32>
    %sign3A_7 = arith.constant 0 : i32
    %sign3A_8 = vector.broadcast %sign3A_7 : i32 to vector<16xi32>
    %sign3A_9 = arith.cmpi slt, %iota3A, %sign3A_8 : vector<16xi32>
    %sign3A_10 = arith.extui %sign3A_9 : vector<16xi1> to vector<16xi32>
    %sign3A_11 = arith.subi %sign3A_6, %sign3A_10 : vector<16xi32>
    %sign3A_12 = arith.constant 0 : i32
    %sign3A_13 = arith.cmpi sgt, %jit3A, %sign3A_12 : i32
    %sign3A_14 = arith.extui %sign3A_13 : i1 to i32
    %sign3A_15 = arith.constant 0 : i32
    %sign3A_16 = arith.cmpi slt, %jit3A, %sign3A_15 : i32
    %sign3A_17 = arith.extui %sign3A_16 : i1 to i32
    %sign3A_18 = arith.subi %sign3A_14, %sign3A_17 : i32
    %ne3A = vector.broadcast %sign3A_18 : i32 to vector<16xi32>
    %ne3A_19 = arith.cmpi ne, %sign3A_11, %ne3A : vector<16xi32>
    %rem3A = vector.broadcast %jit3A : i32 to vector<16xi32>
    %rem3A_20 = arith.remsi %iota3A, %rem3A : vector<16xi32>
    %ne3A_21 = arith.constant 0 : i32
    %ne3A_22 = vector.broadcast %ne3A_21 : i32 to vector<16xi32>
    %ne3A_23 = arith.cmpi ne, %rem3A_20, %ne3A_22 : vector<16xi32>
    %and3A = arith.andi %ne3A_19, %ne3A_23 : vector<16xi1>
    %sub3A = arith.constant 1 : i32
    %sub3A_24 = vector.broadcast %sub3A : i32 to vector<16xi32>
    %sub3A_25 = arith.subi %div3A_3, %sub3A_24 : vector<16xi32>
    %select_n3A = arith.select %and3A, %sub3A_25, %div3A_3 : vector<16xi1>, vector<16xi32>
    %add3A_26 = arith.constant 2 : i32
    %add3A_27 = vector.broadcast %add3A_26 : i32 to vector<16xi32>
    %add3A_28 = arith.addi %select_n3A, %add3A_27 : vector<16xi32>
    %jit3A_29 = arith.constant 8 : i32
    %eq3A = arith.constant 0 : i32
    %eq3A_30 = arith.cmpi eq, %jit3A_29, %eq3A : i32
    %jit3A_31 = arith.constant 1 : i32
    %select_n3A_32 = arith.select %eq3A_30, %jit3A_31, %jit3A_29 : i32
    %rem3A_33 = vector.broadcast %select_n3A_32 : i32 to vector<16xi32>
    %rem3A_34 = arith.remsi %iota3A, %rem3A_33 : vector<16xi32>
    %ne3A_35 = arith.constant 0 : i32
    %ne3A_36 = vector.broadcast %ne3A_35 : i32 to vector<16xi32>
    %ne3A_37 = arith.cmpi ne, %rem3A_34, %ne3A_36 : vector<16xi32>
    %lt3A = arith.constant 0 : i32
    %lt3A_38 = vector.broadcast %lt3A : i32 to vector<16xi32>
    %lt3A_39 = arith.cmpi slt, %rem3A_34, %lt3A_38 : vector<16xi32>
    %lt3A_40 = arith.constant 0 : i32
    %lt3A_41 = arith.cmpi slt, %select_n3A_32, %lt3A_40 : i32
    %ne3A_42 = vector.broadcast %lt3A_41 : i1 to vector<16xi1>
    %ne3A_43 = vector.broadcast %ne3A_42 : vector<16xi1> to vector<16xi1>
    %ne3A_44 = arith.xori %lt3A_39, %ne3A_43 : vector<16xi1>
    %and3A_45 = arith.andi %ne3A_44, %ne3A_37 : vector<16xi1>
    %add3A_46 = vector.broadcast %select_n3A_32 : i32 to vector<16xi32>
    %add3A_47 = arith.addi %rem3A_34, %add3A_46 : vector<16xi32>
    %select_n3A_48 = arith.select %and3A_45, %add3A_47, %rem3A_34 : vector<16xi1>, vector<16xi32>
    %broadcast_in_dim3A = arith.constant 0 : i32
    %broadcast_in_dim3A_49 = vector.broadcast %broadcast_in_dim3A : i32 to vector<16xi32>
    %broadcast_in_dim3A_50 = arith.constant 1 : i32
    %broadcast_in_dim3A_51 = vector.broadcast %broadcast_in_dim3A_50 : i32 to vector<16xi32>
    %broadcast_in_dim3A_52 = arith.constant 2 : i32
    %broadcast_in_dim3A_53 = vector.broadcast %broadcast_in_dim3A_52 : i32 to vector<16xi32>
    %broadcast_in_dim3A_54 = arith.constant 3 : i32
    %broadcast_in_dim3A_55 = vector.broadcast %broadcast_in_dim3A_54 : i32 to vector<16xi32>
    %broadcast_in_dim3A_56 = arith.constant 4 : i32
    %broadcast_in_dim3A_57 = vector.broadcast %broadcast_in_dim3A_56 : i32 to vector<16xi32>
    %broadcast_in_dim3A_58 = arith.constant 5 : i32
    %broadcast_in_dim3A_59 = vector.broadcast %broadcast_in_dim3A_58 : i32 to vector<16xi32>
    %broadcast_in_dim3A_60 = arith.constant 6 : i32
    %broadcast_in_dim3A_61 = vector.broadcast %broadcast_in_dim3A_60 : i32 to vector<16xi32>
    %broadcast_in_dim3A_62 = arith.constant 7 : i32
    %broadcast_in_dim3A_63 = vector.broadcast %broadcast_in_dim3A_62 : i32 to vector<16xi32>
    %broadcast_in_dim3A_64 = arith.constant 8 : i32
    %broadcast_in_dim3A_65 = vector.broadcast %broadcast_in_dim3A_64 : i32 to vector<16xi32>
    %broadcast_in_dim3A_66 = arith.constant 9 : i32
    %broadcast_in_dim3A_67 = vector.broadcast %broadcast_in_dim3A_66 : i32 to vector<16xi32>
    %broadcast_in_dim3A_68 = arith.constant 10 : i32
    %broadcast_in_dim3A_69 = vector.broadcast %broadcast_in_dim3A_68 : i32 to vector<16xi32>
    %broadcast_in_dim3A_70 = arith.constant 11 : i32
    %broadcast_in_dim3A_71 = vector.broadcast %broadcast_in_dim3A_70 : i32 to vector<16xi32>
    %broadcast_in_dim3A_72 = arith.constant 12 : i32
    %broadcast_in_dim3A_73 = vector.broadcast %broadcast_in_dim3A_72 : i32 to vector<16xi32>
    %broadcast_in_dim3A_74 = arith.constant 13 : i32
    %broadcast_in_dim3A_75 = vector.broadcast %broadcast_in_dim3A_74 : i32 to vector<16xi32>
    %broadcast_in_dim3A_76 = arith.constant 14 : i32
    %broadcast_in_dim3A_77 = vector.broadcast %broadcast_in_dim3A_76 : i32 to vector<16xi32>
    %broadcast_in_dim3A_78 = arith.constant 15 : i32
    %broadcast_in_dim3A_79 = vector.broadcast %broadcast_in_dim3A_78 : i32 to vector<16xi32>
    %dma_start3A = arith.constant 0 : i32
    %dma_start3A_80 = arith.constant 0 : i32
    %dma_start3A_81 = arith.constant 0 : i32
    %dma_start3A_82 = tpu.memref_slice %arg6[%dma_start3A_80, %dma_start3A_81] : memref<800x32xf32, #tpu.memory_space<vmem>> -> memref<50x32xf32, #tpu.memory_space<vmem>>
    %dma_start3A_83 = arith.constant 0 : i32
    %dma_start3A_84 = tpu.memref_slice %arg5[%dma_start3A, %dma_start3A_83] : memref<512x50xi32, #tpu.memory_space<vmem>> -> memref<1x50xi32, #tpu.memory_space<vmem>>
    %dma_start3A_85 = tpu.memref_squeeze %dma_start3A_84 : memref<1x50xi32, #tpu.memory_space<vmem>> -> memref<50xi32, #tpu.memory_space<vmem>>
    %dma_start3A_86 = arith.constant 0 : i32
    %dma_start3A_87 = arith.constant 0 : i32
    %dma_start3A_88 = tpu.memref_slice %arg3[%dma_start3A_86, %dma_start3A_87] : memref<1000000x32xf32, #tpu.memory_space<hbm>> -> memref<1000000x32xf32, #tpu.memory_space<hbm>>
    tpu.enqueue_indirect_dma source(%dma_start3A_88 : memref<1000000x32xf32, #tpu.memory_space<hbm>>) target(%dma_start3A_82 : memref<50x32xf32, #tpu.memory_space<vmem>>) offsets(%dma_start3A_85 : memref<50xi32, #tpu.memory_space<vmem>>) semaphore(%arg9 : memref<!tpu.dma_semaphore, #tpu.memory_space<semaphore_mem>>)
    %dma_start3A_89 = arith.constant 1 : i32
    %dma_start3A_90 = arith.constant 50 : i32
    %dma_start3A_91 = arith.constant 0 : i32
    %dma_start3A_92 = tpu.memref_slice %arg6[%dma_start3A_90, %dma_start3A_91] : memref<800x32xf32, #tpu.memory_space<vmem>> -> memref<50x32xf32, #tpu.memory_space<vmem>>
    %dma_start3A_93 = arith.constant 0 : i32
    %dma_start3A_94 = tpu.memref_slice %arg5[%dma_start3A_89, %dma_start3A_93] : memref<512x50xi32, #tpu.memory_space<vmem>> -> memref<1x50xi32, #tpu.memory_space<vmem>>
    %dma_start3A_95 = tpu.memref_squeeze %dma_start3A_94 : memref<1x50xi32, #tpu.memory_space<vmem>> -> memref<50xi32, #tpu.memory_space<vmem>>
    %dma_start3A_96 = arith.constant 0 : i32
    %dma_start3A_97 = arith.constant 0 : i32
    %dma_start3A_98 = tpu.memref_slice %arg3[%dma_start3A_96, %dma_start3A_97] : memref<1000000x32xf32, #tpu.memory_space<hbm>> -> memref<1000000x32xf32, #tpu.memory_space<hbm>>
    tpu.enqueue_indirect_dma source(%dma_start3A_98 : memref<1000000x32xf32, #tpu.memory_space<hbm>>) target(%dma_start3A_92 : memref<50x32xf32, #tpu.memory_space<vmem>>) offsets(%dma_start3A_95 : memref<50xi32, #tpu.memory_space<vmem>>) semaphore(%arg9 : memref<!tpu.dma_semaphore, #tpu.memory_space<semaphore_mem>>)
    %dma_start3A_99 = arith.constant 2 : i32
    %dma_start3A_100 = arith.constant 100 : i32
    %dma_start3A_101 = arith.constant 0 : i32
    %dma_start3A_102 = tpu.memref_slice %arg6[%dma_start3A_100, %dma_start3A_101] : memref<800x32xf32, #tpu.memory_space<vmem>> -> memref<50x32xf32, #tpu.memory_space<vmem>>
    %dma_start3A_103 = arith.constant 0 : i32
    %dma_start3A_104 = tpu.memref_slice %arg5[%dma_start3A_99, %dma_start3A_103] : memref<512x50xi32, #tpu.memory_space<vmem>> -> memref<1x50xi32, #tpu.memory_space<vmem>>
    %dma_start3A_105 = tpu.memref_squeeze %dma_start3A_104 : memref<1x50xi32, #tpu.memory_space<vmem>> -> memref<50xi32, #tpu.memory_space<vmem>>
    %dma_start3A_106 = arith.constant 0 : i32
    %dma_start3A_107 = arith.constant 0 : i32
    %dma_start3A_108 = tpu.memref_slice %arg3[%dma_start3A_106, %dma_start3A_107] : memref<1000000x32xf32, #tpu.memory_space<hbm>> -> memref<1000000x32xf32, #tpu.memory_space<hbm>>
    tpu.enqueue_indirect_dma source(%dma_start3A_108 : memref<1000000x32xf32, #tpu.memory_space<hbm>>) target(%dma_start3A_102 : memref<50x32xf32, #tpu.memory_space<vmem>>) offsets(%dma_start3A_105 : memref<50xi32, #tpu.memory_space<vmem>>) semaphore(%arg9 : memref<!tpu.dma_semaphore, #tpu.memory_space<semaphore_mem>>)
    %dma_start3A_109 = arith.constant 3 : i32
    %dma_start3A_110 = arith.constant 150 : i32
    %dma_start3A_111 = arith.constant 0 : i32
    %dma_start3A_112 = tpu.memref_slice %arg6[%dma_start3A_110, %dma_start3A_111] : memref<800x32xf32, #tpu.memory_space<vmem>> -> memref<50x32xf32, #tpu.memory_space<vmem>>
    %dma_start3A_113 = arith.constant 0 : i32
    %dma_start3A_114 = tpu.memref_slice %arg5[%dma_start3A_109, %dma_start3A_113] : memref<512x50xi32, #tpu.memory_space<vmem>> -> memref<1x50xi32, #tpu.memory_space<vmem>>
    %dma_start3A_115 = tpu.memref_squeeze %dma_start3A_114 : memref<1x50xi32, #tpu.memory_space<vmem>> -> memref<50xi32, #tpu.memory_space<vmem>>
    %dma_start3A_116 = arith.constant 0 : i32
    %dma_start3A_117 = arith.constant 0 : i32
    %dma_start3A_118 = tpu.memref_slice %arg3[%dma_start3A_116, %dma_start3A_117] : memref<1000000x32xf32, #tpu.memory_space<hbm>> -> memref<1000000x32xf32, #tpu.memory_space<hbm>>
    tpu.enqueue_indirect_dma source(%dma_start3A_118 : memref<1000000x32xf32, #tpu.memory_space<hbm>>) target(%dma_start3A_112 : memref<50x32xf32, #tpu.memory_space<vmem>>) offsets(%dma_start3A_115 : memref<50xi32, #tpu.memory_space<vmem>>) semaphore(%arg9 : memref<!tpu.dma_semaphore, #tpu.memory_space<semaphore_mem>>)
    %dma_start3A_119 = arith.constant 4 : i32
    %dma_start3A_120 = arith.constant 200 : i32
    %dma_start3A_121 = arith.constant 0 : i32
    %dma_start3A_122 = tpu.memref_slice %arg6[%dma_start3A_120, %dma_start3A_121] : memref<800x32xf32, #tpu.memory_space<vmem>> -> memref<50x32xf32, #tpu.memory_space<vmem>>
    %dma_start3A_123 = arith.constant 0 : i32
    %dma_start3A_124 = tpu.memref_slice %arg5[%dma_start3A_119, %dma_start3A_123] : memref<512x50xi32, #tpu.memory_space<vmem>> -> memref<1x50xi32, #tpu.memory_space<vmem>>
    %dma_start3A_125 = tpu.memref_squeeze %dma_start3A_124 : memref<1x50xi32, #tpu.memory_space<vmem>> -> memref<50xi32, #tpu.memory_space<vmem>>
    %dma_start3A_126 = arith.constant 0 : i32
    %dma_start3A_127 = arith.constant 0 : i32
    %dma_start3A_128 = tpu.memref_slice %arg3[%dma_start3A_126, %dma_start3A_127] : memref<1000000x32xf32, #tpu.memory_space<hbm>> -> memref<1000000x32xf32, #tpu.memory_space<hbm>>
    tpu.enqueue_indirect_dma source(%dma_start3A_128 : memref<1000000x32xf32, #tpu.memory_space<hbm>>) target(%dma_start3A_122 : memref<50x32xf32, #tpu.memory_space<vmem>>) offsets(%dma_start3A_125 : memref<50xi32, #tpu.memory_space<vmem>>) semaphore(%arg9 : memref<!tpu.dma_semaphore, #tpu.memory_space<semaphore_mem>>)
    %dma_start3A_129 = arith.constant 5 : i32
    %dma_start3A_130 = arith.constant 250 : i32
    %dma_start3A_131 = arith.constant 0 : i32
    %dma_start3A_132 = tpu.memref_slice %arg6[%dma_start3A_130, %dma_start3A_131] : memref<800x32xf32, #tpu.memory_space<vmem>> -> memref<50x32xf32, #tpu.memory_space<vmem>>
    %dma_start3A_133 = arith.constant 0 : i32
    %dma_start3A_134 = tpu.memref_slice %arg5[%dma_start3A_129, %dma_start3A_133] : memref<512x50xi32, #tpu.memory_space<vmem>> -> memref<1x50xi32, #tpu.memory_space<vmem>>
    %dma_start3A_135 = tpu.memref_squeeze %dma_start3A_134 : memref<1x50xi32, #tpu.memory_space<vmem>> -> memref<50xi32, #tpu.memory_space<vmem>>
    %dma_start3A_136 = arith.constant 0 : i32
    %dma_start3A_137 = arith.constant 0 : i32
    %dma_start3A_138 = tpu.memref_slice %arg3[%dma_start3A_136, %dma_start3A_137] : memref<1000000x32xf32, #tpu.memory_space<hbm>> -> memref<1000000x32xf32, #tpu.memory_space<hbm>>
    tpu.enqueue_indirect_dma source(%dma_start3A_138 : memref<1000000x32xf32, #tpu.memory_space<hbm>>) target(%dma_start3A_132 : memref<50x32xf32, #tpu.memory_space<vmem>>) offsets(%dma_start3A_135 : memref<50xi32, #tpu.memory_space<vmem>>) semaphore(%arg9 : memref<!tpu.dma_semaphore, #tpu.memory_space<semaphore_mem>>)
    %dma_start3A_139 = arith.constant 6 : i32
    %dma_start3A_140 = arith.constant 300 : i32
    %dma_start3A_141 = arith.constant 0 : i32
    %dma_start3A_142 = tpu.memref_slice %arg6[%dma_start3A_140, %dma_start3A_141] : memref<800x32xf32, #tpu.memory_space<vmem>> -> memref<50x32xf32, #tpu.memory_space<vmem>>
    %dma_start3A_143 = arith.constant 0 : i32
    %dma_start3A_144 = tpu.memref_slice %arg5[%dma_start3A_139, %dma_start3A_143] : memref<512x50xi32, #tpu.memory_space<vmem>> -> memref<1x50xi32, #tpu.memory_space<vmem>>
    %dma_start3A_145 = tpu.memref_squeeze %dma_start3A_144 : memref<1x50xi32, #tpu.memory_space<vmem>> -> memref<50xi32, #tpu.memory_space<vmem>>
    %dma_start3A_146 = arith.constant 0 : i32
    %dma_start3A_147 = arith.constant 0 : i32
    %dma_start3A_148 = tpu.memref_slice %arg3[%dma_start3A_146, %dma_start3A_147] : memref<1000000x32xf32, #tpu.memory_space<hbm>> -> memref<1000000x32xf32, #tpu.memory_space<hbm>>
    tpu.enqueue_indirect_dma source(%dma_start3A_148 : memref<1000000x32xf32, #tpu.memory_space<hbm>>) target(%dma_start3A_142 : memref<50x32xf32, #tpu.memory_space<vmem>>) offsets(%dma_start3A_145 : memref<50xi32, #tpu.memory_space<vmem>>) semaphore(%arg9 : memref<!tpu.dma_semaphore, #tpu.memory_space<semaphore_mem>>)
    %dma_start3A_149 = arith.constant 7 : i32
    %dma_start3A_150 = arith.constant 350 : i32
    %dma_start3A_151 = arith.constant 0 : i32
    %dma_start3A_152 = tpu.memref_slice %arg6[%dma_start3A_150, %dma_start3A_151] : memref<800x32xf32, #tpu.memory_space<vmem>> -> memref<50x32xf32, #tpu.memory_space<vmem>>
    %dma_start3A_153 = arith.constant 0 : i32
    %dma_start3A_154 = tpu.memref_slice %arg5[%dma_start3A_149, %dma_start3A_153] : memref<512x50xi32, #tpu.memory_space<vmem>> -> memref<1x50xi32, #tpu.memory_space<vmem>>
    %dma_start3A_155 = tpu.memref_squeeze %dma_start3A_154 : memref<1x50xi32, #tpu.memory_space<vmem>> -> memref<50xi32, #tpu.memory_space<vmem>>
    %dma_start3A_156 = arith.constant 0 : i32
    %dma_start3A_157 = arith.constant 0 : i32
    %dma_start3A_158 = tpu.memref_slice %arg3[%dma_start3A_156, %dma_start3A_157] : memref<1000000x32xf32, #tpu.memory_space<hbm>> -> memref<1000000x32xf32, #tpu.memory_space<hbm>>
    tpu.enqueue_indirect_dma source(%dma_start3A_158 : memref<1000000x32xf32, #tpu.memory_space<hbm>>) target(%dma_start3A_152 : memref<50x32xf32, #tpu.memory_space<vmem>>) offsets(%dma_start3A_155 : memref<50xi32, #tpu.memory_space<vmem>>) semaphore(%arg9 : memref<!tpu.dma_semaphore, #tpu.memory_space<semaphore_mem>>)
    %dma_start3A_159 = arith.constant 8 : i32
    %dma_start3A_160 = arith.constant 400 : i32
    %dma_start3A_161 = arith.constant 0 : i32
    %dma_start3A_162 = tpu.memref_slice %arg6[%dma_start3A_160, %dma_start3A_161] : memref<800x32xf32, #tpu.memory_space<vmem>> -> memref<50x32xf32, #tpu.memory_space<vmem>>
    %dma_start3A_163 = arith.constant 0 : i32
    %dma_start3A_164 = tpu.memref_slice %arg5[%dma_start3A_159, %dma_start3A_163] : memref<512x50xi32, #tpu.memory_space<vmem>> -> memref<1x50xi32, #tpu.memory_space<vmem>>
    %dma_start3A_165 = tpu.memref_squeeze %dma_start3A_164 : memref<1x50xi32, #tpu.memory_space<vmem>> -> memref<50xi32, #tpu.memory_space<vmem>>
    %dma_start3A_166 = arith.constant 0 : i32
    %dma_start3A_167 = arith.constant 0 : i32
    %dma_start3A_168 = tpu.memref_slice %arg3[%dma_start3A_166, %dma_start3A_167] : memref<1000000x32xf32, #tpu.memory_space<hbm>> -> memref<1000000x32xf32, #tpu.memory_space<hbm>>
    tpu.enqueue_indirect_dma source(%dma_start3A_168 : memref<1000000x32xf32, #tpu.memory_space<hbm>>) target(%dma_start3A_162 : memref<50x32xf32, #tpu.memory_space<vmem>>) offsets(%dma_start3A_165 : memref<50xi32, #tpu.memory_space<vmem>>) semaphore(%arg9 : memref<!tpu.dma_semaphore, #tpu.memory_space<semaphore_mem>>)
    %dma_start3A_169 = arith.constant 9 : i32
    %dma_start3A_170 = arith.constant 450 : i32
    %dma_start3A_171 = arith.constant 0 : i32
    %dma_start3A_172 = tpu.memref_slice %arg6[%dma_start3A_170, %dma_start3A_171] : memref<800x32xf32, #tpu.memory_space<vmem>> -> memref<50x32xf32, #tpu.memory_space<vmem>>
    %dma_start3A_173 = arith.constant 0 : i32
    %dma_start3A_174 = tpu.memref_slice %arg5[%dma_start3A_169, %dma_start3A_173] : memref<512x50xi32, #tpu.memory_space<vmem>> -> memref<1x50xi32, #tpu.memory_space<vmem>>
    %dma_start3A_175 = tpu.memref_squeeze %dma_start3A_174 : memref<1x50xi32, #tpu.memory_space<vmem>> -> memref<50xi32, #tpu.memory_space<vmem>>
    %dma_start3A_176 = arith.constant 0 : i32
    %dma_start3A_177 = arith.constant 0 : i32
    %dma_start3A_178 = tpu.memref_slice %arg3[%dma_start3A_176, %dma_start3A_177] : memref<1000000x32xf32, #tpu.memory_space<hbm>> -> memref<1000000x32xf32, #tpu.memory_space<hbm>>
    tpu.enqueue_indirect_dma source(%dma_start3A_178 : memref<1000000x32xf32, #tpu.memory_space<hbm>>) target(%dma_start3A_172 : memref<50x32xf32, #tpu.memory_space<vmem>>) offsets(%dma_start3A_175 : memref<50xi32, #tpu.memory_space<vmem>>) semaphore(%arg9 : memref<!tpu.dma_semaphore, #tpu.memory_space<semaphore_mem>>)
    %dma_start3A_179 = arith.constant 10 : i32
    %dma_start3A_180 = arith.constant 500 : i32
    %dma_start3A_181 = arith.constant 0 : i32
    %dma_start3A_182 = tpu.memref_slice %arg6[%dma_start3A_180, %dma_start3A_181] : memref<800x32xf32, #tpu.memory_space<vmem>> -> memref<50x32xf32, #tpu.memory_space<vmem>>
    %dma_start3A_183 = arith.constant 0 : i32
    %dma_start3A_184 = tpu.memref_slice %arg5[%dma_start3A_179, %dma_start3A_183] : memref<512x50xi32, #tpu.memory_space<vmem>> -> memref<1x50xi32, #tpu.memory_space<vmem>>
    %dma_start3A_185 = tpu.memref_squeeze %dma_start3A_184 : memref<1x50xi32, #tpu.memory_space<vmem>> -> memref<50xi32, #tpu.memory_space<vmem>>
    %dma_start3A_186 = arith.constant 0 : i32
    %dma_start3A_187 = arith.constant 0 : i32
    %dma_start3A_188 = tpu.memref_slice %arg3[%dma_start3A_186, %dma_start3A_187] : memref<1000000x32xf32, #tpu.memory_space<hbm>> -> memref<1000000x32xf32, #tpu.memory_space<hbm>>
    tpu.enqueue_indirect_dma source(%dma_start3A_188 : memref<1000000x32xf32, #tpu.memory_space<hbm>>) target(%dma_start3A_182 : memref<50x32xf32, #tpu.memory_space<vmem>>) offsets(%dma_start3A_185 : memref<50xi32, #tpu.memory_space<vmem>>) semaphore(%arg9 : memref<!tpu.dma_semaphore, #tpu.memory_space<semaphore_mem>>)
    %dma_start3A_189 = arith.constant 11 : i32
    %dma_start3A_190 = arith.constant 550 : i32
    %dma_start3A_191 = arith.constant 0 : i32
    %dma_start3A_192 = tpu.memref_slice %arg6[%dma_start3A_190, %dma_start3A_191] : memref<800x32xf32, #tpu.memory_space<vmem>> -> memref<50x32xf32, #tpu.memory_space<vmem>>
    %dma_start3A_193 = arith.constant 0 : i32
    %dma_start3A_194 = tpu.memref_slice %arg5[%dma_start3A_189, %dma_start3A_193] : memref<512x50xi32, #tpu.memory_space<vmem>> -> memref<1x50xi32, #tpu.memory_space<vmem>>
    %dma_start3A_195 = tpu.memref_squeeze %dma_start3A_194 : memref<1x50xi32, #tpu.memory_space<vmem>> -> memref<50xi32, #tpu.memory_space<vmem>>
    %dma_start3A_196 = arith.constant 0 : i32
    %dma_start3A_197 = arith.constant 0 : i32
    %dma_start3A_198 = tpu.memref_slice %arg3[%dma_start3A_196, %dma_start3A_197] : memref<1000000x32xf32, #tpu.memory_space<hbm>> -> memref<1000000x32xf32, #tpu.memory_space<hbm>>
    tpu.enqueue_indirect_dma source(%dma_start3A_198 : memref<1000000x32xf32, #tpu.memory_space<hbm>>) target(%dma_start3A_192 : memref<50x32xf32, #tpu.memory_space<vmem>>) offsets(%dma_start3A_195 : memref<50xi32, #tpu.memory_space<vmem>>) semaphore(%arg9 : memref<!tpu.dma_semaphore, #tpu.memory_space<semaphore_mem>>)
    %dma_start3A_199 = arith.constant 12 : i32
    %dma_start3A_200 = arith.constant 600 : i32
    %dma_start3A_201 = arith.constant 0 : i32
    %dma_start3A_202 = tpu.memref_slice %arg6[%dma_start3A_200, %dma_start3A_201] : memref<800x32xf32, #tpu.memory_space<vmem>> -> memref<50x32xf32, #tpu.memory_space<vmem>>
    %dma_start3A_203 = arith.constant 0 : i32
    %dma_start3A_204 = tpu.memref_slice %arg5[%dma_start3A_199, %dma_start3A_203] : memref<512x50xi32, #tpu.memory_space<vmem>> -> memref<1x50xi32, #tpu.memory_space<vmem>>
    %dma_start3A_205 = tpu.memref_squeeze %dma_start3A_204 : memref<1x50xi32, #tpu.memory_space<vmem>> -> memref<50xi32, #tpu.memory_space<vmem>>
    %dma_start3A_206 = arith.constant 0 : i32
    %dma_start3A_207 = arith.constant 0 : i32
    %dma_start3A_208 = tpu.memref_slice %arg3[%dma_start3A_206, %dma_start3A_207] : memref<1000000x32xf32, #tpu.memory_space<hbm>> -> memref<1000000x32xf32, #tpu.memory_space<hbm>>
    tpu.enqueue_indirect_dma source(%dma_start3A_208 : memref<1000000x32xf32, #tpu.memory_space<hbm>>) target(%dma_start3A_202 : memref<50x32xf32, #tpu.memory_space<vmem>>) offsets(%dma_start3A_205 : memref<50xi32, #tpu.memory_space<vmem>>) semaphore(%arg9 : memref<!tpu.dma_semaphore, #tpu.memory_space<semaphore_mem>>)
    %dma_start3A_209 = arith.constant 13 : i32
    %dma_start3A_210 = arith.constant 650 : i32
    %dma_start3A_211 = arith.constant 0 : i32
    %dma_start3A_212 = tpu.memref_slice %arg6[%dma_start3A_210, %dma_start3A_211] : memref<800x32xf32, #tpu.memory_space<vmem>> -> memref<50x32xf32, #tpu.memory_space<vmem>>
    %dma_start3A_213 = arith.constant 0 : i32
    %dma_start3A_214 = tpu.memref_slice %arg5[%dma_start3A_209, %dma_start3A_213] : memref<512x50xi32, #tpu.memory_space<vmem>> -> memref<1x50xi32, #tpu.memory_space<vmem>>
    %dma_start3A_215 = tpu.memref_squeeze %dma_start3A_214 : memref<1x50xi32, #tpu.memory_space<vmem>> -> memref<50xi32, #tpu.memory_space<vmem>>
    %dma_start3A_216 = arith.constant 0 : i32
    %dma_start3A_217 = arith.constant 0 : i32
    %dma_start3A_218 = tpu.memref_slice %arg3[%dma_start3A_216, %dma_start3A_217] : memref<1000000x32xf32, #tpu.memory_space<hbm>> -> memref<1000000x32xf32, #tpu.memory_space<hbm>>
    tpu.enqueue_indirect_dma source(%dma_start3A_218 : memref<1000000x32xf32, #tpu.memory_space<hbm>>) target(%dma_start3A_212 : memref<50x32xf32, #tpu.memory_space<vmem>>) offsets(%dma_start3A_215 : memref<50xi32, #tpu.memory_space<vmem>>) semaphore(%arg9 : memref<!tpu.dma_semaphore, #tpu.memory_space<semaphore_mem>>)
    %dma_start3A_219 = arith.constant 14 : i32
    %dma_start3A_220 = arith.constant 700 : i32
    %dma_start3A_221 = arith.constant 0 : i32
    %dma_start3A_222 = tpu.memref_slice %arg6[%dma_start3A_220, %dma_start3A_221] : memref<800x32xf32, #tpu.memory_space<vmem>> -> memref<50x32xf32, #tpu.memory_space<vmem>>
    %dma_start3A_223 = arith.constant 0 : i32
    %dma_start3A_224 = tpu.memref_slice %arg5[%dma_start3A_219, %dma_start3A_223] : memref<512x50xi32, #tpu.memory_space<vmem>> -> memref<1x50xi32, #tpu.memory_space<vmem>>
    %dma_start3A_225 = tpu.memref_squeeze %dma_start3A_224 : memref<1x50xi32, #tpu.memory_space<vmem>> -> memref<50xi32, #tpu.memory_space<vmem>>
    %dma_start3A_226 = arith.constant 0 : i32
    %dma_start3A_227 = arith.constant 0 : i32
    %dma_start3A_228 = tpu.memref_slice %arg3[%dma_start3A_226, %dma_start3A_227] : memref<1000000x32xf32, #tpu.memory_space<hbm>> -> memref<1000000x32xf32, #tpu.memory_space<hbm>>
    tpu.enqueue_indirect_dma source(%dma_start3A_228 : memref<1000000x32xf32, #tpu.memory_space<hbm>>) target(%dma_start3A_222 : memref<50x32xf32, #tpu.memory_space<vmem>>) offsets(%dma_start3A_225 : memref<50xi32, #tpu.memory_space<vmem>>) semaphore(%arg9 : memref<!tpu.dma_semaphore, #tpu.memory_space<semaphore_mem>>)
    %dma_start3A_229 = arith.constant 15 : i32
    %dma_start3A_230 = arith.constant 750 : i32
    %dma_start3A_231 = arith.constant 0 : i32
    %dma_start3A_232 = tpu.memref_slice %arg6[%dma_start3A_230, %dma_start3A_231] : memref<800x32xf32, #tpu.memory_space<vmem>> -> memref<50x32xf32, #tpu.memory_space<vmem>>
    %dma_start3A_233 = arith.constant 0 : i32
    %dma_start3A_234 = tpu.memref_slice %arg5[%dma_start3A_229, %dma_start3A_233] : memref<512x50xi32, #tpu.memory_space<vmem>> -> memref<1x50xi32, #tpu.memory_space<vmem>>
    %dma_start3A_235 = tpu.memref_squeeze %dma_start3A_234 : memref<1x50xi32, #tpu.memory_space<vmem>> -> memref<50xi32, #tpu.memory_space<vmem>>
    %dma_start3A_236 = arith.constant 0 : i32
    %dma_start3A_237 = arith.constant 0 : i32
    %dma_start3A_238 = tpu.memref_slice %arg3[%dma_start3A_236, %dma_start3A_237] : memref<1000000x32xf32, #tpu.memory_space<hbm>> -> memref<1000000x32xf32, #tpu.memory_space<hbm>>
    tpu.enqueue_indirect_dma source(%dma_start3A_238 : memref<1000000x32xf32, #tpu.memory_space<hbm>>) target(%dma_start3A_232 : memref<50x32xf32, #tpu.memory_space<vmem>>) offsets(%dma_start3A_235 : memref<50xi32, #tpu.memory_space<vmem>>) semaphore(%arg9 : memref<!tpu.dma_semaphore, #tpu.memory_space<semaphore_mem>>)
    %scan3A = arith.constant 0 : i32
    %scan3A_239 = arith.constant 0 : i32
    %scan3A_240 = arith.constant 16 : i32
    %scan3A_241 = arith.addi %scan3A_239, %scan3A_240 : i32
    %scan3A_242 = arith.constant 1 : i32
    scf.for %scan3A_266 = %scan3A_239 to %scan3A_241 step %scan3A_242  : i32 {
      %mul3A_267 = arith.constant 2 : i32
      %mul3A_268 = arith.muli %mul3A_267, %scan3A_266 : i32
      %add3A_269 = arith.constant 0 : i32
      %add3A_270 = arith.addi %mul3A_268, %add3A_269 : i32
      %dma_wait3A_271 = arith.constant 0 : i32
      %dma_wait3A_272 = arith.constant 0 : i32
      %dma_wait3A_273 = tpu.memref_slice %arg3[%dma_wait3A_271, %dma_wait3A_272] : memref<1000000x32xf32, #tpu.memory_space<hbm>> -> memref<800x32xf32, #tpu.memory_space<hbm>>
      %dma_wait3A_274 = arith.constant 0 : i32
      %dma_wait3A_275 = arith.constant 0 : i32
      %dma_wait3A_276 = tpu.memref_slice %arg3[%dma_wait3A_274, %dma_wait3A_275] : memref<1000000x32xf32, #tpu.memory_space<hbm>> -> memref<800x32xf32, #tpu.memory_space<hbm>>
      tpu.wait_dma2 semaphore(%arg9 : memref<!tpu.dma_semaphore, #tpu.memory_space<semaphore_mem>>) src(%dma_wait3A_276 : memref<800x32xf32, #tpu.memory_space<hbm>>) dst(%arg6 : memref<800x32xf32, #tpu.memory_space<vmem>>)
      %add3A_277 = arith.constant 1 : i32
      %add3A_278 = arith.addi %add3A_270, %add3A_277 : i32
      %lt3A_279 = arith.constant 32 : i32
      %lt3A_280 = arith.cmpi slt, %add3A_278, %lt3A_279 : i32
      %convert_element_type3A = arith.extui %lt3A_280 : i1 to i32
      %cond3A = arith.constant 0 : i32
      %cond3A_281 = arith.cmpi ne, %convert_element_type3A, %cond3A : i32
      scf.if %cond3A_281 {
        %add3A_446 = arith.constant 1 : i32
        %add3A_447 = arith.addi %add3A_270, %add3A_446 : i32
        %mul3A_448 = arith.constant 16 : i32
        %mul3A_449 = arith.muli %add3A_447, %mul3A_448 : i32
        %add3A_450 = arith.constant 0 : i32
        %add3A_451 = arith.addi %mul3A_449, %add3A_450 : i32
        %dma_start3A_452 = arith.constant 0 : i32
        %dma_start3A_453 = arith.constant 0 : i32
        %dma_start3A_454 = tpu.memref_slice %arg7[%dma_start3A_452, %dma_start3A_453] : memref<800x32xf32, #tpu.memory_space<vmem>> -> memref<50x32xf32, #tpu.memory_space<vmem>>
        %dma_start3A_455 = arith.constant 0 : i32
        %dma_start3A_456 = tpu.memref_slice %arg5[%add3A_451, %dma_start3A_455] : memref<512x50xi32, #tpu.memory_space<vmem>> -> memref<1x50xi32, #tpu.memory_space<vmem>>
        %dma_start3A_457 = tpu.memref_squeeze %dma_start3A_456 : memref<1x50xi32, #tpu.memory_space<vmem>> -> memref<50xi32, #tpu.memory_space<vmem>>
        %dma_start3A_458 = arith.constant 0 : i32
        %dma_start3A_459 = arith.constant 0 : i32
        %dma_start3A_460 = tpu.memref_slice %arg3[%dma_start3A_458, %dma_start3A_459] : memref<1000000x32xf32, #tpu.memory_space<hbm>> -> memref<1000000x32xf32, #tpu.memory_space<hbm>>
        tpu.enqueue_indirect_dma source(%dma_start3A_460 : memref<1000000x32xf32, #tpu.memory_space<hbm>>) target(%dma_start3A_454 : memref<50x32xf32, #tpu.memory_space<vmem>>) offsets(%dma_start3A_457 : memref<50xi32, #tpu.memory_space<vmem>>) semaphore(%arg10 : memref<!tpu.dma_semaphore, #tpu.memory_space<semaphore_mem>>)
        %mul3A_461 = arith.constant 16 : i32
        %mul3A_462 = arith.muli %add3A_447, %mul3A_461 : i32
        %add3A_463 = arith.constant 1 : i32
        %add3A_464 = arith.addi %mul3A_462, %add3A_463 : i32
        %dma_start3A_465 = arith.constant 50 : i32
        %dma_start3A_466 = arith.constant 0 : i32
        %dma_start3A_467 = tpu.memref_slice %arg7[%dma_start3A_465, %dma_start3A_466] : memref<800x32xf32, #tpu.memory_space<vmem>> -> memref<50x32xf32, #tpu.memory_space<vmem>>
        %dma_start3A_468 = arith.constant 0 : i32
        %dma_start3A_469 = tpu.memref_slice %arg5[%add3A_464, %dma_start3A_468] : memref<512x50xi32, #tpu.memory_space<vmem>> -> memref<1x50xi32, #tpu.memory_space<vmem>>
        %dma_start3A_470 = tpu.memref_squeeze %dma_start3A_469 : memref<1x50xi32, #tpu.memory_space<vmem>> -> memref<50xi32, #tpu.memory_space<vmem>>
        %dma_start3A_471 = arith.constant 0 : i32
        %dma_start3A_472 = arith.constant 0 : i32
        %dma_start3A_473 = tpu.memref_slice %arg3[%dma_start3A_471, %dma_start3A_472] : memref<1000000x32xf32, #tpu.memory_space<hbm>> -> memref<1000000x32xf32, #tpu.memory_space<hbm>>
        tpu.enqueue_indirect_dma source(%dma_start3A_473 : memref<1000000x32xf32, #tpu.memory_space<hbm>>) target(%dma_start3A_467 : memref<50x32xf32, #tpu.memory_space<vmem>>) offsets(%dma_start3A_470 : memref<50xi32, #tpu.memory_space<vmem>>) semaphore(%arg10 : memref<!tpu.dma_semaphore, #tpu.memory_space<semaphore_mem>>)
        %mul3A_474 = arith.constant 16 : i32
        %mul3A_475 = arith.muli %add3A_447, %mul3A_474 : i32
        %add3A_476 = arith.constant 2 : i32
        %add3A_477 = arith.addi %mul3A_475, %add3A_476 : i32
        %dma_start3A_478 = arith.constant 100 : i32
        %dma_start3A_479 = arith.constant 0 : i32
        %dma_start3A_480 = tpu.memref_slice %arg7[%dma_start3A_478, %dma_start3A_479] : memref<800x32xf32, #tpu.memory_space<vmem>> -> memref<50x32xf32, #tpu.memory_space<vmem>>
        %dma_start3A_481 = arith.constant 0 : i32
        %dma_start3A_482 = tpu.memref_slice %arg5[%add3A_477, %dma_start3A_481] : memref<512x50xi32, #tpu.memory_space<vmem>> -> memref<1x50xi32, #tpu.memory_space<vmem>>
        %dma_start3A_483 = tpu.memref_squeeze %dma_start3A_482 : memref<1x50xi32, #tpu.memory_space<vmem>> -> memref<50xi32, #tpu.memory_space<vmem>>
        %dma_start3A_484 = arith.constant 0 : i32
        %dma_start3A_485 = arith.constant 0 : i32
        %dma_start3A_486 = tpu.memref_slice %arg3[%dma_start3A_484, %dma_start3A_485] : memref<1000000x32xf32, #tpu.memory_space<hbm>> -> memref<1000000x32xf32, #tpu.memory_space<hbm>>
        tpu.enqueue_indirect_dma source(%dma_start3A_486 : memref<1000000x32xf32, #tpu.memory_space<hbm>>) target(%dma_start3A_480 : memref<50x32xf32, #tpu.memory_space<vmem>>) offsets(%dma_start3A_483 : memref<50xi32, #tpu.memory_space<vmem>>) semaphore(%arg10 : memref<!tpu.dma_semaphore, #tpu.memory_space<semaphore_mem>>)
        %mul3A_487 = arith.constant 16 : i32
        %mul3A_488 = arith.muli %add3A_447, %mul3A_487 : i32
        %add3A_489 = arith.constant 3 : i32
        %add3A_490 = arith.addi %mul3A_488, %add3A_489 : i32
        %dma_start3A_491 = arith.constant 150 : i32
        %dma_start3A_492 = arith.constant 0 : i32
        %dma_start3A_493 = tpu.memref_slice %arg7[%dma_start3A_491, %dma_start3A_492] : memref<800x32xf32, #tpu.memory_space<vmem>> -> memref<50x32xf32, #tpu.memory_space<vmem>>
        %dma_start3A_494 = arith.constant 0 : i32
        %dma_start3A_495 = tpu.memref_slice %arg5[%add3A_490, %dma_start3A_494] : memref<512x50xi32, #tpu.memory_space<vmem>> -> memref<1x50xi32, #tpu.memory_space<vmem>>
        %dma_start3A_496 = tpu.memref_squeeze %dma_start3A_495 : memref<1x50xi32, #tpu.memory_space<vmem>> -> memref<50xi32, #tpu.memory_space<vmem>>
        %dma_start3A_497 = arith.constant 0 : i32
        %dma_start3A_498 = arith.constant 0 : i32
        %dma_start3A_499 = tpu.memref_slice %arg3[%dma_start3A_497, %dma_start3A_498] : memref<1000000x32xf32, #tpu.memory_space<hbm>> -> memref<1000000x32xf32, #tpu.memory_space<hbm>>
        tpu.enqueue_indirect_dma source(%dma_start3A_499 : memref<1000000x32xf32, #tpu.memory_space<hbm>>) target(%dma_start3A_493 : memref<50x32xf32, #tpu.memory_space<vmem>>) offsets(%dma_start3A_496 : memref<50xi32, #tpu.memory_space<vmem>>) semaphore(%arg10 : memref<!tpu.dma_semaphore, #tpu.memory_space<semaphore_mem>>)
        %mul3A_500 = arith.constant 16 : i32
        %mul3A_501 = arith.muli %add3A_447, %mul3A_500 : i32
        %add3A_502 = arith.constant 4 : i32
        %add3A_503 = arith.addi %mul3A_501, %add3A_502 : i32
        %dma_start3A_504 = arith.constant 200 : i32
        %dma_start3A_505 = arith.constant 0 : i32
        %dma_start3A_506 = tpu.memref_slice %arg7[%dma_start3A_504, %dma_start3A_505] : memref<800x32xf32, #tpu.memory_space<vmem>> -> memref<50x32xf32, #tpu.memory_space<vmem>>
        %dma_start3A_507 = arith.constant 0 : i32
        %dma_start3A_508 = tpu.memref_slice %arg5[%add3A_503, %dma_start3A_507] : memref<512x50xi32, #tpu.memory_space<vmem>> -> memref<1x50xi32, #tpu.memory_space<vmem>>
        %dma_start3A_509 = tpu.memref_squeeze %dma_start3A_508 : memref<1x50xi32, #tpu.memory_space<vmem>> -> memref<50xi32, #tpu.memory_space<vmem>>
        %dma_start3A_510 = arith.constant 0 : i32
        %dma_start3A_511 = arith.constant 0 : i32
        %dma_start3A_512 = tpu.memref_slice %arg3[%dma_start3A_510, %dma_start3A_511] : memref<1000000x32xf32, #tpu.memory_space<hbm>> -> memref<1000000x32xf32, #tpu.memory_space<hbm>>
        tpu.enqueue_indirect_dma source(%dma_start3A_512 : memref<1000000x32xf32, #tpu.memory_space<hbm>>) target(%dma_start3A_506 : memref<50x32xf32, #tpu.memory_space<vmem>>) offsets(%dma_start3A_509 : memref<50xi32, #tpu.memory_space<vmem>>) semaphore(%arg10 : memref<!tpu.dma_semaphore, #tpu.memory_space<semaphore_mem>>)
        %mul3A_513 = arith.constant 16 : i32
        %mul3A_514 = arith.muli %add3A_447, %mul3A_513 : i32
        %add3A_515 = arith.constant 5 : i32
        %add3A_516 = arith.addi %mul3A_514, %add3A_515 : i32
        %dma_start3A_517 = arith.constant 250 : i32
        %dma_start3A_518 = arith.constant 0 : i32
        %dma_start3A_519 = tpu.memref_slice %arg7[%dma_start3A_517, %dma_start3A_518] : memref<800x32xf32, #tpu.memory_space<vmem>> -> memref<50x32xf32, #tpu.memory_space<vmem>>
        %dma_start3A_520 = arith.constant 0 : i32
        %dma_start3A_521 = tpu.memref_slice %arg5[%add3A_516, %dma_start3A_520] : memref<512x50xi32, #tpu.memory_space<vmem>> -> memref<1x50xi32, #tpu.memory_space<vmem>>
        %dma_start3A_522 = tpu.memref_squeeze %dma_start3A_521 : memref<1x50xi32, #tpu.memory_space<vmem>> -> memref<50xi32, #tpu.memory_space<vmem>>
        %dma_start3A_523 = arith.constant 0 : i32
        %dma_start3A_524 = arith.constant 0 : i32
        %dma_start3A_525 = tpu.memref_slice %arg3[%dma_start3A_523, %dma_start3A_524] : memref<1000000x32xf32, #tpu.memory_space<hbm>> -> memref<1000000x32xf32, #tpu.memory_space<hbm>>
        tpu.enqueue_indirect_dma source(%dma_start3A_525 : memref<1000000x32xf32, #tpu.memory_space<hbm>>) target(%dma_start3A_519 : memref<50x32xf32, #tpu.memory_space<vmem>>) offsets(%dma_start3A_522 : memref<50xi32, #tpu.memory_space<vmem>>) semaphore(%arg10 : memref<!tpu.dma_semaphore, #tpu.memory_space<semaphore_mem>>)
        %mul3A_526 = arith.constant 16 : i32
        %mul3A_527 = arith.muli %add3A_447, %mul3A_526 : i32
        %add3A_528 = arith.constant 6 : i32
        %add3A_529 = arith.addi %mul3A_527, %add3A_528 : i32
        %dma_start3A_530 = arith.constant 300 : i32
        %dma_start3A_531 = arith.constant 0 : i32
        %dma_start3A_532 = tpu.memref_slice %arg7[%dma_start3A_530, %dma_start3A_531] : memref<800x32xf32, #tpu.memory_space<vmem>> -> memref<50x32xf32, #tpu.memory_space<vmem>>
        %dma_start3A_533 = arith.constant 0 : i32
        %dma_start3A_534 = tpu.memref_slice %arg5[%add3A_529, %dma_start3A_533] : memref<512x50xi32, #tpu.memory_space<vmem>> -> memref<1x50xi32, #tpu.memory_space<vmem>>
        %dma_start3A_535 = tpu.memref_squeeze %dma_start3A_534 : memref<1x50xi32, #tpu.memory_space<vmem>> -> memref<50xi32, #tpu.memory_space<vmem>>
        %dma_start3A_536 = arith.constant 0 : i32
        %dma_start3A_537 = arith.constant 0 : i32
        %dma_start3A_538 = tpu.memref_slice %arg3[%dma_start3A_536, %dma_start3A_537] : memref<1000000x32xf32, #tpu.memory_space<hbm>> -> memref<1000000x32xf32, #tpu.memory_space<hbm>>
        tpu.enqueue_indirect_dma source(%dma_start3A_538 : memref<1000000x32xf32, #tpu.memory_space<hbm>>) target(%dma_start3A_532 : memref<50x32xf32, #tpu.memory_space<vmem>>) offsets(%dma_start3A_535 : memref<50xi32, #tpu.memory_space<vmem>>) semaphore(%arg10 : memref<!tpu.dma_semaphore, #tpu.memory_space<semaphore_mem>>)
        %mul3A_539 = arith.constant 16 : i32
        %mul3A_540 = arith.muli %add3A_447, %mul3A_539 : i32
        %add3A_541 = arith.constant 7 : i32
        %add3A_542 = arith.addi %mul3A_540, %add3A_541 : i32
        %dma_start3A_543 = arith.constant 350 : i32
        %dma_start3A_544 = arith.constant 0 : i32
        %dma_start3A_545 = tpu.memref_slice %arg7[%dma_start3A_543, %dma_start3A_544] : memref<800x32xf32, #tpu.memory_space<vmem>> -> memref<50x32xf32, #tpu.memory_space<vmem>>
        %dma_start3A_546 = arith.constant 0 : i32
        %dma_start3A_547 = tpu.memref_slice %arg5[%add3A_542, %dma_start3A_546] : memref<512x50xi32, #tpu.memory_space<vmem>> -> memref<1x50xi32, #tpu.memory_space<vmem>>
        %dma_start3A_548 = tpu.memref_squeeze %dma_start3A_547 : memref<1x50xi32, #tpu.memory_space<vmem>> -> memref<50xi32, #tpu.memory_space<vmem>>
        %dma_start3A_549 = arith.constant 0 : i32
        %dma_start3A_550 = arith.constant 0 : i32
        %dma_start3A_551 = tpu.memref_slice %arg3[%dma_start3A_549, %dma_start3A_550] : memref<1000000x32xf32, #tpu.memory_space<hbm>> -> memref<1000000x32xf32, #tpu.memory_space<hbm>>
        tpu.enqueue_indirect_dma source(%dma_start3A_551 : memref<1000000x32xf32, #tpu.memory_space<hbm>>) target(%dma_start3A_545 : memref<50x32xf32, #tpu.memory_space<vmem>>) offsets(%dma_start3A_548 : memref<50xi32, #tpu.memory_space<vmem>>) semaphore(%arg10 : memref<!tpu.dma_semaphore, #tpu.memory_space<semaphore_mem>>)
        %mul3A_552 = arith.constant 16 : i32
        %mul3A_553 = arith.muli %add3A_447, %mul3A_552 : i32
        %add3A_554 = arith.constant 8 : i32
        %add3A_555 = arith.addi %mul3A_553, %add3A_554 : i32
        %dma_start3A_556 = arith.constant 400 : i32
        %dma_start3A_557 = arith.constant 0 : i32
        %dma_start3A_558 = tpu.memref_slice %arg7[%dma_start3A_556, %dma_start3A_557] : memref<800x32xf32, #tpu.memory_space<vmem>> -> memref<50x32xf32, #tpu.memory_space<vmem>>
        %dma_start3A_559 = arith.constant 0 : i32
        %dma_start3A_560 = tpu.memref_slice %arg5[%add3A_555, %dma_start3A_559] : memref<512x50xi32, #tpu.memory_space<vmem>> -> memref<1x50xi32, #tpu.memory_space<vmem>>
        %dma_start3A_561 = tpu.memref_squeeze %dma_start3A_560 : memref<1x50xi32, #tpu.memory_space<vmem>> -> memref<50xi32, #tpu.memory_space<vmem>>
        %dma_start3A_562 = arith.constant 0 : i32
        %dma_start3A_563 = arith.constant 0 : i32
        %dma_start3A_564 = tpu.memref_slice %arg3[%dma_start3A_562, %dma_start3A_563] : memref<1000000x32xf32, #tpu.memory_space<hbm>> -> memref<1000000x32xf32, #tpu.memory_space<hbm>>
        tpu.enqueue_indirect_dma source(%dma_start3A_564 : memref<1000000x32xf32, #tpu.memory_space<hbm>>) target(%dma_start3A_558 : memref<50x32xf32, #tpu.memory_space<vmem>>) offsets(%dma_start3A_561 : memref<50xi32, #tpu.memory_space<vmem>>) semaphore(%arg10 : memref<!tpu.dma_semaphore, #tpu.memory_space<semaphore_mem>>)
        %mul3A_565 = arith.constant 16 : i32
        %mul3A_566 = arith.muli %add3A_447, %mul3A_565 : i32
        %add3A_567 = arith.constant 9 : i32
        %add3A_568 = arith.addi %mul3A_566, %add3A_567 : i32
        %dma_start3A_569 = arith.constant 450 : i32
        %dma_start3A_570 = arith.constant 0 : i32
        %dma_start3A_571 = tpu.memref_slice %arg7[%dma_start3A_569, %dma_start3A_570] : memref<800x32xf32, #tpu.memory_space<vmem>> -> memref<50x32xf32, #tpu.memory_space<vmem>>
        %dma_start3A_572 = arith.constant 0 : i32
        %dma_start3A_573 = tpu.memref_slice %arg5[%add3A_568, %dma_start3A_572] : memref<512x50xi32, #tpu.memory_space<vmem>> -> memref<1x50xi32, #tpu.memory_space<vmem>>
        %dma_start3A_574 = tpu.memref_squeeze %dma_start3A_573 : memref<1x50xi32, #tpu.memory_space<vmem>> -> memref<50xi32, #tpu.memory_space<vmem>>
        %dma_start3A_575 = arith.constant 0 : i32
        %dma_start3A_576 = arith.constant 0 : i32
        %dma_start3A_577 = tpu.memref_slice %arg3[%dma_start3A_575, %dma_start3A_576] : memref<1000000x32xf32, #tpu.memory_space<hbm>> -> memref<1000000x32xf32, #tpu.memory_space<hbm>>
        tpu.enqueue_indirect_dma source(%dma_start3A_577 : memref<1000000x32xf32, #tpu.memory_space<hbm>>) target(%dma_start3A_571 : memref<50x32xf32, #tpu.memory_space<vmem>>) offsets(%dma_start3A_574 : memref<50xi32, #tpu.memory_space<vmem>>) semaphore(%arg10 : memref<!tpu.dma_semaphore, #tpu.memory_space<semaphore_mem>>)
        %mul3A_578 = arith.constant 16 : i32
        %mul3A_579 = arith.muli %add3A_447, %mul3A_578 : i32
        %add3A_580 = arith.constant 10 : i32
        %add3A_581 = arith.addi %mul3A_579, %add3A_580 : i32
        %dma_start3A_582 = arith.constant 500 : i32
        %dma_start3A_583 = arith.constant 0 : i32
        %dma_start3A_584 = tpu.memref_slice %arg7[%dma_start3A_582, %dma_start3A_583] : memref<800x32xf32, #tpu.memory_space<vmem>> -> memref<50x32xf32, #tpu.memory_space<vmem>>
        %dma_start3A_585 = arith.constant 0 : i32
        %dma_start3A_586 = tpu.memref_slice %arg5[%add3A_581, %dma_start3A_585] : memref<512x50xi32, #tpu.memory_space<vmem>> -> memref<1x50xi32, #tpu.memory_space<vmem>>
        %dma_start3A_587 = tpu.memref_squeeze %dma_start3A_586 : memref<1x50xi32, #tpu.memory_space<vmem>> -> memref<50xi32, #tpu.memory_space<vmem>>
        %dma_start3A_588 = arith.constant 0 : i32
        %dma_start3A_589 = arith.constant 0 : i32
        %dma_start3A_590 = tpu.memref_slice %arg3[%dma_start3A_588, %dma_start3A_589] : memref<1000000x32xf32, #tpu.memory_space<hbm>> -> memref<1000000x32xf32, #tpu.memory_space<hbm>>
        tpu.enqueue_indirect_dma source(%dma_start3A_590 : memref<1000000x32xf32, #tpu.memory_space<hbm>>) target(%dma_start3A_584 : memref<50x32xf32, #tpu.memory_space<vmem>>) offsets(%dma_start3A_587 : memref<50xi32, #tpu.memory_space<vmem>>) semaphore(%arg10 : memref<!tpu.dma_semaphore, #tpu.memory_space<semaphore_mem>>)
        %mul3A_591 = arith.constant 16 : i32
        %mul3A_592 = arith.muli %add3A_447, %mul3A_591 : i32
        %add3A_593 = arith.constant 11 : i32
        %add3A_594 = arith.addi %mul3A_592, %add3A_593 : i32
        %dma_start3A_595 = arith.constant 550 : i32
        %dma_start3A_596 = arith.constant 0 : i32
        %dma_start3A_597 = tpu.memref_slice %arg7[%dma_start3A_595, %dma_start3A_596] : memref<800x32xf32, #tpu.memory_space<vmem>> -> memref<50x32xf32, #tpu.memory_space<vmem>>
        %dma_start3A_598 = arith.constant 0 : i32
        %dma_start3A_599 = tpu.memref_slice %arg5[%add3A_594, %dma_start3A_598] : memref<512x50xi32, #tpu.memory_space<vmem>> -> memref<1x50xi32, #tpu.memory_space<vmem>>
        %dma_start3A_600 = tpu.memref_squeeze %dma_start3A_599 : memref<1x50xi32, #tpu.memory_space<vmem>> -> memref<50xi32, #tpu.memory_space<vmem>>
        %dma_start3A_601 = arith.constant 0 : i32
        %dma_start3A_602 = arith.constant 0 : i32
        %dma_start3A_603 = tpu.memref_slice %arg3[%dma_start3A_601, %dma_start3A_602] : memref<1000000x32xf32, #tpu.memory_space<hbm>> -> memref<1000000x32xf32, #tpu.memory_space<hbm>>
        tpu.enqueue_indirect_dma source(%dma_start3A_603 : memref<1000000x32xf32, #tpu.memory_space<hbm>>) target(%dma_start3A_597 : memref<50x32xf32, #tpu.memory_space<vmem>>) offsets(%dma_start3A_600 : memref<50xi32, #tpu.memory_space<vmem>>) semaphore(%arg10 : memref<!tpu.dma_semaphore, #tpu.memory_space<semaphore_mem>>)
        %mul3A_604 = arith.constant 16 : i32
        %mul3A_605 = arith.muli %add3A_447, %mul3A_604 : i32
        %add3A_606 = arith.constant 12 : i32
        %add3A_607 = arith.addi %mul3A_605, %add3A_606 : i32
        %dma_start3A_608 = arith.constant 600 : i32
        %dma_start3A_609 = arith.constant 0 : i32
        %dma_start3A_610 = tpu.memref_slice %arg7[%dma_start3A_608, %dma_start3A_609] : memref<800x32xf32, #tpu.memory_space<vmem>> -> memref<50x32xf32, #tpu.memory_space<vmem>>
        %dma_start3A_611 = arith.constant 0 : i32
        %dma_start3A_612 = tpu.memref_slice %arg5[%add3A_607, %dma_start3A_611] : memref<512x50xi32, #tpu.memory_space<vmem>> -> memref<1x50xi32, #tpu.memory_space<vmem>>
        %dma_start3A_613 = tpu.memref_squeeze %dma_start3A_612 : memref<1x50xi32, #tpu.memory_space<vmem>> -> memref<50xi32, #tpu.memory_space<vmem>>
        %dma_start3A_614 = arith.constant 0 : i32
        %dma_start3A_615 = arith.constant 0 : i32
        %dma_start3A_616 = tpu.memref_slice %arg3[%dma_start3A_614, %dma_start3A_615] : memref<1000000x32xf32, #tpu.memory_space<hbm>> -> memref<1000000x32xf32, #tpu.memory_space<hbm>>
        tpu.enqueue_indirect_dma source(%dma_start3A_616 : memref<1000000x32xf32, #tpu.memory_space<hbm>>) target(%dma_start3A_610 : memref<50x32xf32, #tpu.memory_space<vmem>>) offsets(%dma_start3A_613 : memref<50xi32, #tpu.memory_space<vmem>>) semaphore(%arg10 : memref<!tpu.dma_semaphore, #tpu.memory_space<semaphore_mem>>)
        %mul3A_617 = arith.constant 16 : i32
        %mul3A_618 = arith.muli %add3A_447, %mul3A_617 : i32
        %add3A_619 = arith.constant 13 : i32
        %add3A_620 = arith.addi %mul3A_618, %add3A_619 : i32
        %dma_start3A_621 = arith.constant 650 : i32
        %dma_start3A_622 = arith.constant 0 : i32
        %dma_start3A_623 = tpu.memref_slice %arg7[%dma_start3A_621, %dma_start3A_622] : memref<800x32xf32, #tpu.memory_space<vmem>> -> memref<50x32xf32, #tpu.memory_space<vmem>>
        %dma_start3A_624 = arith.constant 0 : i32
        %dma_start3A_625 = tpu.memref_slice %arg5[%add3A_620, %dma_start3A_624] : memref<512x50xi32, #tpu.memory_space<vmem>> -> memref<1x50xi32, #tpu.memory_space<vmem>>
        %dma_start3A_626 = tpu.memref_squeeze %dma_start3A_625 : memref<1x50xi32, #tpu.memory_space<vmem>> -> memref<50xi32, #tpu.memory_space<vmem>>
        %dma_start3A_627 = arith.constant 0 : i32
        %dma_start3A_628 = arith.constant 0 : i32
        %dma_start3A_629 = tpu.memref_slice %arg3[%dma_start3A_627, %dma_start3A_628] : memref<1000000x32xf32, #tpu.memory_space<hbm>> -> memref<1000000x32xf32, #tpu.memory_space<hbm>>
        tpu.enqueue_indirect_dma source(%dma_start3A_629 : memref<1000000x32xf32, #tpu.memory_space<hbm>>) target(%dma_start3A_623 : memref<50x32xf32, #tpu.memory_space<vmem>>) offsets(%dma_start3A_626 : memref<50xi32, #tpu.memory_space<vmem>>) semaphore(%arg10 : memref<!tpu.dma_semaphore, #tpu.memory_space<semaphore_mem>>)
        %mul3A_630 = arith.constant 16 : i32
        %mul3A_631 = arith.muli %add3A_447, %mul3A_630 : i32
        %add3A_632 = arith.constant 14 : i32
        %add3A_633 = arith.addi %mul3A_631, %add3A_632 : i32
        %dma_start3A_634 = arith.constant 700 : i32
        %dma_start3A_635 = arith.constant 0 : i32
        %dma_start3A_636 = tpu.memref_slice %arg7[%dma_start3A_634, %dma_start3A_635] : memref<800x32xf32, #tpu.memory_space<vmem>> -> memref<50x32xf32, #tpu.memory_space<vmem>>
        %dma_start3A_637 = arith.constant 0 : i32
        %dma_start3A_638 = tpu.memref_slice %arg5[%add3A_633, %dma_start3A_637] : memref<512x50xi32, #tpu.memory_space<vmem>> -> memref<1x50xi32, #tpu.memory_space<vmem>>
        %dma_start3A_639 = tpu.memref_squeeze %dma_start3A_638 : memref<1x50xi32, #tpu.memory_space<vmem>> -> memref<50xi32, #tpu.memory_space<vmem>>
        %dma_start3A_640 = arith.constant 0 : i32
        %dma_start3A_641 = arith.constant 0 : i32
        %dma_start3A_642 = tpu.memref_slice %arg3[%dma_start3A_640, %dma_start3A_641] : memref<1000000x32xf32, #tpu.memory_space<hbm>> -> memref<1000000x32xf32, #tpu.memory_space<hbm>>
        tpu.enqueue_indirect_dma source(%dma_start3A_642 : memref<1000000x32xf32, #tpu.memory_space<hbm>>) target(%dma_start3A_636 : memref<50x32xf32, #tpu.memory_space<vmem>>) offsets(%dma_start3A_639 : memref<50xi32, #tpu.memory_space<vmem>>) semaphore(%arg10 : memref<!tpu.dma_semaphore, #tpu.memory_space<semaphore_mem>>)
        %mul3A_643 = arith.constant 16 : i32
        %mul3A_644 = arith.muli %add3A_447, %mul3A_643 : i32
        %add3A_645 = arith.constant 15 : i32
        %add3A_646 = arith.addi %mul3A_644, %add3A_645 : i32
        %dma_start3A_647 = arith.constant 750 : i32
        %dma_start3A_648 = arith.constant 0 : i32
        %dma_start3A_649 = tpu.memref_slice %arg7[%dma_start3A_647, %dma_start3A_648] : memref<800x32xf32, #tpu.memory_space<vmem>> -> memref<50x32xf32, #tpu.memory_space<vmem>>
        %dma_start3A_650 = arith.constant 0 : i32
        %dma_start3A_651 = tpu.memref_slice %arg5[%add3A_646, %dma_start3A_650] : memref<512x50xi32, #tpu.memory_space<vmem>> -> memref<1x50xi32, #tpu.memory_space<vmem>>
        %dma_start3A_652 = tpu.memref_squeeze %dma_start3A_651 : memref<1x50xi32, #tpu.memory_space<vmem>> -> memref<50xi32, #tpu.memory_space<vmem>>
        %dma_start3A_653 = arith.constant 0 : i32
        %dma_start3A_654 = arith.constant 0 : i32
        %dma_start3A_655 = tpu.memref_slice %arg3[%dma_start3A_653, %dma_start3A_654] : memref<1000000x32xf32, #tpu.memory_space<hbm>> -> memref<1000000x32xf32, #tpu.memory_space<hbm>>
        tpu.enqueue_indirect_dma source(%dma_start3A_655 : memref<1000000x32xf32, #tpu.memory_space<hbm>>) target(%dma_start3A_649 : memref<50x32xf32, #tpu.memory_space<vmem>>) offsets(%dma_start3A_652 : memref<50xi32, #tpu.memory_space<vmem>>) semaphore(%arg10 : memref<!tpu.dma_semaphore, #tpu.memory_space<semaphore_mem>>)
      } else {
      }
      %ge3A = arith.constant 1 : i32
      %ge3A_282 = arith.cmpi sge, %add3A_270, %ge3A : i32
      %convert_element_type3A_283 = arith.extui %ge3A_282 : i1 to i32
      %cond3A_284 = arith.constant 0 : i32
      %cond3A_285 = arith.cmpi ne, %convert_element_type3A_283, %cond3A_284 : i32
      scf.if %cond3A_285 {
        %dma_wait3A_446 = arith.constant 0 : i32
        %dma_wait3A_447 = arith.constant 0 : i32
        %dma_wait3A_448 = arith.constant 0 : i32
        %dma_wait3A_449 = arith.constant 0 : i32
        %dma_wait3A_450 = arith.constant 0 : i32
        %dma_wait3A_451 = tpu.memref_slice %arg8[%dma_wait3A_447, %dma_wait3A_448, %dma_wait3A_449, %dma_wait3A_450] : memref<50x4x8x17xf32, #tpu.memory_space<vmem>> -> memref<50x4x8x16xf32, #tpu.memory_space<vmem>>
        %dma_wait3A_452 = arith.constant 0 : i32
        %dma_wait3A_453 = arith.constant 0 : i32
        %dma_wait3A_454 = arith.constant 0 : i32
        %dma_wait3A_455 = arith.constant 0 : i32
        %dma_wait3A_456 = tpu.memref_slice %arg4[%dma_wait3A_452, %dma_wait3A_453, %dma_wait3A_446, %dma_wait3A_454, %dma_wait3A_455] : memref<50x4x128x8x128xf32, #tpu.memory_space<hbm>> -> memref<50x4x1x8x16xf32, #tpu.memory_space<hbm>>
        %dma_wait3A_457 = tpu.memref_squeeze %dma_wait3A_456 : memref<50x4x1x8x16xf32, #tpu.memory_space<hbm>> -> memref<50x4x8x16xf32, #tpu.memory_space<hbm>>
        %dma_wait3A_458 = arith.constant 0 : i32
        %dma_wait3A_459 = arith.constant 0 : i32
        %dma_wait3A_460 = arith.constant 0 : i32
        %dma_wait3A_461 = arith.constant 0 : i32
        %dma_wait3A_462 = tpu.memref_slice %arg8[%dma_wait3A_458, %dma_wait3A_459, %dma_wait3A_460, %dma_wait3A_461] : memref<50x4x8x17xf32, #tpu.memory_space<vmem>> -> memref<50x4x8x16xf32, #tpu.memory_space<vmem>>
        %dma_wait3A_463 = arith.constant 0 : i32
        %dma_wait3A_464 = arith.constant 0 : i32
        %dma_wait3A_465 = arith.constant 0 : i32
        %dma_wait3A_466 = arith.constant 0 : i32
        %dma_wait3A_467 = tpu.memref_slice %arg4[%dma_wait3A_463, %dma_wait3A_464, %dma_wait3A_446, %dma_wait3A_465, %dma_wait3A_466] : memref<50x4x128x8x128xf32, #tpu.memory_space<hbm>> -> memref<50x4x1x8x16xf32, #tpu.memory_space<hbm>>
        %dma_wait3A_468 = tpu.memref_squeeze %dma_wait3A_467 : memref<50x4x1x8x16xf32, #tpu.memory_space<hbm>> -> memref<50x4x8x16xf32, #tpu.memory_space<hbm>>
        tpu.wait_dma2 semaphore(%arg11 : memref<!tpu.dma_semaphore, #tpu.memory_space<semaphore_mem>>) src(%dma_wait3A_468 : memref<50x4x8x16xf32, #tpu.memory_space<hbm>>) dst(%dma_wait3A_462 : memref<50x4x8x16xf32, #tpu.memory_space<vmem>>)
      } else {
      }
      %scan3A_286 = arith.constant 0 : i32
      %scan3A_287 = arith.constant 0 : i32
      %scan3A_288 = arith.constant 25 : i32
      %scan3A_289 = arith.addi %scan3A_287, %scan3A_288 : i32
      %scan3A_290 = arith.constant 1 : i32
      scf.for %scan3A_446 = %scan3A_287 to %scan3A_289 step %scan3A_290  : i32 {
        %mul3A_447 = arith.constant 2 : i32
        %mul3A_448 = arith.muli %scan3A_446, %mul3A_447 : i32
        %add3A_449 = arith.constant 0 : i32
        %add3A_450 = arith.addi %mul3A_448, %add3A_449 : i32
        %broadcast_in_dim3A_451 = vector.broadcast %add3A_450 : i32 to vector<16xi32>
        %add3A_452 = arith.constant 0 : i32
        %add3A_453 = arith.addi %add3A_452, %add3A_450 : i32
        %get3A = arith.index_cast %add3A_453 : i32 to index
        %get3A_454 = arith.constant 0 : index
        %get3A_455 = tpu.vector_load %arg6[%get3A, %get3A_454] {strides = array<i32>} : memref<800x32xf32, #tpu.memory_space<vmem>>, vector<16xf32>,
        %get3A_456 = arith.index_cast %add3A_453 : i32 to index
        %get3A_457 = arith.constant 16 : index
        %get3A_458 = tpu.vector_load %arg6[%get3A_456, %get3A_457] {strides = array<i32>} : memref<800x32xf32, #tpu.memory_space<vmem>>, vector<16xf32>,
        tpu.vector_store_idx %arg8[%broadcast_in_dim3A_451, %select_n3A, %select_n3A_48, %broadcast_in_dim3A_49], %get3A_455 : memref<50x4x8x17xf32, #tpu.memory_space<vmem>>[vector<16xi32>, vector<16xi32>, vector<16xi32>, vector<16xi32>], vector<16xf32>,
        tpu.vector_store_idx %arg8[%broadcast_in_dim3A_451, %add3A_28, %select_n3A_48, %broadcast_in_dim3A_49], %get3A_458 : memref<50x4x8x17xf32, #tpu.memory_space<vmem>>[vector<16xi32>, vector<16xi32>, vector<16xi32>, vector<16xi32>], vector<16xf32>,
        %add3A_459 = arith.constant 50 : i32
        %add3A_460 = arith.addi %add3A_459, %add3A_450 : i32
        %get3A_461 = arith.index_cast %add3A_460 : i32 to index
        %get3A_462 = arith.constant 0 : index
        %get3A_463 = tpu.vector_load %arg6[%get3A_461, %get3A_462] {strides = array<i32>} : memref<800x32xf32, #tpu.memory_space<vmem>>, vector<16xf32>,
        %get3A_464 = arith.index_cast %add3A_460 : i32 to index
        %get3A_465 = arith.constant 16 : index
        %get3A_466 = tpu.vector_load %arg6[%get3A_464, %get3A_465] {strides = array<i32>} : memref<800x32xf32, #tpu.memory_space<vmem>>, vector<16xf32>,
        tpu.vector_store_idx %arg8[%broadcast_in_dim3A_451, %select_n3A, %select_n3A_48, %broadcast_in_dim3A_51], %get3A_463 : memref<50x4x8x17xf32, #tpu.memory_space<vmem>>[vector<16xi32>, vector<16xi32>, vector<16xi32>, vector<16xi32>], vector<16xf32>,
        tpu.vector_store_idx %arg8[%broadcast_in_dim3A_451, %add3A_28, %select_n3A_48, %broadcast_in_dim3A_51], %get3A_466 : memref<50x4x8x17xf32, #tpu.memory_space<vmem>>[vector<16xi32>, vector<16xi32>, vector<16xi32>, vector<16xi32>], vector<16xf32>,
        %add3A_467 = arith.constant 100 : i32
        %add3A_468 = arith.addi %add3A_467, %add3A_450 : i32
        %get3A_469 = arith.index_cast %add3A_468 : i32 to index
        %get3A_470 = arith.constant 0 : index
        %get3A_471 = tpu.vector_load %arg6[%get3A_469, %get3A_470] {strides = array<i32>} : memref<800x32xf32, #tpu.memory_space<vmem>>, vector<16xf32>,
        %get3A_472 = arith.index_cast %add3A_468 : i32 to index
        %get3A_473 = arith.constant 16 : index
        %get3A_474 = tpu.vector_load %arg6[%get3A_472, %get3A_473] {strides = array<i32>} : memref<800x32xf32, #tpu.memory_space<vmem>>, vector<16xf32>,
        tpu.vector_store_idx %arg8[%broadcast_in_dim3A_451, %select_n3A, %select_n3A_48, %broadcast_in_dim3A_53], %get3A_471 : memref<50x4x8x17xf32, #tpu.memory_space<vmem>>[vector<16xi32>, vector<16xi32>, vector<16xi32>, vector<16xi32>], vector<16xf32>,
        tpu.vector_store_idx %arg8[%broadcast_in_dim3A_451, %add3A_28, %select_n3A_48, %broadcast_in_dim3A_53], %get3A_474 : memref<50x4x8x17xf32, #tpu.memory_space<vmem>>[vector<16xi32>, vector<16xi32>, vector<16xi32>, vector<16xi32>], vector<16xf32>,
        %add3A_475 = arith.constant 150 : i32
        %add3A_476 = arith.addi %add3A_475, %add3A_450 : i32
        %get3A_477 = arith.index_cast %add3A_476 : i32 to index
        %get3A_478 = arith.constant 0 : index
        %get3A_479 = tpu.vector_load %arg6[%get3A_477, %get3A_478] {strides = array<i32>} : memref<800x32xf32, #tpu.memory_space<vmem>>, vector<16xf32>,
        %get3A_480 = arith.index_cast %add3A_476 : i32 to index
        %get3A_481 = arith.constant 16 : index
        %get3A_482 = tpu.vector_load %arg6[%get3A_480, %get3A_481] {strides = array<i32>} : memref<800x32xf32, #tpu.memory_space<vmem>>, vector<16xf32>,
        tpu.vector_store_idx %arg8[%broadcast_in_dim3A_451, %select_n3A, %select_n3A_48, %broadcast_in_dim3A_55], %get3A_479 : memref<50x4x8x17xf32, #tpu.memory_space<vmem>>[vector<16xi32>, vector<16xi32>, vector<16xi32>, vector<16xi32>], vector<16xf32>,
        tpu.vector_store_idx %arg8[%broadcast_in_dim3A_451, %add3A_28, %select_n3A_48, %broadcast_in_dim3A_55], %get3A_482 : memref<50x4x8x17xf32, #tpu.memory_space<vmem>>[vector<16xi32>, vector<16xi32>, vector<16xi32>, vector<16xi32>], vector<16xf32>,
        %add3A_483 = arith.constant 200 : i32
        %add3A_484 = arith.addi %add3A_483, %add3A_450 : i32
        %get3A_485 = arith.index_cast %add3A_484 : i32 to index
        %get3A_486 = arith.constant 0 : index
        %get3A_487 = tpu.vector_load %arg6[%get3A_485, %get3A_486] {strides = array<i32>} : memref<800x32xf32, #tpu.memory_space<vmem>>, vector<16xf32>,
        %get3A_488 = arith.index_cast %add3A_484 : i32 to index
        %get3A_489 = arith.constant 16 : index
        %get3A_490 = tpu.vector_load %arg6[%get3A_488, %get3A_489] {strides = array<i32>} : memref<800x32xf32, #tpu.memory_space<vmem>>, vector<16xf32>,
        tpu.vector_store_idx %arg8[%broadcast_in_dim3A_451, %select_n3A, %select_n3A_48, %broadcast_in_dim3A_57], %get3A_487 : memref<50x4x8x17xf32, #tpu.memory_space<vmem>>[vector<16xi32>, vector<16xi32>, vector<16xi32>, vector<16xi32>], vector<16xf32>,
        tpu.vector_store_idx %arg8[%broadcast_in_dim3A_451, %add3A_28, %select_n3A_48, %broadcast_in_dim3A_57], %get3A_490 : memref<50x4x8x17xf32, #tpu.memory_space<vmem>>[vector<16xi32>, vector<16xi32>, vector<16xi32>, vector<16xi32>], vector<16xf32>,
        %add3A_491 = arith.constant 250 : i32
        %add3A_492 = arith.addi %add3A_491, %add3A_450 : i32
        %get3A_493 = arith.index_cast %add3A_492 : i32 to index
        %get3A_494 = arith.constant 0 : index
        %get3A_495 = tpu.vector_load %arg6[%get3A_493, %get3A_494] {strides = array<i32>} : memref<800x32xf32, #tpu.memory_space<vmem>>, vector<16xf32>,
        %get3A_496 = arith.index_cast %add3A_492 : i32 to index
        %get3A_497 = arith.constant 16 : index
        %get3A_498 = tpu.vector_load %arg6[%get3A_496, %get3A_497] {strides = array<i32>} : memref<800x32xf32, #tpu.memory_space<vmem>>, vector<16xf32>,
        tpu.vector_store_idx %arg8[%broadcast_in_dim3A_451, %select_n3A, %select_n3A_48, %broadcast_in_dim3A_59], %get3A_495 : memref<50x4x8x17xf32, #tpu.memory_space<vmem>>[vector<16xi32>, vector<16xi32>, vector<16xi32>, vector<16xi32>], vector<16xf32>,
        tpu.vector_store_idx %arg8[%broadcast_in_dim3A_451, %add3A_28, %select_n3A_48, %broadcast_in_dim3A_59], %get3A_498 : memref<50x4x8x17xf32, #tpu.memory_space<vmem>>[vector<16xi32>, vector<16xi32>, vector<16xi32>, vector<16xi32>], vector<16xf32>,
        %add3A_499 = arith.constant 300 : i32
        %add3A_500 = arith.addi %add3A_499, %add3A_450 : i32
        %get3A_501 = arith.index_cast %add3A_500 : i32 to index
        %get3A_502 = arith.constant 0 : index
        %get3A_503 = tpu.vector_load %arg6[%get3A_501, %get3A_502] {strides = array<i32>} : memref<800x32xf32, #tpu.memory_space<vmem>>, vector<16xf32>,
        %get3A_504 = arith.index_cast %add3A_500 : i32 to index
        %get3A_505 = arith.constant 16 : index
        %get3A_506 = tpu.vector_load %arg6[%get3A_504, %get3A_505] {strides = array<i32>} : memref<800x32xf32, #tpu.memory_space<vmem>>, vector<16xf32>,
        tpu.vector_store_idx %arg8[%broadcast_in_dim3A_451, %select_n3A, %select_n3A_48, %broadcast_in_dim3A_61], %get3A_503 : memref<50x4x8x17xf32, #tpu.memory_space<vmem>>[vector<16xi32>, vector<16xi32>, vector<16xi32>, vector<16xi32>], vector<16xf32>,
        tpu.vector_store_idx %arg8[%broadcast_in_dim3A_451, %add3A_28, %select_n3A_48, %broadcast_in_dim3A_61], %get3A_506 : memref<50x4x8x17xf32, #tpu.memory_space<vmem>>[vector<16xi32>, vector<16xi32>, vector<16xi32>, vector<16xi32>], vector<16xf32>,
        %add3A_507 = arith.constant 350 : i32
        %add3A_508 = arith.addi %add3A_507, %add3A_450 : i32
        %get3A_509 = arith.index_cast %add3A_508 : i32 to index
        %get3A_510 = arith.constant 0 : index
        %get3A_511 = tpu.vector_load %arg6[%get3A_509, %get3A_510] {strides = array<i32>} : memref<800x32xf32, #tpu.memory_space<vmem>>, vector<16xf32>,
        %get3A_512 = arith.index_cast %add3A_508 : i32 to index
        %get3A_513 = arith.constant 16 : index
        %get3A_514 = tpu.vector_load %arg6[%get3A_512, %get3A_513] {strides = array<i32>} : memref<800x32xf32, #tpu.memory_space<vmem>>, vector<16xf32>,
        tpu.vector_store_idx %arg8[%broadcast_in_dim3A_451, %select_n3A, %select_n3A_48, %broadcast_in_dim3A_63], %get3A_511 : memref<50x4x8x17xf32, #tpu.memory_space<vmem>>[vector<16xi32>, vector<16xi32>, vector<16xi32>, vector<16xi32>], vector<16xf32>,
        tpu.vector_store_idx %arg8[%broadcast_in_dim3A_451, %add3A_28, %select_n3A_48, %broadcast_in_dim3A_63], %get3A_514 : memref<50x4x8x17xf32, #tpu.memory_space<vmem>>[vector<16xi32>, vector<16xi32>, vector<16xi32>, vector<16xi32>], vector<16xf32>,
        %add3A_515 = arith.constant 400 : i32
        %add3A_516 = arith.addi %add3A_515, %add3A_450 : i32
        %get3A_517 = arith.index_cast %add3A_516 : i32 to index
        %get3A_518 = arith.constant 0 : index
        %get3A_519 = tpu.vector_load %arg6[%get3A_517, %get3A_518] {strides = array<i32>} : memref<800x32xf32, #tpu.memory_space<vmem>>, vector<16xf32>,
        %get3A_520 = arith.index_cast %add3A_516 : i32 to index
        %get3A_521 = arith.constant 16 : index
        %get3A_522 = tpu.vector_load %arg6[%get3A_520, %get3A_521] {strides = array<i32>} : memref<800x32xf32, #tpu.memory_space<vmem>>, vector<16xf32>,
        tpu.vector_store_idx %arg8[%broadcast_in_dim3A_451, %select_n3A, %select_n3A_48, %broadcast_in_dim3A_65], %get3A_519 : memref<50x4x8x17xf32, #tpu.memory_space<vmem>>[vector<16xi32>, vector<16xi32>, vector<16xi32>, vector<16xi32>], vector<16xf32>,
        tpu.vector_store_idx %arg8[%broadcast_in_dim3A_451, %add3A_28, %select_n3A_48, %broadcast_in_dim3A_65], %get3A_522 : memref<50x4x8x17xf32, #tpu.memory_space<vmem>>[vector<16xi32>, vector<16xi32>, vector<16xi32>, vector<16xi32>], vector<16xf32>,
        %add3A_523 = arith.constant 450 : i32
        %add3A_524 = arith.addi %add3A_523, %add3A_450 : i32
        %get3A_525 = arith.index_cast %add3A_524 : i32 to index
        %get3A_526 = arith.constant 0 : index
        %get3A_527 = tpu.vector_load %arg6[%get3A_525, %get3A_526] {strides = array<i32>} : memref<800x32xf32, #tpu.memory_space<vmem>>, vector<16xf32>,
        %get3A_528 = arith.index_cast %add3A_524 : i32 to index
        %get3A_529 = arith.constant 16 : index
        %get3A_530 = tpu.vector_load %arg6[%get3A_528, %get3A_529] {strides = array<i32>} : memref<800x32xf32, #tpu.memory_space<vmem>>, vector<16xf32>,
        tpu.vector_store_idx %arg8[%broadcast_in_dim3A_451, %select_n3A, %select_n3A_48, %broadcast_in_dim3A_67], %get3A_527 : memref<50x4x8x17xf32, #tpu.memory_space<vmem>>[vector<16xi32>, vector<16xi32>, vector<16xi32>, vector<16xi32>], vector<16xf32>,
        tpu.vector_store_idx %arg8[%broadcast_in_dim3A_451, %add3A_28, %select_n3A_48, %broadcast_in_dim3A_67], %get3A_530 : memref<50x4x8x17xf32, #tpu.memory_space<vmem>>[vector<16xi32>, vector<16xi32>, vector<16xi32>, vector<16xi32>], vector<16xf32>,
        %add3A_531 = arith.constant 500 : i32
        %add3A_532 = arith.addi %add3A_531, %add3A_450 : i32
        %get3A_533 = arith.index_cast %add3A_532 : i32 to index
        %get3A_534 = arith.constant 0 : index
        %get3A_535 = tpu.vector_load %arg6[%get3A_533, %get3A_534] {strides = array<i32>} : memref<800x32xf32, #tpu.memory_space<vmem>>, vector<16xf32>,
        %get3A_536 = arith.index_cast %add3A_532 : i32 to index
        %get3A_537 = arith.constant 16 : index
        %get3A_538 = tpu.vector_load %arg6[%get3A_536, %get3A_537] {strides = array<i32>} : memref<800x32xf32, #tpu.memory_space<vmem>>, vector<16xf32>,
        tpu.vector_store_idx %arg8[%broadcast_in_dim3A_451, %select_n3A, %select_n3A_48, %broadcast_in_dim3A_69], %get3A_535 : memref<50x4x8x17xf32, #tpu.memory_space<vmem>>[vector<16xi32>, vector<16xi32>, vector<16xi32>, vector<16xi32>], vector<16xf32>,
        tpu.vector_store_idx %arg8[%broadcast_in_dim3A_451, %add3A_28, %select_n3A_48, %broadcast_in_dim3A_69], %get3A_538 : memref<50x4x8x17xf32, #tpu.memory_space<vmem>>[vector<16xi32>, vector<16xi32>, vector<16xi32>, vector<16xi32>], vector<16xf32>,
        %add3A_539 = arith.constant 550 : i32
        %add3A_540 = arith.addi %add3A_539, %add3A_450 : i32
        %get3A_541 = arith.index_cast %add3A_540 : i32 to index
        %get3A_542 = arith.constant 0 : index
        %get3A_543 = tpu.vector_load %arg6[%get3A_541, %get3A_542] {strides = array<i32>} : memref<800x32xf32, #tpu.memory_space<vmem>>, vector<16xf32>,
        %get3A_544 = arith.index_cast %add3A_540 : i32 to index
        %get3A_545 = arith.constant 16 : index
        %get3A_546 = tpu.vector_load %arg6[%get3A_544, %get3A_545] {strides = array<i32>} : memref<800x32xf32, #tpu.memory_space<vmem>>, vector<16xf32>,
        tpu.vector_store_idx %arg8[%broadcast_in_dim3A_451, %select_n3A, %select_n3A_48, %broadcast_in_dim3A_71], %get3A_543 : memref<50x4x8x17xf32, #tpu.memory_space<vmem>>[vector<16xi32>, vector<16xi32>, vector<16xi32>, vector<16xi32>], vector<16xf32>,
        tpu.vector_store_idx %arg8[%broadcast_in_dim3A_451, %add3A_28, %select_n3A_48, %broadcast_in_dim3A_71], %get3A_546 : memref<50x4x8x17xf32, #tpu.memory_space<vmem>>[vector<16xi32>, vector<16xi32>, vector<16xi32>, vector<16xi32>], vector<16xf32>,
        %add3A_547 = arith.constant 600 : i32
        %add3A_548 = arith.addi %add3A_547, %add3A_450 : i32
        %get3A_549 = arith.index_cast %add3A_548 : i32 to index
        %get3A_550 = arith.constant 0 : index
        %get3A_551 = tpu.vector_load %arg6[%get3A_549, %get3A_550] {strides = array<i32>} : memref<800x32xf32, #tpu.memory_space<vmem>>, vector<16xf32>,
        %get3A_552 = arith.index_cast %add3A_548 : i32 to index
        %get3A_553 = arith.constant 16 : index
        %get3A_554 = tpu.vector_load %arg6[%get3A_552, %get3A_553] {strides = array<i32>} : memref<800x32xf32, #tpu.memory_space<vmem>>, vector<16xf32>,
        tpu.vector_store_idx %arg8[%broadcast_in_dim3A_451, %select_n3A, %select_n3A_48, %broadcast_in_dim3A_73], %get3A_551 : memref<50x4x8x17xf32, #tpu.memory_space<vmem>>[vector<16xi32>, vector<16xi32>, vector<16xi32>, vector<16xi32>], vector<16xf32>,
        tpu.vector_store_idx %arg8[%broadcast_in_dim3A_451, %add3A_28, %select_n3A_48, %broadcast_in_dim3A_73], %get3A_554 : memref<50x4x8x17xf32, #tpu.memory_space<vmem>>[vector<16xi32>, vector<16xi32>, vector<16xi32>, vector<16xi32>], vector<16xf32>,
        %add3A_555 = arith.constant 650 : i32
        %add3A_556 = arith.addi %add3A_555, %add3A_450 : i32
        %get3A_557 = arith.index_cast %add3A_556 : i32 to index
        %get3A_558 = arith.constant 0 : index
        %get3A_559 = tpu.vector_load %arg6[%get3A_557, %get3A_558] {strides = array<i32>} : memref<800x32xf32, #tpu.memory_space<vmem>>, vector<16xf32>,
        %get3A_560 = arith.index_cast %add3A_556 : i32 to index
        %get3A_561 = arith.constant 16 : index
        %get3A_562 = tpu.vector_load %arg6[%get3A_560, %get3A_561] {strides = array<i32>} : memref<800x32xf32, #tpu.memory_space<vmem>>, vector<16xf32>,
        tpu.vector_store_idx %arg8[%broadcast_in_dim3A_451, %select_n3A, %select_n3A_48, %broadcast_in_dim3A_75], %get3A_559 : memref<50x4x8x17xf32, #tpu.memory_space<vmem>>[vector<16xi32>, vector<16xi32>, vector<16xi32>, vector<16xi32>], vector<16xf32>,
        tpu.vector_store_idx %arg8[%broadcast_in_dim3A_451, %add3A_28, %select_n3A_48, %broadcast_in_dim3A_75], %get3A_562 : memref<50x4x8x17xf32, #tpu.memory_space<vmem>>[vector<16xi32>, vector<16xi32>, vector<16xi32>, vector<16xi32>], vector<16xf32>,
        %add3A_563 = arith.constant 700 : i32
        %add3A_564 = arith.addi %add3A_563, %add3A_450 : i32
        %get3A_565 = arith.index_cast %add3A_564 : i32 to index
        %get3A_566 = arith.constant 0 : index
        %get3A_567 = tpu.vector_load %arg6[%get3A_565, %get3A_566] {strides = array<i32>} : memref<800x32xf32, #tpu.memory_space<vmem>>, vector<16xf32>,
        %get3A_568 = arith.index_cast %add3A_564 : i32 to index
        %get3A_569 = arith.constant 16 : index
        %get3A_570 = tpu.vector_load %arg6[%get3A_568, %get3A_569] {strides = array<i32>} : memref<800x32xf32, #tpu.memory_space<vmem>>, vector<16xf32>,
        tpu.vector_store_idx %arg8[%broadcast_in_dim3A_451, %select_n3A, %select_n3A_48, %broadcast_in_dim3A_77], %get3A_567 : memref<50x4x8x17xf32, #tpu.memory_space<vmem>>[vector<16xi32>, vector<16xi32>, vector<16xi32>, vector<16xi32>], vector<16xf32>,
        tpu.vector_store_idx %arg8[%broadcast_in_dim3A_451, %add3A_28, %select_n3A_48, %broadcast_in_dim3A_77], %get3A_570 : memref<50x4x8x17xf32, #tpu.memory_space<vmem>>[vector<16xi32>, vector<16xi32>, vector<16xi32>, vector<16xi32>], vector<16xf32>,
        %add3A_571 = arith.constant 750 : i32
        %add3A_572 = arith.addi %add3A_571, %add3A_450 : i32
        %get3A_573 = arith.index_cast %add3A_572 : i32 to index
        %get3A_574 = arith.constant 0 : index
        %get3A_575 = tpu.vector_load %arg6[%get3A_573, %get3A_574] {strides = array<i32>} : memref<800x32xf32, #tpu.memory_space<vmem>>, vector<16xf32>,
        %get3A_576 = arith.index_cast %add3A_572 : i32 to index
        %get3A_577 = arith.constant 16 : index
        %get3A_578 = tpu.vector_load %arg6[%get3A_576, %get3A_577] {strides = array<i32>} : memref<800x32xf32, #tpu.memory_space<vmem>>, vector<16xf32>,
        tpu.vector_store_idx %arg8[%broadcast_in_dim3A_451, %select_n3A, %select_n3A_48, %broadcast_in_dim3A_79], %get3A_575 : memref<50x4x8x17xf32, #tpu.memory_space<vmem>>[vector<16xi32>, vector<16xi32>, vector<16xi32>, vector<16xi32>], vector<16xf32>,
        tpu.vector_store_idx %arg8[%broadcast_in_dim3A_451, %add3A_28, %select_n3A_48, %broadcast_in_dim3A_79], %get3A_578 : memref<50x4x8x17xf32, #tpu.memory_space<vmem>>[vector<16xi32>, vector<16xi32>, vector<16xi32>, vector<16xi32>], vector<16xf32>,
        %mul3A_579 = arith.constant 2 : i32
        %mul3A_580 = arith.muli %scan3A_446, %mul3A_579 : i32
        %add3A_581 = arith.constant 1 : i32
        %add3A_582 = arith.addi %mul3A_580, %add3A_581 : i32
        %broadcast_in_dim3A_583 = vector.broadcast %add3A_582 : i32 to vector<16xi32>
        %add3A_584 = arith.constant 0 : i32
        %add3A_585 = arith.addi %add3A_584, %add3A_582 : i32
        %get3A_586 = arith.index_cast %add3A_585 : i32 to index
        %get3A_587 = arith.constant 0 : index
        %get3A_588 = tpu.vector_load %arg6[%get3A_586, %get3A_587] {strides = array<i32>} : memref<800x32xf32, #tpu.memory_space<vmem>>, vector<16xf32>,
        %get3A_589 = arith.index_cast %add3A_585 : i32 to index
        %get3A_590 = arith.constant 16 : index
        %get3A_591 = tpu.vector_load %arg6[%get3A_589, %get3A_590] {strides = array<i32>} : memref<800x32xf32, #tpu.memory_space<vmem>>, vector<16xf32>,
        tpu.vector_store_idx %arg8[%broadcast_in_dim3A_583, %select_n3A, %select_n3A_48, %broadcast_in_dim3A_49], %get3A_588 : memref<50x4x8x17xf32, #tpu.memory_space<vmem>>[vector<16xi32>, vector<16xi32>, vector<16xi32>, vector<16xi32>], vector<16xf32>,
        tpu.vector_store_idx %arg8[%broadcast_in_dim3A_583, %add3A_28, %select_n3A_48, %broadcast_in_dim3A_49], %get3A_591 : memref<50x4x8x17xf32, #tpu.memory_space<vmem>>[vector<16xi32>, vector<16xi32>, vector<16xi32>, vector<16xi32>], vector<16xf32>,
        %add3A_592 = arith.constant 50 : i32
        %add3A_593 = arith.addi %add3A_592, %add3A_582 : i32
        %get3A_594 = arith.index_cast %add3A_593 : i32 to index
        %get3A_595 = arith.constant 0 : index
        %get3A_596 = tpu.vector_load %arg6[%get3A_594, %get3A_595] {strides = array<i32>} : memref<800x32xf32, #tpu.memory_space<vmem>>, vector<16xf32>,
        %get3A_597 = arith.index_cast %add3A_593 : i32 to index
        %get3A_598 = arith.constant 16 : index
        %get3A_599 = tpu.vector_load %arg6[%get3A_597, %get3A_598] {strides = array<i32>} : memref<800x32xf32, #tpu.memory_space<vmem>>, vector<16xf32>,
        tpu.vector_store_idx %arg8[%broadcast_in_dim3A_583, %select_n3A, %select_n3A_48, %broadcast_in_dim3A_51], %get3A_596 : memref<50x4x8x17xf32, #tpu.memory_space<vmem>>[vector<16xi32>, vector<16xi32>, vector<16xi32>, vector<16xi32>], vector<16xf32>,
        tpu.vector_store_idx %arg8[%broadcast_in_dim3A_583, %add3A_28, %select_n3A_48, %broadcast_in_dim3A_51], %get3A_599 : memref<50x4x8x17xf32, #tpu.memory_space<vmem>>[vector<16xi32>, vector<16xi32>, vector<16xi32>, vector<16xi32>], vector<16xf32>,
        %add3A_600 = arith.constant 100 : i32
        %add3A_601 = arith.addi %add3A_600, %add3A_582 : i32
        %get3A_602 = arith.index_cast %add3A_601 : i32 to index
        %get3A_603 = arith.constant 0 : index
        %get3A_604 = tpu.vector_load %arg6[%get3A_602, %get3A_603] {strides = array<i32>} : memref<800x32xf32, #tpu.memory_space<vmem>>, vector<16xf32>,
        %get3A_605 = arith.index_cast %add3A_601 : i32 to index
        %get3A_606 = arith.constant 16 : index
        %get3A_607 = tpu.vector_load %arg6[%get3A_605, %get3A_606] {strides = array<i32>} : memref<800x32xf32, #tpu.memory_space<vmem>>, vector<16xf32>,
        tpu.vector_store_idx %arg8[%broadcast_in_dim3A_583, %select_n3A, %select_n3A_48, %broadcast_in_dim3A_53], %get3A_604 : memref<50x4x8x17xf32, #tpu.memory_space<vmem>>[vector<16xi32>, vector<16xi32>, vector<16xi32>, vector<16xi32>], vector<16xf32>,
        tpu.vector_store_idx %arg8[%broadcast_in_dim3A_583, %add3A_28, %select_n3A_48, %broadcast_in_dim3A_53], %get3A_607 : memref<50x4x8x17xf32, #tpu.memory_space<vmem>>[vector<16xi32>, vector<16xi32>, vector<16xi32>, vector<16xi32>], vector<16xf32>,
        %add3A_608 = arith.constant 150 : i32
        %add3A_609 = arith.addi %add3A_608, %add3A_582 : i32
        %get3A_610 = arith.index_cast %add3A_609 : i32 to index
        %get3A_611 = arith.constant 0 : index
        %get3A_612 = tpu.vector_load %arg6[%get3A_610, %get3A_611] {strides = array<i32>} : memref<800x32xf32, #tpu.memory_space<vmem>>, vector<16xf32>,
        %get3A_613 = arith.index_cast %add3A_609 : i32 to index
        %get3A_614 = arith.constant 16 : index
        %get3A_615 = tpu.vector_load %arg6[%get3A_613, %get3A_614] {strides = array<i32>} : memref<800x32xf32, #tpu.memory_space<vmem>>, vector<16xf32>,
        tpu.vector_store_idx %arg8[%broadcast_in_dim3A_583, %select_n3A, %select_n3A_48, %broadcast_in_dim3A_55], %get3A_612 : memref<50x4x8x17xf32, #tpu.memory_space<vmem>>[vector<16xi32>, vector<16xi32>, vector<16xi32>, vector<16xi32>], vector<16xf32>,
        tpu.vector_store_idx %arg8[%broadcast_in_dim3A_583, %add3A_28, %select_n3A_48, %broadcast_in_dim3A_55], %get3A_615 : memref<50x4x8x17xf32, #tpu.memory_space<vmem>>[vector<16xi32>, vector<16xi32>, vector<16xi32>, vector<16xi32>], vector<16xf32>,
        %add3A_616 = arith.constant 200 : i32
        %add3A_617 = arith.addi %add3A_616, %add3A_582 : i32
        %get3A_618 = arith.index_cast %add3A_617 : i32 to index
        %get3A_619 = arith.constant 0 : index
        %get3A_620 = tpu.vector_load %arg6[%get3A_618, %get3A_619] {strides = array<i32>} : memref<800x32xf32, #tpu.memory_space<vmem>>, vector<16xf32>,
        %get3A_621 = arith.index_cast %add3A_617 : i32 to index
        %get3A_622 = arith.constant 16 : index
        %get3A_623 = tpu.vector_load %arg6[%get3A_621, %get3A_622] {strides = array<i32>} : memref<800x32xf32, #tpu.memory_space<vmem>>, vector<16xf32>,
        tpu.vector_store_idx %arg8[%broadcast_in_dim3A_583, %select_n3A, %select_n3A_48, %broadcast_in_dim3A_57], %get3A_620 : memref<50x4x8x17xf32, #tpu.memory_space<vmem>>[vector<16xi32>, vector<16xi32>, vector<16xi32>, vector<16xi32>], vector<16xf32>,
        tpu.vector_store_idx %arg8[%broadcast_in_dim3A_583, %add3A_28, %select_n3A_48, %broadcast_in_dim3A_57], %get3A_623 : memref<50x4x8x17xf32, #tpu.memory_space<vmem>>[vector<16xi32>, vector<16xi32>, vector<16xi32>, vector<16xi32>], vector<16xf32>,
        %add3A_624 = arith.constant 250 : i32
        %add3A_625 = arith.addi %add3A_624, %add3A_582 : i32
        %get3A_626 = arith.index_cast %add3A_625 : i32 to index
        %get3A_627 = arith.constant 0 : index
        %get3A_628 = tpu.vector_load %arg6[%get3A_626, %get3A_627] {strides = array<i32>} : memref<800x32xf32, #tpu.memory_space<vmem>>, vector<16xf32>,
        %get3A_629 = arith.index_cast %add3A_625 : i32 to index
        %get3A_630 = arith.constant 16 : index
        %get3A_631 = tpu.vector_load %arg6[%get3A_629, %get3A_630] {strides = array<i32>} : memref<800x32xf32, #tpu.memory_space<vmem>>, vector<16xf32>,
        tpu.vector_store_idx %arg8[%broadcast_in_dim3A_583, %select_n3A, %select_n3A_48, %broadcast_in_dim3A_59], %get3A_628 : memref<50x4x8x17xf32, #tpu.memory_space<vmem>>[vector<16xi32>, vector<16xi32>, vector<16xi32>, vector<16xi32>], vector<16xf32>,
        tpu.vector_store_idx %arg8[%broadcast_in_dim3A_583, %add3A_28, %select_n3A_48, %broadcast_in_dim3A_59], %get3A_631 : memref<50x4x8x17xf32, #tpu.memory_space<vmem>>[vector<16xi32>, vector<16xi32>, vector<16xi32>, vector<16xi32>], vector<16xf32>,
        %add3A_632 = arith.constant 300 : i32
        %add3A_633 = arith.addi %add3A_632, %add3A_582 : i32
        %get3A_634 = arith.index_cast %add3A_633 : i32 to index
        %get3A_635 = arith.constant 0 : index
        %get3A_636 = tpu.vector_load %arg6[%get3A_634, %get3A_635] {strides = array<i32>} : memref<800x32xf32, #tpu.memory_space<vmem>>, vector<16xf32>,
        %get3A_637 = arith.index_cast %add3A_633 : i32 to index
        %get3A_638 = arith.constant 16 : index
        %get3A_639 = tpu.vector_load %arg6[%get3A_637, %get3A_638] {strides = array<i32>} : memref<800x32xf32, #tpu.memory_space<vmem>>, vector<16xf32>,
        tpu.vector_store_idx %arg8[%broadcast_in_dim3A_583, %select_n3A, %select_n3A_48, %broadcast_in_dim3A_61], %get3A_636 : memref<50x4x8x17xf32, #tpu.memory_space<vmem>>[vector<16xi32>, vector<16xi32>, vector<16xi32>, vector<16xi32>], vector<16xf32>,
        tpu.vector_store_idx %arg8[%broadcast_in_dim3A_583, %add3A_28, %select_n3A_48, %broadcast_in_dim3A_61], %get3A_639 : memref<50x4x8x17xf32, #tpu.memory_space<vmem>>[vector<16xi32>, vector<16xi32>, vector<16xi32>, vector<16xi32>], vector<16xf32>,
        %add3A_640 = arith.constant 350 : i32
        %add3A_641 = arith.addi %add3A_640, %add3A_582 : i32
        %get3A_642 = arith.index_cast %add3A_641 : i32 to index
        %get3A_643 = arith.constant 0 : index
        %get3A_644 = tpu.vector_load %arg6[%get3A_642, %get3A_643] {strides = array<i32>} : memref<800x32xf32, #tpu.memory_space<vmem>>, vector<16xf32>,
        %get3A_645 = arith.index_cast %add3A_641 : i32 to index
        %get3A_646 = arith.constant 16 : index
        %get3A_647 = tpu.vector_load %arg6[%get3A_645, %get3A_646] {strides = array<i32>} : memref<800x32xf32, #tpu.memory_space<vmem>>, vector<16xf32>,
        tpu.vector_store_idx %arg8[%broadcast_in_dim3A_583, %select_n3A, %select_n3A_48, %broadcast_in_dim3A_63], %get3A_644 : memref<50x4x8x17xf32, #tpu.memory_space<vmem>>[vector<16xi32>, vector<16xi32>, vector<16xi32>, vector<16xi32>], vector<16xf32>,
        tpu.vector_store_idx %arg8[%broadcast_in_dim3A_583, %add3A_28, %select_n3A_48, %broadcast_in_dim3A_63], %get3A_647 : memref<50x4x8x17xf32, #tpu.memory_space<vmem>>[vector<16xi32>, vector<16xi32>, vector<16xi32>, vector<16xi32>], vector<16xf32>,
        %add3A_648 = arith.constant 400 : i32
        %add3A_649 = arith.addi %add3A_648, %add3A_582 : i32
        %get3A_650 = arith.index_cast %add3A_649 : i32 to index
        %get3A_651 = arith.constant 0 : index
        %get3A_652 = tpu.vector_load %arg6[%get3A_650, %get3A_651] {strides = array<i32>} : memref<800x32xf32, #tpu.memory_space<vmem>>, vector<16xf32>,
        %get3A_653 = arith.index_cast %add3A_649 : i32 to index
        %get3A_654 = arith.constant 16 : index
        %get3A_655 = tpu.vector_load %arg6[%get3A_653, %get3A_654] {strides = array<i32>} : memref<800x32xf32, #tpu.memory_space<vmem>>, vector<16xf32>,
        tpu.vector_store_idx %arg8[%broadcast_in_dim3A_583, %select_n3A, %select_n3A_48, %broadcast_in_dim3A_65], %get3A_652 : memref<50x4x8x17xf32, #tpu.memory_space<vmem>>[vector<16xi32>, vector<16xi32>, vector<16xi32>, vector<16xi32>], vector<16xf32>,
        tpu.vector_store_idx %arg8[%broadcast_in_dim3A_583, %add3A_28, %select_n3A_48, %broadcast_in_dim3A_65], %get3A_655 : memref<50x4x8x17xf32, #tpu.memory_space<vmem>>[vector<16xi32>, vector<16xi32>, vector<16xi32>, vector<16xi32>], vector<16xf32>,
        %add3A_656 = arith.constant 450 : i32
        %add3A_657 = arith.addi %add3A_656, %add3A_582 : i32
        %get3A_658 = arith.index_cast %add3A_657 : i32 to index
        %get3A_659 = arith.constant 0 : index
        %get3A_660 = tpu.vector_load %arg6[%get3A_658, %get3A_659] {strides = array<i32>} : memref<800x32xf32, #tpu.memory_space<vmem>>, vector<16xf32>,
        %get3A_661 = arith.index_cast %add3A_657 : i32 to index
        %get3A_662 = arith.constant 16 : index
        %get3A_663 = tpu.vector_load %arg6[%get3A_661, %get3A_662] {strides = array<i32>} : memref<800x32xf32, #tpu.memory_space<vmem>>, vector<16xf32>,
        tpu.vector_store_idx %arg8[%broadcast_in_dim3A_583, %select_n3A, %select_n3A_48, %broadcast_in_dim3A_67], %get3A_660 : memref<50x4x8x17xf32, #tpu.memory_space<vmem>>[vector<16xi32>, vector<16xi32>, vector<16xi32>, vector<16xi32>], vector<16xf32>,
        tpu.vector_store_idx %arg8[%broadcast_in_dim3A_583, %add3A_28, %select_n3A_48, %broadcast_in_dim3A_67], %get3A_663 : memref<50x4x8x17xf32, #tpu.memory_space<vmem>>[vector<16xi32>, vector<16xi32>, vector<16xi32>, vector<16xi32>], vector<16xf32>,
        %add3A_664 = arith.constant 500 : i32
        %add3A_665 = arith.addi %add3A_664, %add3A_582 : i32
        %get3A_666 = arith.index_cast %add3A_665 : i32 to index
        %get3A_667 = arith.constant 0 : index
        %get3A_668 = tpu.vector_load %arg6[%get3A_666, %get3A_667] {strides = array<i32>} : memref<800x32xf32, #tpu.memory_space<vmem>>, vector<16xf32>,
        %get3A_669 = arith.index_cast %add3A_665 : i32 to index
        %get3A_670 = arith.constant 16 : index
        %get3A_671 = tpu.vector_load %arg6[%get3A_669, %get3A_670] {strides = array<i32>} : memref<800x32xf32, #tpu.memory_space<vmem>>, vector<16xf32>,
        tpu.vector_store_idx %arg8[%broadcast_in_dim3A_583, %select_n3A, %select_n3A_48, %broadcast_in_dim3A_69], %get3A_668 : memref<50x4x8x17xf32, #tpu.memory_space<vmem>>[vector<16xi32>, vector<16xi32>, vector<16xi32>, vector<16xi32>], vector<16xf32>,
        tpu.vector_store_idx %arg8[%broadcast_in_dim3A_583, %add3A_28, %select_n3A_48, %broadcast_in_dim3A_69], %get3A_671 : memref<50x4x8x17xf32, #tpu.memory_space<vmem>>[vector<16xi32>, vector<16xi32>, vector<16xi32>, vector<16xi32>], vector<16xf32>,
        %add3A_672 = arith.constant 550 : i32
        %add3A_673 = arith.addi %add3A_672, %add3A_582 : i32
        %get3A_674 = arith.index_cast %add3A_673 : i32 to index
        %get3A_675 = arith.constant 0 : index
        %get3A_676 = tpu.vector_load %arg6[%get3A_674, %get3A_675] {strides = array<i32>} : memref<800x32xf32, #tpu.memory_space<vmem>>, vector<16xf32>,
        %get3A_677 = arith.index_cast %add3A_673 : i32 to index
        %get3A_678 = arith.constant 16 : index
        %get3A_679 = tpu.vector_load %arg6[%get3A_677, %get3A_678] {strides = array<i32>} : memref<800x32xf32, #tpu.memory_space<vmem>>, vector<16xf32>,
        tpu.vector_store_idx %arg8[%broadcast_in_dim3A_583, %select_n3A, %select_n3A_48, %broadcast_in_dim3A_71], %get3A_676 : memref<50x4x8x17xf32, #tpu.memory_space<vmem>>[vector<16xi32>, vector<16xi32>, vector<16xi32>, vector<16xi32>], vector<16xf32>,
        tpu.vector_store_idx %arg8[%broadcast_in_dim3A_583, %add3A_28, %select_n3A_48, %broadcast_in_dim3A_71], %get3A_679 : memref<50x4x8x17xf32, #tpu.memory_space<vmem>>[vector<16xi32>, vector<16xi32>, vector<16xi32>, vector<16xi32>], vector<16xf32>,
        %add3A_680 = arith.constant 600 : i32
        %add3A_681 = arith.addi %add3A_680, %add3A_582 : i32
        %get3A_682 = arith.index_cast %add3A_681 : i32 to index
        %get3A_683 = arith.constant 0 : index
        %get3A_684 = tpu.vector_load %arg6[%get3A_682, %get3A_683] {strides = array<i32>} : memref<800x32xf32, #tpu.memory_space<vmem>>, vector<16xf32>,
        %get3A_685 = arith.index_cast %add3A_681 : i32 to index
        %get3A_686 = arith.constant 16 : index
        %get3A_687 = tpu.vector_load %arg6[%get3A_685, %get3A_686] {strides = array<i32>} : memref<800x32xf32, #tpu.memory_space<vmem>>, vector<16xf32>,
        tpu.vector_store_idx %arg8[%broadcast_in_dim3A_583, %select_n3A, %select_n3A_48, %broadcast_in_dim3A_73], %get3A_684 : memref<50x4x8x17xf32, #tpu.memory_space<vmem>>[vector<16xi32>, vector<16xi32>, vector<16xi32>, vector<16xi32>], vector<16xf32>,
        tpu.vector_store_idx %arg8[%broadcast_in_dim3A_583, %add3A_28, %select_n3A_48, %broadcast_in_dim3A_73], %get3A_687 : memref<50x4x8x17xf32, #tpu.memory_space<vmem>>[vector<16xi32>, vector<16xi32>, vector<16xi32>, vector<16xi32>], vector<16xf32>,
        %add3A_688 = arith.constant 650 : i32
        %add3A_689 = arith.addi %add3A_688, %add3A_582 : i32
        %get3A_690 = arith.index_cast %add3A_689 : i32 to index
        %get3A_691 = arith.constant 0 : index
        %get3A_692 = tpu.vector_load %arg6[%get3A_690, %get3A_691] {strides = array<i32>} : memref<800x32xf32, #tpu.memory_space<vmem>>, vector<16xf32>,
        %get3A_693 = arith.index_cast %add3A_689 : i32 to index
        %get3A_694 = arith.constant 16 : index
        %get3A_695 = tpu.vector_load %arg6[%get3A_693, %get3A_694] {strides = array<i32>} : memref<800x32xf32, #tpu.memory_space<vmem>>, vector<16xf32>,
        tpu.vector_store_idx %arg8[%broadcast_in_dim3A_583, %select_n3A, %select_n3A_48, %broadcast_in_dim3A_75], %get3A_692 : memref<50x4x8x17xf32, #tpu.memory_space<vmem>>[vector<16xi32>, vector<16xi32>, vector<16xi32>, vector<16xi32>], vector<16xf32>,
        tpu.vector_store_idx %arg8[%broadcast_in_dim3A_583, %add3A_28, %select_n3A_48, %broadcast_in_dim3A_75], %get3A_695 : memref<50x4x8x17xf32, #tpu.memory_space<vmem>>[vector<16xi32>, vector<16xi32>, vector<16xi32>, vector<16xi32>], vector<16xf32>,
        %add3A_696 = arith.constant 700 : i32
        %add3A_697 = arith.addi %add3A_696, %add3A_582 : i32
        %get3A_698 = arith.index_cast %add3A_697 : i32 to index
        %get3A_699 = arith.constant 0 : index
        %get3A_700 = tpu.vector_load %arg6[%get3A_698, %get3A_699] {strides = array<i32>} : memref<800x32xf32, #tpu.memory_space<vmem>>, vector<16xf32>,
        %get3A_701 = arith.index_cast %add3A_697 : i32 to index
        %get3A_702 = arith.constant 16 : index
        %get3A_703 = tpu.vector_load %arg6[%get3A_701, %get3A_702] {strides = array<i32>} : memref<800x32xf32, #tpu.memory_space<vmem>>, vector<16xf32>,
        tpu.vector_store_idx %arg8[%broadcast_in_dim3A_583, %select_n3A, %select_n3A_48, %broadcast_in_dim3A_77], %get3A_700 : memref<50x4x8x17xf32, #tpu.memory_space<vmem>>[vector<16xi32>, vector<16xi32>, vector<16xi32>, vector<16xi32>], vector<16xf32>,
        tpu.vector_store_idx %arg8[%broadcast_in_dim3A_583, %add3A_28, %select_n3A_48, %broadcast_in_dim3A_77], %get3A_703 : memref<50x4x8x17xf32, #tpu.memory_space<vmem>>[vector<16xi32>, vector<16xi32>, vector<16xi32>, vector<16xi32>], vector<16xf32>,
        %add3A_704 = arith.constant 750 : i32
        %add3A_705 = arith.addi %add3A_704, %add3A_582 : i32
        %get3A_706 = arith.index_cast %add3A_705 : i32 to index
        %get3A_707 = arith.constant 0 : index
        %get3A_708 = tpu.vector_load %arg6[%get3A_706, %get3A_707] {strides = array<i32>} : memref<800x32xf32, #tpu.memory_space<vmem>>, vector<16xf32>,
        %get3A_709 = arith.index_cast %add3A_705 : i32 to index
        %get3A_710 = arith.constant 16 : index
        %get3A_711 = tpu.vector_load %arg6[%get3A_709, %get3A_710] {strides = array<i32>} : memref<800x32xf32, #tpu.memory_space<vmem>>, vector<16xf32>,
        tpu.vector_store_idx %arg8[%broadcast_in_dim3A_583, %select_n3A, %select_n3A_48, %broadcast_in_dim3A_79], %get3A_708 : memref<50x4x8x17xf32, #tpu.memory_space<vmem>>[vector<16xi32>, vector<16xi32>, vector<16xi32>, vector<16xi32>], vector<16xf32>,
        tpu.vector_store_idx %arg8[%broadcast_in_dim3A_583, %add3A_28, %select_n3A_48, %broadcast_in_dim3A_79], %get3A_711 : memref<50x4x8x17xf32, #tpu.memory_space<vmem>>[vector<16xi32>, vector<16xi32>, vector<16xi32>, vector<16xi32>], vector<16xf32>,
      }
      %scan3A_291 = arith.constant 25 : i32
      %mul3A_292 = arith.constant 16 : i32
      %mul3A_293 = arith.muli %add3A_270, %mul3A_292 : i32
      %add3A_294 = arith.addi %mul3A_2, %mul3A_293 : i32
      %jit3A_295 = arith.constant 128 : i32
      %div3A_296 = arith.divsi %add3A_294, %jit3A_295 : i32
      %sign3A_297 = arith.constant 0 : i32
      %sign3A_298 = arith.cmpi sgt, %add3A_294, %sign3A_297 : i32
      %sign3A_299 = arith.extui %sign3A_298 : i1 to i32
      %sign3A_300 = arith.constant 0 : i32
      %sign3A_301 = arith.cmpi slt, %add3A_294, %sign3A_300 : i32
      %sign3A_302 = arith.extui %sign3A_301 : i1 to i32
      %sign3A_303 = arith.subi %sign3A_299, %sign3A_302 : i32
      %sign3A_304 = arith.constant 0 : i32
      %sign3A_305 = arith.cmpi sgt, %jit3A_295, %sign3A_304 : i32
      %sign3A_306 = arith.extui %sign3A_305 : i1 to i32
      %sign3A_307 = arith.constant 0 : i32
      %sign3A_308 = arith.cmpi slt, %jit3A_295, %sign3A_307 : i32
      %sign3A_309 = arith.extui %sign3A_308 : i1 to i32
      %sign3A_310 = arith.subi %sign3A_306, %sign3A_309 : i32
      %ne3A_311 = arith.cmpi ne, %sign3A_303, %sign3A_310 : i32
      %rem3A_312 = arith.remsi %add3A_294, %jit3A_295 : i32
      %ne3A_313 = arith.constant 0 : i32
      %ne3A_314 = arith.cmpi ne, %rem3A_312, %ne3A_313 : i32
      %and3A_315 = arith.andi %ne3A_311, %ne3A_314 : i1
      %sub3A_316 = arith.constant 1 : i32
      %sub3A_317 = arith.subi %div3A_296, %sub3A_316 : i32
      %select_n3A_318 = arith.select %and3A_315, %sub3A_317, %div3A_296 : i32
      %jit3A_319 = arith.constant 128 : i32
      %eq3A_320 = arith.constant 0 : i32
      %eq3A_321 = arith.cmpi eq, %jit3A_319, %eq3A_320 : i32
      %jit3A_322 = arith.constant 1 : i32
      %select_n3A_323 = arith.select %eq3A_321, %jit3A_322, %jit3A_319 : i32
      %rem3A_324 = arith.remsi %add3A_294, %select_n3A_323 : i32
      %ne3A_325 = arith.constant 0 : i32
      %ne3A_326 = arith.cmpi ne, %rem3A_324, %ne3A_325 : i32
      %lt3A_327 = arith.constant 0 : i32
      %lt3A_328 = arith.cmpi slt, %rem3A_324, %lt3A_327 : i32
      %lt3A_329 = arith.constant 0 : i32
      %lt3A_330 = arith.cmpi slt, %select_n3A_323, %lt3A_329 : i32
      %ne3A_331 = arith.xori %lt3A_328, %lt3A_330 : i1
      %and3A_332 = arith.andi %ne3A_331, %ne3A_326 : i1
      %add3A_333 = arith.addi %rem3A_324, %select_n3A_323 : i32
      %select_n3A_334 = arith.select %and3A_332, %add3A_333, %rem3A_324 : i32
      %dma_start3A_335 = arith.constant 0 : i32
      %dma_start3A_336 = arith.constant 0 : i32
      %dma_start3A_337 = arith.constant 0 : i32
      %dma_start3A_338 = arith.constant 0 : i32
      %dma_start3A_339 = tpu.memref_slice %arg8[%dma_start3A_335, %dma_start3A_336, %dma_start3A_337, %dma_start3A_338] : memref<50x4x8x17xf32, #tpu.memory_space<vmem>> -> memref<50x4x8x16xf32, #tpu.memory_space<vmem>>
      %dma_start3A_340 = arith.constant 0 : i32
      %dma_start3A_341 = arith.constant 0 : i32
      %dma_start3A_342 = arith.constant 0 : i32
      %dma_start3A_343 = tpu.memref_slice %arg4[%dma_start3A_340, %dma_start3A_341, %select_n3A_318, %dma_start3A_342, %select_n3A_334] : memref<50x4x128x8x128xf32, #tpu.memory_space<hbm>> -> memref<50x4x1x8x16xf32, #tpu.memory_space<hbm>>
      %dma_start3A_344 = tpu.memref_squeeze %dma_start3A_343 : memref<50x4x1x8x16xf32, #tpu.memory_space<hbm>> -> memref<50x4x8x16xf32, #tpu.memory_space<hbm>>
      %dma_start3A_345 = arith.constant 0 : i32
      %dma_start3A_346 = arith.constant 0 : i32
      %dma_start3A_347 = arith.constant 0 : i32
      %dma_start3A_348 = tpu.memref_slice %arg4[%dma_start3A_345, %dma_start3A_346, %select_n3A_318, %dma_start3A_347, %select_n3A_334] : memref<50x4x128x8x128xf32, #tpu.memory_space<hbm>> -> memref<50x4x1x8x16xf32, #tpu.memory_space<hbm>>
      %dma_start3A_349 = tpu.memref_squeeze %dma_start3A_348 : memref<50x4x1x8x16xf32, #tpu.memory_space<hbm>> -> memref<50x4x8x16xf32, #tpu.memory_space<hbm>>
      %dma_start3A_350 = arith.constant 0 : i32
      %dma_start3A_351 = arith.constant 0 : i32
      %dma_start3A_352 = arith.constant 0 : i32
      %dma_start3A_353 = arith.constant 0 : i32
      %dma_start3A_354 = tpu.memref_slice %arg8[%dma_start3A_350, %dma_start3A_351, %dma_start3A_352, %dma_start3A_353] : memref<50x4x8x17xf32, #tpu.memory_space<vmem>> -> memref<50x4x8x16xf32, #tpu.memory_space<vmem>>
      tpu.enqueue_dma source(%dma_start3A_354 : memref<50x4x8x16xf32, #tpu.memory_space<vmem>>) target(%dma_start3A_349 : memref<50x4x8x16xf32, #tpu.memory_space<hbm>>) target_semaphore(%arg11 : memref<!tpu.dma_semaphore, #tpu.memory_space<semaphore_mem>>)
      %mul3A_355 = arith.constant 2 : i32
      %mul3A_356 = arith.muli %mul3A_355, %scan3A_266 : i32
      %add3A_357 = arith.constant 1 : i32
      %add3A_358 = arith.addi %mul3A_356, %add3A_357 : i32
      %dma_wait3A_359 = arith.constant 0 : i32
      %dma_wait3A_360 = arith.constant 0 : i32
      %dma_wait3A_361 = tpu.memref_slice %arg3[%dma_wait3A_359, %dma_wait3A_360] : memref<1000000x32xf32, #tpu.memory_space<hbm>> -> memref<800x32xf32, #tpu.memory_space<hbm>>
      %dma_wait3A_362 = arith.constant 0 : i32
      %dma_wait3A_363 = arith.constant 0 : i32
      %dma_wait3A_364 = tpu.memref_slice %arg3[%dma_wait3A_362, %dma_wait3A_363] : memref<1000000x32xf32, #tpu.memory_space<hbm>> -> memref<800x32xf32, #tpu.memory_space<hbm>>
      tpu.wait_dma2 semaphore(%arg10 : memref<!tpu.dma_semaphore, #tpu.memory_space<semaphore_mem>>) src(%dma_wait3A_364 : memref<800x32xf32, #tpu.memory_space<hbm>>) dst(%arg7 : memref<800x32xf32, #tpu.memory_space<vmem>>)
      %add3A_365 = arith.constant 1 : i32
      %add3A_366 = arith.addi %add3A_358, %add3A_365 : i32
      %lt3A_367 = arith.constant 32 : i32
      %lt3A_368 = arith.cmpi slt, %add3A_366, %lt3A_367 : i32
      %convert_element_type3A_369 = arith.extui %lt3A_368 : i1 to i32
      %cond3A_370 = arith.constant 0 : i32
      %cond3A_371 = arith.cmpi ne, %convert_element_type3A_369, %cond3A_370 : i32
      scf.if %cond3A_371 {
        %add3A_446 = arith.constant 1 : i32
        %add3A_447 = arith.addi %add3A_358, %add3A_446 : i32
        %mul3A_448 = arith.constant 16 : i32
        %mul3A_449 = arith.muli %add3A_447, %mul3A_448 : i32
        %add3A_450 = arith.constant 0 : i32
        %add3A_451 = arith.addi %mul3A_449, %add3A_450 : i32
        %dma_start3A_452 = arith.constant 0 : i32
        %dma_start3A_453 = arith.constant 0 : i32
        %dma_start3A_454 = tpu.memref_slice %arg6[%dma_start3A_452, %dma_start3A_453] : memref<800x32xf32, #tpu.memory_space<vmem>> -> memref<50x32xf32, #tpu.memory_space<vmem>>
        %dma_start3A_455 = arith.constant 0 : i32
        %dma_start3A_456 = tpu.memref_slice %arg5[%add3A_451, %dma_start3A_455] : memref<512x50xi32, #tpu.memory_space<vmem>> -> memref<1x50xi32, #tpu.memory_space<vmem>>
        %dma_start3A_457 = tpu.memref_squeeze %dma_start3A_456 : memref<1x50xi32, #tpu.memory_space<vmem>> -> memref<50xi32, #tpu.memory_space<vmem>>
        %dma_start3A_458 = arith.constant 0 : i32
        %dma_start3A_459 = arith.constant 0 : i32
        %dma_start3A_460 = tpu.memref_slice %arg3[%dma_start3A_458, %dma_start3A_459] : memref<1000000x32xf32, #tpu.memory_space<hbm>> -> memref<1000000x32xf32, #tpu.memory_space<hbm>>
        tpu.enqueue_indirect_dma source(%dma_start3A_460 : memref<1000000x32xf32, #tpu.memory_space<hbm>>) target(%dma_start3A_454 : memref<50x32xf32, #tpu.memory_space<vmem>>) offsets(%dma_start3A_457 : memref<50xi32, #tpu.memory_space<vmem>>) semaphore(%arg9 : memref<!tpu.dma_semaphore, #tpu.memory_space<semaphore_mem>>)
        %mul3A_461 = arith.constant 16 : i32
        %mul3A_462 = arith.muli %add3A_447, %mul3A_461 : i32
        %add3A_463 = arith.constant 1 : i32
        %add3A_464 = arith.addi %mul3A_462, %add3A_463 : i32
        %dma_start3A_465 = arith.constant 50 : i32
        %dma_start3A_466 = arith.constant 0 : i32
        %dma_start3A_467 = tpu.memref_slice %arg6[%dma_start3A_465, %dma_start3A_466] : memref<800x32xf32, #tpu.memory_space<vmem>> -> memref<50x32xf32, #tpu.memory_space<vmem>>
        %dma_start3A_468 = arith.constant 0 : i32
        %dma_start3A_469 = tpu.memref_slice %arg5[%add3A_464, %dma_start3A_468] : memref<512x50xi32, #tpu.memory_space<vmem>> -> memref<1x50xi32, #tpu.memory_space<vmem>>
        %dma_start3A_470 = tpu.memref_squeeze %dma_start3A_469 : memref<1x50xi32, #tpu.memory_space<vmem>> -> memref<50xi32, #tpu.memory_space<vmem>>
        %dma_start3A_471 = arith.constant 0 : i32
        %dma_start3A_472 = arith.constant 0 : i32
        %dma_start3A_473 = tpu.memref_slice %arg3[%dma_start3A_471, %dma_start3A_472] : memref<1000000x32xf32, #tpu.memory_space<hbm>> -> memref<1000000x32xf32, #tpu.memory_space<hbm>>
        tpu.enqueue_indirect_dma source(%dma_start3A_473 : memref<1000000x32xf32, #tpu.memory_space<hbm>>) target(%dma_start3A_467 : memref<50x32xf32, #tpu.memory_space<vmem>>) offsets(%dma_start3A_470 : memref<50xi32, #tpu.memory_space<vmem>>) semaphore(%arg9 : memref<!tpu.dma_semaphore, #tpu.memory_space<semaphore_mem>>)
        %mul3A_474 = arith.constant 16 : i32
        %mul3A_475 = arith.muli %add3A_447, %mul3A_474 : i32
        %add3A_476 = arith.constant 2 : i32
        %add3A_477 = arith.addi %mul3A_475, %add3A_476 : i32
        %dma_start3A_478 = arith.constant 100 : i32
        %dma_start3A_479 = arith.constant 0 : i32
        %dma_start3A_480 = tpu.memref_slice %arg6[%dma_start3A_478, %dma_start3A_479] : memref<800x32xf32, #tpu.memory_space<vmem>> -> memref<50x32xf32, #tpu.memory_space<vmem>>
        %dma_start3A_481 = arith.constant 0 : i32
        %dma_start3A_482 = tpu.memref_slice %arg5[%add3A_477, %dma_start3A_481] : memref<512x50xi32, #tpu.memory_space<vmem>> -> memref<1x50xi32, #tpu.memory_space<vmem>>
        %dma_start3A_483 = tpu.memref_squeeze %dma_start3A_482 : memref<1x50xi32, #tpu.memory_space<vmem>> -> memref<50xi32, #tpu.memory_space<vmem>>
        %dma_start3A_484 = arith.constant 0 : i32
        %dma_start3A_485 = arith.constant 0 : i32
        %dma_start3A_486 = tpu.memref_slice %arg3[%dma_start3A_484, %dma_start3A_485] : memref<1000000x32xf32, #tpu.memory_space<hbm>> -> memref<1000000x32xf32, #tpu.memory_space<hbm>>
        tpu.enqueue_indirect_dma source(%dma_start3A_486 : memref<1000000x32xf32, #tpu.memory_space<hbm>>) target(%dma_start3A_480 : memref<50x32xf32, #tpu.memory_space<vmem>>) offsets(%dma_start3A_483 : memref<50xi32, #tpu.memory_space<vmem>>) semaphore(%arg9 : memref<!tpu.dma_semaphore, #tpu.memory_space<semaphore_mem>>)
        %mul3A_487 = arith.constant 16 : i32
        %mul3A_488 = arith.muli %add3A_447, %mul3A_487 : i32
        %add3A_489 = arith.constant 3 : i32
        %add3A_490 = arith.addi %mul3A_488, %add3A_489 : i32
        %dma_start3A_491 = arith.constant 150 : i32
        %dma_start3A_492 = arith.constant 0 : i32
        %dma_start3A_493 = tpu.memref_slice %arg6[%dma_start3A_491, %dma_start3A_492] : memref<800x32xf32, #tpu.memory_space<vmem>> -> memref<50x32xf32, #tpu.memory_space<vmem>>
        %dma_start3A_494 = arith.constant 0 : i32
        %dma_start3A_495 = tpu.memref_slice %arg5[%add3A_490, %dma_start3A_494] : memref<512x50xi32, #tpu.memory_space<vmem>> -> memref<1x50xi32, #tpu.memory_space<vmem>>
        %dma_start3A_496 = tpu.memref_squeeze %dma_start3A_495 : memref<1x50xi32, #tpu.memory_space<vmem>> -> memref<50xi32, #tpu.memory_space<vmem>>
        %dma_start3A_497 = arith.constant 0 : i32
        %dma_start3A_498 = arith.constant 0 : i32
        %dma_start3A_499 = tpu.memref_slice %arg3[%dma_start3A_497, %dma_start3A_498] : memref<1000000x32xf32, #tpu.memory_space<hbm>> -> memref<1000000x32xf32, #tpu.memory_space<hbm>>
        tpu.enqueue_indirect_dma source(%dma_start3A_499 : memref<1000000x32xf32, #tpu.memory_space<hbm>>) target(%dma_start3A_493 : memref<50x32xf32, #tpu.memory_space<vmem>>) offsets(%dma_start3A_496 : memref<50xi32, #tpu.memory_space<vmem>>) semaphore(%arg9 : memref<!tpu.dma_semaphore, #tpu.memory_space<semaphore_mem>>)
        %mul3A_500 = arith.constant 16 : i32
        %mul3A_501 = arith.muli %add3A_447, %mul3A_500 : i32
        %add3A_502 = arith.constant 4 : i32
        %add3A_503 = arith.addi %mul3A_501, %add3A_502 : i32
        %dma_start3A_504 = arith.constant 200 : i32
        %dma_start3A_505 = arith.constant 0 : i32
        %dma_start3A_506 = tpu.memref_slice %arg6[%dma_start3A_504, %dma_start3A_505] : memref<800x32xf32, #tpu.memory_space<vmem>> -> memref<50x32xf32, #tpu.memory_space<vmem>>
        %dma_start3A_507 = arith.constant 0 : i32
        %dma_start3A_508 = tpu.memref_slice %arg5[%add3A_503, %dma_start3A_507] : memref<512x50xi32, #tpu.memory_space<vmem>> -> memref<1x50xi32, #tpu.memory_space<vmem>>
        %dma_start3A_509 = tpu.memref_squeeze %dma_start3A_508 : memref<1x50xi32, #tpu.memory_space<vmem>> -> memref<50xi32, #tpu.memory_space<vmem>>
        %dma_start3A_510 = arith.constant 0 : i32
        %dma_start3A_511 = arith.constant 0 : i32
        %dma_start3A_512 = tpu.memref_slice %arg3[%dma_start3A_510, %dma_start3A_511] : memref<1000000x32xf32, #tpu.memory_space<hbm>> -> memref<1000000x32xf32, #tpu.memory_space<hbm>>
        tpu.enqueue_indirect_dma source(%dma_start3A_512 : memref<1000000x32xf32, #tpu.memory_space<hbm>>) target(%dma_start3A_506 : memref<50x32xf32, #tpu.memory_space<vmem>>) offsets(%dma_start3A_509 : memref<50xi32, #tpu.memory_space<vmem>>) semaphore(%arg9 : memref<!tpu.dma_semaphore, #tpu.memory_space<semaphore_mem>>)
        %mul3A_513 = arith.constant 16 : i32
        %mul3A_514 = arith.muli %add3A_447, %mul3A_513 : i32
        %add3A_515 = arith.constant 5 : i32
        %add3A_516 = arith.addi %mul3A_514, %add3A_515 : i32
        %dma_start3A_517 = arith.constant 250 : i32
        %dma_start3A_518 = arith.constant 0 : i32
        %dma_start3A_519 = tpu.memref_slice %arg6[%dma_start3A_517, %dma_start3A_518] : memref<800x32xf32, #tpu.memory_space<vmem>> -> memref<50x32xf32, #tpu.memory_space<vmem>>
        %dma_start3A_520 = arith.constant 0 : i32
        %dma_start3A_521 = tpu.memref_slice %arg5[%add3A_516, %dma_start3A_520] : memref<512x50xi32, #tpu.memory_space<vmem>> -> memref<1x50xi32, #tpu.memory_space<vmem>>
        %dma_start3A_522 = tpu.memref_squeeze %dma_start3A_521 : memref<1x50xi32, #tpu.memory_space<vmem>> -> memref<50xi32, #tpu.memory_space<vmem>>
        %dma_start3A_523 = arith.constant 0 : i32
        %dma_start3A_524 = arith.constant 0 : i32
        %dma_start3A_525 = tpu.memref_slice %arg3[%dma_start3A_523, %dma_start3A_524] : memref<1000000x32xf32, #tpu.memory_space<hbm>> -> memref<1000000x32xf32, #tpu.memory_space<hbm>>
        tpu.enqueue_indirect_dma source(%dma_start3A_525 : memref<1000000x32xf32, #tpu.memory_space<hbm>>) target(%dma_start3A_519 : memref<50x32xf32, #tpu.memory_space<vmem>>) offsets(%dma_start3A_522 : memref<50xi32, #tpu.memory_space<vmem>>) semaphore(%arg9 : memref<!tpu.dma_semaphore, #tpu.memory_space<semaphore_mem>>)
        %mul3A_526 = arith.constant 16 : i32
        %mul3A_527 = arith.muli %add3A_447, %mul3A_526 : i32
        %add3A_528 = arith.constant 6 : i32
        %add3A_529 = arith.addi %mul3A_527, %add3A_528 : i32
        %dma_start3A_530 = arith.constant 300 : i32
        %dma_start3A_531 = arith.constant 0 : i32
        %dma_start3A_532 = tpu.memref_slice %arg6[%dma_start3A_530, %dma_start3A_531] : memref<800x32xf32, #tpu.memory_space<vmem>> -> memref<50x32xf32, #tpu.memory_space<vmem>>
        %dma_start3A_533 = arith.constant 0 : i32
        %dma_start3A_534 = tpu.memref_slice %arg5[%add3A_529, %dma_start3A_533] : memref<512x50xi32, #tpu.memory_space<vmem>> -> memref<1x50xi32, #tpu.memory_space<vmem>>
        %dma_start3A_535 = tpu.memref_squeeze %dma_start3A_534 : memref<1x50xi32, #tpu.memory_space<vmem>> -> memref<50xi32, #tpu.memory_space<vmem>>
        %dma_start3A_536 = arith.constant 0 : i32
        %dma_start3A_537 = arith.constant 0 : i32
        %dma_start3A_538 = tpu.memref_slice %arg3[%dma_start3A_536, %dma_start3A_537] : memref<1000000x32xf32, #tpu.memory_space<hbm>> -> memref<1000000x32xf32, #tpu.memory_space<hbm>>
        tpu.enqueue_indirect_dma source(%dma_start3A_538 : memref<1000000x32xf32, #tpu.memory_space<hbm>>) target(%dma_start3A_532 : memref<50x32xf32, #tpu.memory_space<vmem>>) offsets(%dma_start3A_535 : memref<50xi32, #tpu.memory_space<vmem>>) semaphore(%arg9 : memref<!tpu.dma_semaphore, #tpu.memory_space<semaphore_mem>>)
        %mul3A_539 = arith.constant 16 : i32
        %mul3A_540 = arith.muli %add3A_447, %mul3A_539 : i32
        %add3A_541 = arith.constant 7 : i32
        %add3A_542 = arith.addi %mul3A_540, %add3A_541 : i32
        %dma_start3A_543 = arith.constant 350 : i32
        %dma_start3A_544 = arith.constant 0 : i32
        %dma_start3A_545 = tpu.memref_slice %arg6[%dma_start3A_543, %dma_start3A_544] : memref<800x32xf32, #tpu.memory_space<vmem>> -> memref<50x32xf32, #tpu.memory_space<vmem>>
        %dma_start3A_546 = arith.constant 0 : i32
        %dma_start3A_547 = tpu.memref_slice %arg5[%add3A_542, %dma_start3A_546] : memref<512x50xi32, #tpu.memory_space<vmem>> -> memref<1x50xi32, #tpu.memory_space<vmem>>
        %dma_start3A_548 = tpu.memref_squeeze %dma_start3A_547 : memref<1x50xi32, #tpu.memory_space<vmem>> -> memref<50xi32, #tpu.memory_space<vmem>>
        %dma_start3A_549 = arith.constant 0 : i32
        %dma_start3A_550 = arith.constant 0 : i32
        %dma_start3A_551 = tpu.memref_slice %arg3[%dma_start3A_549, %dma_start3A_550] : memref<1000000x32xf32, #tpu.memory_space<hbm>> -> memref<1000000x32xf32, #tpu.memory_space<hbm>>
        tpu.enqueue_indirect_dma source(%dma_start3A_551 : memref<1000000x32xf32, #tpu.memory_space<hbm>>) target(%dma_start3A_545 : memref<50x32xf32, #tpu.memory_space<vmem>>) offsets(%dma_start3A_548 : memref<50xi32, #tpu.memory_space<vmem>>) semaphore(%arg9 : memref<!tpu.dma_semaphore, #tpu.memory_space<semaphore_mem>>)
        %mul3A_552 = arith.constant 16 : i32
        %mul3A_553 = arith.muli %add3A_447, %mul3A_552 : i32
        %add3A_554 = arith.constant 8 : i32
        %add3A_555 = arith.addi %mul3A_553, %add3A_554 : i32
        %dma_start3A_556 = arith.constant 400 : i32
        %dma_start3A_557 = arith.constant 0 : i32
        %dma_start3A_558 = tpu.memref_slice %arg6[%dma_start3A_556, %dma_start3A_557] : memref<800x32xf32, #tpu.memory_space<vmem>> -> memref<50x32xf32, #tpu.memory_space<vmem>>
        %dma_start3A_559 = arith.constant 0 : i32
        %dma_start3A_560 = tpu.memref_slice %arg5[%add3A_555, %dma_start3A_559] : memref<512x50xi32, #tpu.memory_space<vmem>> -> memref<1x50xi32, #tpu.memory_space<vmem>>
        %dma_start3A_561 = tpu.memref_squeeze %dma_start3A_560 : memref<1x50xi32, #tpu.memory_space<vmem>> -> memref<50xi32, #tpu.memory_space<vmem>>
        %dma_start3A_562 = arith.constant 0 : i32
        %dma_start3A_563 = arith.constant 0 : i32
        %dma_start3A_564 = tpu.memref_slice %arg3[%dma_start3A_562, %dma_start3A_563] : memref<1000000x32xf32, #tpu.memory_space<hbm>> -> memref<1000000x32xf32, #tpu.memory_space<hbm>>
        tpu.enqueue_indirect_dma source(%dma_start3A_564 : memref<1000000x32xf32, #tpu.memory_space<hbm>>) target(%dma_start3A_558 : memref<50x32xf32, #tpu.memory_space<vmem>>) offsets(%dma_start3A_561 : memref<50xi32, #tpu.memory_space<vmem>>) semaphore(%arg9 : memref<!tpu.dma_semaphore, #tpu.memory_space<semaphore_mem>>)
        %mul3A_565 = arith.constant 16 : i32
        %mul3A_566 = arith.muli %add3A_447, %mul3A_565 : i32
        %add3A_567 = arith.constant 9 : i32
        %add3A_568 = arith.addi %mul3A_566, %add3A_567 : i32
        %dma_start3A_569 = arith.constant 450 : i32
        %dma_start3A_570 = arith.constant 0 : i32
        %dma_start3A_571 = tpu.memref_slice %arg6[%dma_start3A_569, %dma_start3A_570] : memref<800x32xf32, #tpu.memory_space<vmem>> -> memref<50x32xf32, #tpu.memory_space<vmem>>
        %dma_start3A_572 = arith.constant 0 : i32
        %dma_start3A_573 = tpu.memref_slice %arg5[%add3A_568, %dma_start3A_572] : memref<512x50xi32, #tpu.memory_space<vmem>> -> memref<1x50xi32, #tpu.memory_space<vmem>>
        %dma_start3A_574 = tpu.memref_squeeze %dma_start3A_573 : memref<1x50xi32, #tpu.memory_space<vmem>> -> memref<50xi32, #tpu.memory_space<vmem>>
        %dma_start3A_575 = arith.constant 0 : i32
        %dma_start3A_576 = arith.constant 0 : i32
        %dma_start3A_577 = tpu.memref_slice %arg3[%dma_start3A_575, %dma_start3A_576] : memref<1000000x32xf32, #tpu.memory_space<hbm>> -> memref<1000000x32xf32, #tpu.memory_space<hbm>>
        tpu.enqueue_indirect_dma source(%dma_start3A_577 : memref<1000000x32xf32, #tpu.memory_space<hbm>>) target(%dma_start3A_571 : memref<50x32xf32, #tpu.memory_space<vmem>>) offsets(%dma_start3A_574 : memref<50xi32, #tpu.memory_space<vmem>>) semaphore(%arg9 : memref<!tpu.dma_semaphore, #tpu.memory_space<semaphore_mem>>)
        %mul3A_578 = arith.constant 16 : i32
        %mul3A_579 = arith.muli %add3A_447, %mul3A_578 : i32
        %add3A_580 = arith.constant 10 : i32
        %add3A_581 = arith.addi %mul3A_579, %add3A_580 : i32
        %dma_start3A_582 = arith.constant 500 : i32
        %dma_start3A_583 = arith.constant 0 : i32
        %dma_start3A_584 = tpu.memref_slice %arg6[%dma_start3A_582, %dma_start3A_583] : memref<800x32xf32, #tpu.memory_space<vmem>> -> memref<50x32xf32, #tpu.memory_space<vmem>>
        %dma_start3A_585 = arith.constant 0 : i32
        %dma_start3A_586 = tpu.memref_slice %arg5[%add3A_581, %dma_start3A_585] : memref<512x50xi32, #tpu.memory_space<vmem>> -> memref<1x50xi32, #tpu.memory_space<vmem>>
        %dma_start3A_587 = tpu.memref_squeeze %dma_start3A_586 : memref<1x50xi32, #tpu.memory_space<vmem>> -> memref<50xi32, #tpu.memory_space<vmem>>
        %dma_start3A_588 = arith.constant 0 : i32
        %dma_start3A_589 = arith.constant 0 : i32
        %dma_start3A_590 = tpu.memref_slice %arg3[%dma_start3A_588, %dma_start3A_589] : memref<1000000x32xf32, #tpu.memory_space<hbm>> -> memref<1000000x32xf32, #tpu.memory_space<hbm>>
        tpu.enqueue_indirect_dma source(%dma_start3A_590 : memref<1000000x32xf32, #tpu.memory_space<hbm>>) target(%dma_start3A_584 : memref<50x32xf32, #tpu.memory_space<vmem>>) offsets(%dma_start3A_587 : memref<50xi32, #tpu.memory_space<vmem>>) semaphore(%arg9 : memref<!tpu.dma_semaphore, #tpu.memory_space<semaphore_mem>>)
        %mul3A_591 = arith.constant 16 : i32
        %mul3A_592 = arith.muli %add3A_447, %mul3A_591 : i32
        %add3A_593 = arith.constant 11 : i32
        %add3A_594 = arith.addi %mul3A_592, %add3A_593 : i32
        %dma_start3A_595 = arith.constant 550 : i32
        %dma_start3A_596 = arith.constant 0 : i32
        %dma_start3A_597 = tpu.memref_slice %arg6[%dma_start3A_595, %dma_start3A_596] : memref<800x32xf32, #tpu.memory_space<vmem>> -> memref<50x32xf32, #tpu.memory_space<vmem>>
        %dma_start3A_598 = arith.constant 0 : i32
        %dma_start3A_599 = tpu.memref_slice %arg5[%add3A_594, %dma_start3A_598] : memref<512x50xi32, #tpu.memory_space<vmem>> -> memref<1x50xi32, #tpu.memory_space<vmem>>
        %dma_start3A_600 = tpu.memref_squeeze %dma_start3A_599 : memref<1x50xi32, #tpu.memory_space<vmem>> -> memref<50xi32, #tpu.memory_space<vmem>>
        %dma_start3A_601 = arith.constant 0 : i32
        %dma_start3A_602 = arith.constant 0 : i32
        %dma_start3A_603 = tpu.memref_slice %arg3[%dma_start3A_601, %dma_start3A_602] : memref<1000000x32xf32, #tpu.memory_space<hbm>> -> memref<1000000x32xf32, #tpu.memory_space<hbm>>
        tpu.enqueue_indirect_dma source(%dma_start3A_603 : memref<1000000x32xf32, #tpu.memory_space<hbm>>) target(%dma_start3A_597 : memref<50x32xf32, #tpu.memory_space<vmem>>) offsets(%dma_start3A_600 : memref<50xi32, #tpu.memory_space<vmem>>) semaphore(%arg9 : memref<!tpu.dma_semaphore, #tpu.memory_space<semaphore_mem>>)
        %mul3A_604 = arith.constant 16 : i32
        %mul3A_605 = arith.muli %add3A_447, %mul3A_604 : i32
        %add3A_606 = arith.constant 12 : i32
        %add3A_607 = arith.addi %mul3A_605, %add3A_606 : i32
        %dma_start3A_608 = arith.constant 600 : i32
        %dma_start3A_609 = arith.constant 0 : i32
        %dma_start3A_610 = tpu.memref_slice %arg6[%dma_start3A_608, %dma_start3A_609] : memref<800x32xf32, #tpu.memory_space<vmem>> -> memref<50x32xf32, #tpu.memory_space<vmem>>
        %dma_start3A_611 = arith.constant 0 : i32
        %dma_start3A_612 = tpu.memref_slice %arg5[%add3A_607, %dma_start3A_611] : memref<512x50xi32, #tpu.memory_space<vmem>> -> memref<1x50xi32, #tpu.memory_space<vmem>>
        %dma_start3A_613 = tpu.memref_squeeze %dma_start3A_612 : memref<1x50xi32, #tpu.memory_space<vmem>> -> memref<50xi32, #tpu.memory_space<vmem>>
        %dma_start3A_614 = arith.constant 0 : i32
        %dma_start3A_615 = arith.constant 0 : i32
        %dma_start3A_616 = tpu.memref_slice %arg3[%dma_start3A_614, %dma_start3A_615] : memref<1000000x32xf32, #tpu.memory_space<hbm>> -> memref<1000000x32xf32, #tpu.memory_space<hbm>>
        tpu.enqueue_indirect_dma source(%dma_start3A_616 : memref<1000000x32xf32, #tpu.memory_space<hbm>>) target(%dma_start3A_610 : memref<50x32xf32, #tpu.memory_space<vmem>>) offsets(%dma_start3A_613 : memref<50xi32, #tpu.memory_space<vmem>>) semaphore(%arg9 : memref<!tpu.dma_semaphore, #tpu.memory_space<semaphore_mem>>)
        %mul3A_617 = arith.constant 16 : i32
        %mul3A_618 = arith.muli %add3A_447, %mul3A_617 : i32
        %add3A_619 = arith.constant 13 : i32
        %add3A_620 = arith.addi %mul3A_618, %add3A_619 : i32
        %dma_start3A_621 = arith.constant 650 : i32
        %dma_start3A_622 = arith.constant 0 : i32
        %dma_start3A_623 = tpu.memref_slice %arg6[%dma_start3A_621, %dma_start3A_622] : memref<800x32xf32, #tpu.memory_space<vmem>> -> memref<50x32xf32, #tpu.memory_space<vmem>>
        %dma_start3A_624 = arith.constant 0 : i32
        %dma_start3A_625 = tpu.memref_slice %arg5[%add3A_620, %dma_start3A_624] : memref<512x50xi32, #tpu.memory_space<vmem>> -> memref<1x50xi32, #tpu.memory_space<vmem>>
        %dma_start3A_626 = tpu.memref_squeeze %dma_start3A_625 : memref<1x50xi32, #tpu.memory_space<vmem>> -> memref<50xi32, #tpu.memory_space<vmem>>
        %dma_start3A_627 = arith.constant 0 : i32
        %dma_start3A_628 = arith.constant 0 : i32
        %dma_start3A_629 = tpu.memref_slice %arg3[%dma_start3A_627, %dma_start3A_628] : memref<1000000x32xf32, #tpu.memory_space<hbm>> -> memref<1000000x32xf32, #tpu.memory_space<hbm>>
        tpu.enqueue_indirect_dma source(%dma_start3A_629 : memref<1000000x32xf32, #tpu.memory_space<hbm>>) target(%dma_start3A_623 : memref<50x32xf32, #tpu.memory_space<vmem>>) offsets(%dma_start3A_626 : memref<50xi32, #tpu.memory_space<vmem>>) semaphore(%arg9 : memref<!tpu.dma_semaphore, #tpu.memory_space<semaphore_mem>>)
        %mul3A_630 = arith.constant 16 : i32
        %mul3A_631 = arith.muli %add3A_447, %mul3A_630 : i32
        %add3A_632 = arith.constant 14 : i32
        %add3A_633 = arith.addi %mul3A_631, %add3A_632 : i32
        %dma_start3A_634 = arith.constant 700 : i32
        %dma_start3A_635 = arith.constant 0 : i32
        %dma_start3A_636 = tpu.memref_slice %arg6[%dma_start3A_634, %dma_start3A_635] : memref<800x32xf32, #tpu.memory_space<vmem>> -> memref<50x32xf32, #tpu.memory_space<vmem>>
        %dma_start3A_637 = arith.constant 0 : i32
        %dma_start3A_638 = tpu.memref_slice %arg5[%add3A_633, %dma_start3A_637] : memref<512x50xi32, #tpu.memory_space<vmem>> -> memref<1x50xi32, #tpu.memory_space<vmem>>
        %dma_start3A_639 = tpu.memref_squeeze %dma_start3A_638 : memref<1x50xi32, #tpu.memory_space<vmem>> -> memref<50xi32, #tpu.memory_space<vmem>>
        %dma_start3A_640 = arith.constant 0 : i32
        %dma_start3A_641 = arith.constant 0 : i32
        %dma_start3A_642 = tpu.memref_slice %arg3[%dma_start3A_640, %dma_start3A_641] : memref<1000000x32xf32, #tpu.memory_space<hbm>> -> memref<1000000x32xf32, #tpu.memory_space<hbm>>
        tpu.enqueue_indirect_dma source(%dma_start3A_642 : memref<1000000x32xf32, #tpu.memory_space<hbm>>) target(%dma_start3A_636 : memref<50x32xf32, #tpu.memory_space<vmem>>) offsets(%dma_start3A_639 : memref<50xi32, #tpu.memory_space<vmem>>) semaphore(%arg9 : memref<!tpu.dma_semaphore, #tpu.memory_space<semaphore_mem>>)
        %mul3A_643 = arith.constant 16 : i32
        %mul3A_644 = arith.muli %add3A_447, %mul3A_643 : i32
        %add3A_645 = arith.constant 15 : i32
        %add3A_646 = arith.addi %mul3A_644, %add3A_645 : i32
        %dma_start3A_647 = arith.constant 750 : i32
        %dma_start3A_648 = arith.constant 0 : i32
        %dma_start3A_649 = tpu.memref_slice %arg6[%dma_start3A_647, %dma_start3A_648] : memref<800x32xf32, #tpu.memory_space<vmem>> -> memref<50x32xf32, #tpu.memory_space<vmem>>
        %dma_start3A_650 = arith.constant 0 : i32
        %dma_start3A_651 = tpu.memref_slice %arg5[%add3A_646, %dma_start3A_650] : memref<512x50xi32, #tpu.memory_space<vmem>> -> memref<1x50xi32, #tpu.memory_space<vmem>>
        %dma_start3A_652 = tpu.memref_squeeze %dma_start3A_651 : memref<1x50xi32, #tpu.memory_space<vmem>> -> memref<50xi32, #tpu.memory_space<vmem>>
        %dma_start3A_653 = arith.constant 0 : i32
        %dma_start3A_654 = arith.constant 0 : i32
        %dma_start3A_655 = tpu.memref_slice %arg3[%dma_start3A_653, %dma_start3A_654] : memref<1000000x32xf32, #tpu.memory_space<hbm>> -> memref<1000000x32xf32, #tpu.memory_space<hbm>>
        tpu.enqueue_indirect_dma source(%dma_start3A_655 : memref<1000000x32xf32, #tpu.memory_space<hbm>>) target(%dma_start3A_649 : memref<50x32xf32, #tpu.memory_space<vmem>>) offsets(%dma_start3A_652 : memref<50xi32, #tpu.memory_space<vmem>>) semaphore(%arg9 : memref<!tpu.dma_semaphore, #tpu.memory_space<semaphore_mem>>)
      } else {
      }
      %ge3A_372 = arith.constant 1 : i32
      %ge3A_373 = arith.cmpi sge, %add3A_358, %ge3A_372 : i32
      %convert_element_type3A_374 = arith.extui %ge3A_373 : i1 to i32
      %cond3A_375 = arith.constant 0 : i32
      %cond3A_376 = arith.cmpi ne, %convert_element_type3A_374, %cond3A_375 : i32
      scf.if %cond3A_376 {
        %dma_wait3A_446 = arith.constant 0 : i32
        %dma_wait3A_447 = arith.constant 0 : i32
        %dma_wait3A_448 = arith.constant 0 : i32
        %dma_wait3A_449 = arith.constant 0 : i32
        %dma_wait3A_450 = arith.constant 0 : i32
        %dma_wait3A_451 = tpu.memref_slice %arg8[%dma_wait3A_447, %dma_wait3A_448, %dma_wait3A_449, %dma_wait3A_450] : memref<50x4x8x17xf32, #tpu.memory_space<vmem>> -> memref<50x4x8x16xf32, #tpu.memory_space<vmem>>
        %dma_wait3A_452 = arith.constant 0 : i32
        %dma_wait3A_453 = arith.constant 0 : i32
        %dma_wait3A_454 = arith.constant 0 : i32
        %dma_wait3A_455 = arith.constant 0 : i32
        %dma_wait3A_456 = tpu.memref_slice %arg4[%dma_wait3A_452, %dma_wait3A_453, %dma_wait3A_446, %dma_wait3A_454, %dma_wait3A_455] : memref<50x4x128x8x128xf32, #tpu.memory_space<hbm>> -> memref<50x4x1x8x16xf32, #tpu.memory_space<hbm>>
        %dma_wait3A_457 = tpu.memref_squeeze %dma_wait3A_456 : memref<50x4x1x8x16xf32, #tpu.memory_space<hbm>> -> memref<50x4x8x16xf32, #tpu.memory_space<hbm>>
        %dma_wait3A_458 = arith.constant 0 : i32
        %dma_wait3A_459 = arith.constant 0 : i32
        %dma_wait3A_460 = arith.constant 0 : i32
        %dma_wait3A_461 = arith.constant 0 : i32
        %dma_wait3A_462 = tpu.memref_slice %arg8[%dma_wait3A_458, %dma_wait3A_459, %dma_wait3A_460, %dma_wait3A_461] : memref<50x4x8x17xf32, #tpu.memory_space<vmem>> -> memref<50x4x8x16xf32, #tpu.memory_space<vmem>>
        %dma_wait3A_463 = arith.constant 0 : i32
        %dma_wait3A_464 = arith.constant 0 : i32
        %dma_wait3A_465 = arith.constant 0 : i32
        %dma_wait3A_466 = arith.constant 0 : i32
        %dma_wait3A_467 = tpu.memref_slice %arg4[%dma_wait3A_463, %dma_wait3A_464, %dma_wait3A_446, %dma_wait3A_465, %dma_wait3A_466] : memref<50x4x128x8x128xf32, #tpu.memory_space<hbm>> -> memref<50x4x1x8x16xf32, #tpu.memory_space<hbm>>
        %dma_wait3A_468 = tpu.memref_squeeze %dma_wait3A_467 : memref<50x4x1x8x16xf32, #tpu.memory_space<hbm>> -> memref<50x4x8x16xf32, #tpu.memory_space<hbm>>
        tpu.wait_dma2 semaphore(%arg11 : memref<!tpu.dma_semaphore, #tpu.memory_space<semaphore_mem>>) src(%dma_wait3A_468 : memref<50x4x8x16xf32, #tpu.memory_space<hbm>>) dst(%dma_wait3A_462 : memref<50x4x8x16xf32, #tpu.memory_space<vmem>>)
      } else {
      }
      %scan3A_377 = arith.constant 0 : i32
      %scan3A_378 = arith.constant 0 : i32
      %scan3A_379 = arith.constant 25 : i32
      %scan3A_380 = arith.addi %scan3A_378, %scan3A_379 : i32
      %scan3A_381 = arith.constant 1 : i32
      scf.for %scan3A_446 = %scan3A_378 to %scan3A_380 step %scan3A_381  : i32 {
        %mul3A_447 = arith.constant 2 : i32
        %mul3A_448 = arith.muli %scan3A_446, %mul3A_447 : i32
        %add3A_449 = arith.constant 0 : i32
        %add3A_450 = arith.addi %mul3A_448, %add3A_449 : i32
        %broadcast_in_dim3A_451 = vector.broadcast %add3A_450 : i32 to vector<16xi32>
        %add3A_452 = arith.constant 0 : i32
        %add3A_453 = arith.addi %add3A_452, %add3A_450 : i32
        %get3A = arith.index_cast %add3A_453 : i32 to index
        %get3A_454 = arith.constant 0 : index
        %get3A_455 = tpu.vector_load %arg7[%get3A, %get3A_454] {strides = array<i32>} : memref<800x32xf32, #tpu.memory_space<vmem>>, vector<16xf32>,
        %get3A_456 = arith.index_cast %add3A_453 : i32 to index
        %get3A_457 = arith.constant 16 : index
        %get3A_458 = tpu.vector_load %arg7[%get3A_456, %get3A_457] {strides = array<i32>} : memref<800x32xf32, #tpu.memory_space<vmem>>, vector<16xf32>,
        tpu.vector_store_idx %arg8[%broadcast_in_dim3A_451, %select_n3A, %select_n3A_48, %broadcast_in_dim3A_49], %get3A_455 : memref<50x4x8x17xf32, #tpu.memory_space<vmem>>[vector<16xi32>, vector<16xi32>, vector<16xi32>, vector<16xi32>], vector<16xf32>,
        tpu.vector_store_idx %arg8[%broadcast_in_dim3A_451, %add3A_28, %select_n3A_48, %broadcast_in_dim3A_49], %get3A_458 : memref<50x4x8x17xf32, #tpu.memory_space<vmem>>[vector<16xi32>, vector<16xi32>, vector<16xi32>, vector<16xi32>], vector<16xf32>,
        %add3A_459 = arith.constant 50 : i32
        %add3A_460 = arith.addi %add3A_459, %add3A_450 : i32
        %get3A_461 = arith.index_cast %add3A_460 : i32 to index
        %get3A_462 = arith.constant 0 : index
        %get3A_463 = tpu.vector_load %arg7[%get3A_461, %get3A_462] {strides = array<i32>} : memref<800x32xf32, #tpu.memory_space<vmem>>, vector<16xf32>,
        %get3A_464 = arith.index_cast %add3A_460 : i32 to index
        %get3A_465 = arith.constant 16 : index
        %get3A_466 = tpu.vector_load %arg7[%get3A_464, %get3A_465] {strides = array<i32>} : memref<800x32xf32, #tpu.memory_space<vmem>>, vector<16xf32>,
        tpu.vector_store_idx %arg8[%broadcast_in_dim3A_451, %select_n3A, %select_n3A_48, %broadcast_in_dim3A_51], %get3A_463 : memref<50x4x8x17xf32, #tpu.memory_space<vmem>>[vector<16xi32>, vector<16xi32>, vector<16xi32>, vector<16xi32>], vector<16xf32>,
        tpu.vector_store_idx %arg8[%broadcast_in_dim3A_451, %add3A_28, %select_n3A_48, %broadcast_in_dim3A_51], %get3A_466 : memref<50x4x8x17xf32, #tpu.memory_space<vmem>>[vector<16xi32>, vector<16xi32>, vector<16xi32>, vector<16xi32>], vector<16xf32>,
        %add3A_467 = arith.constant 100 : i32
        %add3A_468 = arith.addi %add3A_467, %add3A_450 : i32
        %get3A_469 = arith.index_cast %add3A_468 : i32 to index
        %get3A_470 = arith.constant 0 : index
        %get3A_471 = tpu.vector_load %arg7[%get3A_469, %get3A_470] {strides = array<i32>} : memref<800x32xf32, #tpu.memory_space<vmem>>, vector<16xf32>,
        %get3A_472 = arith.index_cast %add3A_468 : i32 to index
        %get3A_473 = arith.constant 16 : index
        %get3A_474 = tpu.vector_load %arg7[%get3A_472, %get3A_473] {strides = array<i32>} : memref<800x32xf32, #tpu.memory_space<vmem>>, vector<16xf32>,
        tpu.vector_store_idx %arg8[%broadcast_in_dim3A_451, %select_n3A, %select_n3A_48, %broadcast_in_dim3A_53], %get3A_471 : memref<50x4x8x17xf32, #tpu.memory_space<vmem>>[vector<16xi32>, vector<16xi32>, vector<16xi32>, vector<16xi32>], vector<16xf32>,
        tpu.vector_store_idx %arg8[%broadcast_in_dim3A_451, %add3A_28, %select_n3A_48, %broadcast_in_dim3A_53], %get3A_474 : memref<50x4x8x17xf32, #tpu.memory_space<vmem>>[vector<16xi32>, vector<16xi32>, vector<16xi32>, vector<16xi32>], vector<16xf32>,
        %add3A_475 = arith.constant 150 : i32
        %add3A_476 = arith.addi %add3A_475, %add3A_450 : i32
        %get3A_477 = arith.index_cast %add3A_476 : i32 to index
        %get3A_478 = arith.constant 0 : index
        %get3A_479 = tpu.vector_load %arg7[%get3A_477, %get3A_478] {strides = array<i32>} : memref<800x32xf32, #tpu.memory_space<vmem>>, vector<16xf32>,
        %get3A_480 = arith.index_cast %add3A_476 : i32 to index
        %get3A_481 = arith.constant 16 : index
        %get3A_482 = tpu.vector_load %arg7[%get3A_480, %get3A_481] {strides = array<i32>} : memref<800x32xf32, #tpu.memory_space<vmem>>, vector<16xf32>,
        tpu.vector_store_idx %arg8[%broadcast_in_dim3A_451, %select_n3A, %select_n3A_48, %broadcast_in_dim3A_55], %get3A_479 : memref<50x4x8x17xf32, #tpu.memory_space<vmem>>[vector<16xi32>, vector<16xi32>, vector<16xi32>, vector<16xi32>], vector<16xf32>,
        tpu.vector_store_idx %arg8[%broadcast_in_dim3A_451, %add3A_28, %select_n3A_48, %broadcast_in_dim3A_55], %get3A_482 : memref<50x4x8x17xf32, #tpu.memory_space<vmem>>[vector<16xi32>, vector<16xi32>, vector<16xi32>, vector<16xi32>], vector<16xf32>,
        %add3A_483 = arith.constant 200 : i32
        %add3A_484 = arith.addi %add3A_483, %add3A_450 : i32
        %get3A_485 = arith.index_cast %add3A_484 : i32 to index
        %get3A_486 = arith.constant 0 : index
        %get3A_487 = tpu.vector_load %arg7[%get3A_485, %get3A_486] {strides = array<i32>} : memref<800x32xf32, #tpu.memory_space<vmem>>, vector<16xf32>,
        %get3A_488 = arith.index_cast %add3A_484 : i32 to index
        %get3A_489 = arith.constant 16 : index
        %get3A_490 = tpu.vector_load %arg7[%get3A_488, %get3A_489] {strides = array<i32>} : memref<800x32xf32, #tpu.memory_space<vmem>>, vector<16xf32>,
        tpu.vector_store_idx %arg8[%broadcast_in_dim3A_451, %select_n3A, %select_n3A_48, %broadcast_in_dim3A_57], %get3A_487 : memref<50x4x8x17xf32, #tpu.memory_space<vmem>>[vector<16xi32>, vector<16xi32>, vector<16xi32>, vector<16xi32>], vector<16xf32>,
        tpu.vector_store_idx %arg8[%broadcast_in_dim3A_451, %add3A_28, %select_n3A_48, %broadcast_in_dim3A_57], %get3A_490 : memref<50x4x8x17xf32, #tpu.memory_space<vmem>>[vector<16xi32>, vector<16xi32>, vector<16xi32>, vector<16xi32>], vector<16xf32>,
        %add3A_491 = arith.constant 250 : i32
        %add3A_492 = arith.addi %add3A_491, %add3A_450 : i32
        %get3A_493 = arith.index_cast %add3A_492 : i32 to index
        %get3A_494 = arith.constant 0 : index
        %get3A_495 = tpu.vector_load %arg7[%get3A_493, %get3A_494] {strides = array<i32>} : memref<800x32xf32, #tpu.memory_space<vmem>>, vector<16xf32>,
        %get3A_496 = arith.index_cast %add3A_492 : i32 to index
        %get3A_497 = arith.constant 16 : index
        %get3A_498 = tpu.vector_load %arg7[%get3A_496, %get3A_497] {strides = array<i32>} : memref<800x32xf32, #tpu.memory_space<vmem>>, vector<16xf32>,
        tpu.vector_store_idx %arg8[%broadcast_in_dim3A_451, %select_n3A, %select_n3A_48, %broadcast_in_dim3A_59], %get3A_495 : memref<50x4x8x17xf32, #tpu.memory_space<vmem>>[vector<16xi32>, vector<16xi32>, vector<16xi32>, vector<16xi32>], vector<16xf32>,
        tpu.vector_store_idx %arg8[%broadcast_in_dim3A_451, %add3A_28, %select_n3A_48, %broadcast_in_dim3A_59], %get3A_498 : memref<50x4x8x17xf32, #tpu.memory_space<vmem>>[vector<16xi32>, vector<16xi32>, vector<16xi32>, vector<16xi32>], vector<16xf32>,
        %add3A_499 = arith.constant 300 : i32
        %add3A_500 = arith.addi %add3A_499, %add3A_450 : i32
        %get3A_501 = arith.index_cast %add3A_500 : i32 to index
        %get3A_502 = arith.constant 0 : index
        %get3A_503 = tpu.vector_load %arg7[%get3A_501, %get3A_502] {strides = array<i32>} : memref<800x32xf32, #tpu.memory_space<vmem>>, vector<16xf32>,
        %get3A_504 = arith.index_cast %add3A_500 : i32 to index
        %get3A_505 = arith.constant 16 : index
        %get3A_506 = tpu.vector_load %arg7[%get3A_504, %get3A_505] {strides = array<i32>} : memref<800x32xf32, #tpu.memory_space<vmem>>, vector<16xf32>,
        tpu.vector_store_idx %arg8[%broadcast_in_dim3A_451, %select_n3A, %select_n3A_48, %broadcast_in_dim3A_61], %get3A_503 : memref<50x4x8x17xf32, #tpu.memory_space<vmem>>[vector<16xi32>, vector<16xi32>, vector<16xi32>, vector<16xi32>], vector<16xf32>,
        tpu.vector_store_idx %arg8[%broadcast_in_dim3A_451, %add3A_28, %select_n3A_48, %broadcast_in_dim3A_61], %get3A_506 : memref<50x4x8x17xf32, #tpu.memory_space<vmem>>[vector<16xi32>, vector<16xi32>, vector<16xi32>, vector<16xi32>], vector<16xf32>,
        %add3A_507 = arith.constant 350 : i32
        %add3A_508 = arith.addi %add3A_507, %add3A_450 : i32
        %get3A_509 = arith.index_cast %add3A_508 : i32 to index
        %get3A_510 = arith.constant 0 : index
        %get3A_511 = tpu.vector_load %arg7[%get3A_509, %get3A_510] {strides = array<i32>} : memref<800x32xf32, #tpu.memory_space<vmem>>, vector<16xf32>,
        %get3A_512 = arith.index_cast %add3A_508 : i32 to index
        %get3A_513 = arith.constant 16 : index
        %get3A_514 = tpu.vector_load %arg7[%get3A_512, %get3A_513] {strides = array<i32>} : memref<800x32xf32, #tpu.memory_space<vmem>>, vector<16xf32>,
        tpu.vector_store_idx %arg8[%broadcast_in_dim3A_451, %select_n3A, %select_n3A_48, %broadcast_in_dim3A_63], %get3A_511 : memref<50x4x8x17xf32, #tpu.memory_space<vmem>>[vector<16xi32>, vector<16xi32>, vector<16xi32>, vector<16xi32>], vector<16xf32>,
        tpu.vector_store_idx %arg8[%broadcast_in_dim3A_451, %add3A_28, %select_n3A_48, %broadcast_in_dim3A_63], %get3A_514 : memref<50x4x8x17xf32, #tpu.memory_space<vmem>>[vector<16xi32>, vector<16xi32>, vector<16xi32>, vector<16xi32>], vector<16xf32>,
        %add3A_515 = arith.constant 400 : i32
        %add3A_516 = arith.addi %add3A_515, %add3A_450 : i32
        %get3A_517 = arith.index_cast %add3A_516 : i32 to index
        %get3A_518 = arith.constant 0 : index
        %get3A_519 = tpu.vector_load %arg7[%get3A_517, %get3A_518] {strides = array<i32>} : memref<800x32xf32, #tpu.memory_space<vmem>>, vector<16xf32>,
        %get3A_520 = arith.index_cast %add3A_516 : i32 to index
        %get3A_521 = arith.constant 16 : index
        %get3A_522 = tpu.vector_load %arg7[%get3A_520, %get3A_521] {strides = array<i32>} : memref<800x32xf32, #tpu.memory_space<vmem>>, vector<16xf32>,
        tpu.vector_store_idx %arg8[%broadcast_in_dim3A_451, %select_n3A, %select_n3A_48, %broadcast_in_dim3A_65], %get3A_519 : memref<50x4x8x17xf32, #tpu.memory_space<vmem>>[vector<16xi32>, vector<16xi32>, vector<16xi32>, vector<16xi32>], vector<16xf32>,
        tpu.vector_store_idx %arg8[%broadcast_in_dim3A_451, %add3A_28, %select_n3A_48, %broadcast_in_dim3A_65], %get3A_522 : memref<50x4x8x17xf32, #tpu.memory_space<vmem>>[vector<16xi32>, vector<16xi32>, vector<16xi32>, vector<16xi32>], vector<16xf32>,
        %add3A_523 = arith.constant 450 : i32
        %add3A_524 = arith.addi %add3A_523, %add3A_450 : i32
        %get3A_525 = arith.index_cast %add3A_524 : i32 to index
        %get3A_526 = arith.constant 0 : index
        %get3A_527 = tpu.vector_load %arg7[%get3A_525, %get3A_526] {strides = array<i32>} : memref<800x32xf32, #tpu.memory_space<vmem>>, vector<16xf32>,
        %get3A_528 = arith.index_cast %add3A_524 : i32 to index
        %get3A_529 = arith.constant 16 : index
        %get3A_530 = tpu.vector_load %arg7[%get3A_528, %get3A_529] {strides = array<i32>} : memref<800x32xf32, #tpu.memory_space<vmem>>, vector<16xf32>,
        tpu.vector_store_idx %arg8[%broadcast_in_dim3A_451, %select_n3A, %select_n3A_48, %broadcast_in_dim3A_67], %get3A_527 : memref<50x4x8x17xf32, #tpu.memory_space<vmem>>[vector<16xi32>, vector<16xi32>, vector<16xi32>, vector<16xi32>], vector<16xf32>,
        tpu.vector_store_idx %arg8[%broadcast_in_dim3A_451, %add3A_28, %select_n3A_48, %broadcast_in_dim3A_67], %get3A_530 : memref<50x4x8x17xf32, #tpu.memory_space<vmem>>[vector<16xi32>, vector<16xi32>, vector<16xi32>, vector<16xi32>], vector<16xf32>,
        %add3A_531 = arith.constant 500 : i32
        %add3A_532 = arith.addi %add3A_531, %add3A_450 : i32
        %get3A_533 = arith.index_cast %add3A_532 : i32 to index
        %get3A_534 = arith.constant 0 : index
        %get3A_535 = tpu.vector_load %arg7[%get3A_533, %get3A_534] {strides = array<i32>} : memref<800x32xf32, #tpu.memory_space<vmem>>, vector<16xf32>,
        %get3A_536 = arith.index_cast %add3A_532 : i32 to index
        %get3A_537 = arith.constant 16 : index
        %get3A_538 = tpu.vector_load %arg7[%get3A_536, %get3A_537] {strides = array<i32>} : memref<800x32xf32, #tpu.memory_space<vmem>>, vector<16xf32>,
        tpu.vector_store_idx %arg8[%broadcast_in_dim3A_451, %select_n3A, %select_n3A_48, %broadcast_in_dim3A_69], %get3A_535 : memref<50x4x8x17xf32, #tpu.memory_space<vmem>>[vector<16xi32>, vector<16xi32>, vector<16xi32>, vector<16xi32>], vector<16xf32>,
        tpu.vector_store_idx %arg8[%broadcast_in_dim3A_451, %add3A_28, %select_n3A_48, %broadcast_in_dim3A_69], %get3A_538 : memref<50x4x8x17xf32, #tpu.memory_space<vmem>>[vector<16xi32>, vector<16xi32>, vector<16xi32>, vector<16xi32>], vector<16xf32>,
        %add3A_539 = arith.constant 550 : i32
        %add3A_540 = arith.addi %add3A_539, %add3A_450 : i32
        %get3A_541 = arith.index_cast %add3A_540 : i32 to index
        %get3A_542 = arith.constant 0 : index
        %get3A_543 = tpu.vector_load %arg7[%get3A_541, %get3A_542] {strides = array<i32>} : memref<800x32xf32, #tpu.memory_space<vmem>>, vector<16xf32>,
        %get3A_544 = arith.index_cast %add3A_540 : i32 to index
        %get3A_545 = arith.constant 16 : index
        %get3A_546 = tpu.vector_load %arg7[%get3A_544, %get3A_545] {strides = array<i32>} : memref<800x32xf32, #tpu.memory_space<vmem>>, vector<16xf32>,
        tpu.vector_store_idx %arg8[%broadcast_in_dim3A_451, %select_n3A, %select_n3A_48, %broadcast_in_dim3A_71], %get3A_543 : memref<50x4x8x17xf32, #tpu.memory_space<vmem>>[vector<16xi32>, vector<16xi32>, vector<16xi32>, vector<16xi32>], vector<16xf32>,
        tpu.vector_store_idx %arg8[%broadcast_in_dim3A_451, %add3A_28, %select_n3A_48, %broadcast_in_dim3A_71], %get3A_546 : memref<50x4x8x17xf32, #tpu.memory_space<vmem>>[vector<16xi32>, vector<16xi32>, vector<16xi32>, vector<16xi32>], vector<16xf32>,
        %add3A_547 = arith.constant 600 : i32
        %add3A_548 = arith.addi %add3A_547, %add3A_450 : i32
        %get3A_549 = arith.index_cast %add3A_548 : i32 to index
        %get3A_550 = arith.constant 0 : index
        %get3A_551 = tpu.vector_load %arg7[%get3A_549, %get3A_550] {strides = array<i32>} : memref<800x32xf32, #tpu.memory_space<vmem>>, vector<16xf32>,
        %get3A_552 = arith.index_cast %add3A_548 : i32 to index
        %get3A_553 = arith.constant 16 : index
        %get3A_554 = tpu.vector_load %arg7[%get3A_552, %get3A_553] {strides = array<i32>} : memref<800x32xf32, #tpu.memory_space<vmem>>, vector<16xf32>,
        tpu.vector_store_idx %arg8[%broadcast_in_dim3A_451, %select_n3A, %select_n3A_48, %broadcast_in_dim3A_73], %get3A_551 : memref<50x4x8x17xf32, #tpu.memory_space<vmem>>[vector<16xi32>, vector<16xi32>, vector<16xi32>, vector<16xi32>], vector<16xf32>,
        tpu.vector_store_idx %arg8[%broadcast_in_dim3A_451, %add3A_28, %select_n3A_48, %broadcast_in_dim3A_73], %get3A_554 : memref<50x4x8x17xf32, #tpu.memory_space<vmem>>[vector<16xi32>, vector<16xi32>, vector<16xi32>, vector<16xi32>], vector<16xf32>,
        %add3A_555 = arith.constant 650 : i32
        %add3A_556 = arith.addi %add3A_555, %add3A_450 : i32
        %get3A_557 = arith.index_cast %add3A_556 : i32 to index
        %get3A_558 = arith.constant 0 : index
        %get3A_559 = tpu.vector_load %arg7[%get3A_557, %get3A_558] {strides = array<i32>} : memref<800x32xf32, #tpu.memory_space<vmem>>, vector<16xf32>,
        %get3A_560 = arith.index_cast %add3A_556 : i32 to index
        %get3A_561 = arith.constant 16 : index
        %get3A_562 = tpu.vector_load %arg7[%get3A_560, %get3A_561] {strides = array<i32>} : memref<800x32xf32, #tpu.memory_space<vmem>>, vector<16xf32>,
        tpu.vector_store_idx %arg8[%broadcast_in_dim3A_451, %select_n3A, %select_n3A_48, %broadcast_in_dim3A_75], %get3A_559 : memref<50x4x8x17xf32, #tpu.memory_space<vmem>>[vector<16xi32>, vector<16xi32>, vector<16xi32>, vector<16xi32>], vector<16xf32>,
        tpu.vector_store_idx %arg8[%broadcast_in_dim3A_451, %add3A_28, %select_n3A_48, %broadcast_in_dim3A_75], %get3A_562 : memref<50x4x8x17xf32, #tpu.memory_space<vmem>>[vector<16xi32>, vector<16xi32>, vector<16xi32>, vector<16xi32>], vector<16xf32>,
        %add3A_563 = arith.constant 700 : i32
        %add3A_564 = arith.addi %add3A_563, %add3A_450 : i32
        %get3A_565 = arith.index_cast %add3A_564 : i32 to index
        %get3A_566 = arith.constant 0 : index
        %get3A_567 = tpu.vector_load %arg7[%get3A_565, %get3A_566] {strides = array<i32>} : memref<800x32xf32, #tpu.memory_space<vmem>>, vector<16xf32>,
        %get3A_568 = arith.index_cast %add3A_564 : i32 to index
        %get3A_569 = arith.constant 16 : index
        %get3A_570 = tpu.vector_load %arg7[%get3A_568, %get3A_569] {strides = array<i32>} : memref<800x32xf32, #tpu.memory_space<vmem>>, vector<16xf32>,
        tpu.vector_store_idx %arg8[%broadcast_in_dim3A_451, %select_n3A, %select_n3A_48, %broadcast_in_dim3A_77], %get3A_567 : memref<50x4x8x17xf32, #tpu.memory_space<vmem>>[vector<16xi32>, vector<16xi32>, vector<16xi32>, vector<16xi32>], vector<16xf32>,
        tpu.vector_store_idx %arg8[%broadcast_in_dim3A_451, %add3A_28, %select_n3A_48, %broadcast_in_dim3A_77], %get3A_570 : memref<50x4x8x17xf32, #tpu.memory_space<vmem>>[vector<16xi32>, vector<16xi32>, vector<16xi32>, vector<16xi32>], vector<16xf32>,
        %add3A_571 = arith.constant 750 : i32
        %add3A_572 = arith.addi %add3A_571, %add3A_450 : i32
        %get3A_573 = arith.index_cast %add3A_572 : i32 to index
        %get3A_574 = arith.constant 0 : index
        %get3A_575 = tpu.vector_load %arg7[%get3A_573, %get3A_574] {strides = array<i32>} : memref<800x32xf32, #tpu.memory_space<vmem>>, vector<16xf32>,
        %get3A_576 = arith.index_cast %add3A_572 : i32 to index
        %get3A_577 = arith.constant 16 : index
        %get3A_578 = tpu.vector_load %arg7[%get3A_576, %get3A_577] {strides = array<i32>} : memref<800x32xf32, #tpu.memory_space<vmem>>, vector<16xf32>,
        tpu.vector_store_idx %arg8[%broadcast_in_dim3A_451, %select_n3A, %select_n3A_48, %broadcast_in_dim3A_79], %get3A_575 : memref<50x4x8x17xf32, #tpu.memory_space<vmem>>[vector<16xi32>, vector<16xi32>, vector<16xi32>, vector<16xi32>], vector<16xf32>,
        tpu.vector_store_idx %arg8[%broadcast_in_dim3A_451, %add3A_28, %select_n3A_48, %broadcast_in_dim3A_79], %get3A_578 : memref<50x4x8x17xf32, #tpu.memory_space<vmem>>[vector<16xi32>, vector<16xi32>, vector<16xi32>, vector<16xi32>], vector<16xf32>,
        %mul3A_579 = arith.constant 2 : i32
        %mul3A_580 = arith.muli %scan3A_446, %mul3A_579 : i32
        %add3A_581 = arith.constant 1 : i32
        %add3A_582 = arith.addi %mul3A_580, %add3A_581 : i32
        %broadcast_in_dim3A_583 = vector.broadcast %add3A_582 : i32 to vector<16xi32>
        %add3A_584 = arith.constant 0 : i32
        %add3A_585 = arith.addi %add3A_584, %add3A_582 : i32
        %get3A_586 = arith.index_cast %add3A_585 : i32 to index
        %get3A_587 = arith.constant 0 : index
        %get3A_588 = tpu.vector_load %arg7[%get3A_586, %get3A_587] {strides = array<i32>} : memref<800x32xf32, #tpu.memory_space<vmem>>, vector<16xf32>,
        %get3A_589 = arith.index_cast %add3A_585 : i32 to index
        %get3A_590 = arith.constant 16 : index
        %get3A_591 = tpu.vector_load %arg7[%get3A_589, %get3A_590] {strides = array<i32>} : memref<800x32xf32, #tpu.memory_space<vmem>>, vector<16xf32>,
        tpu.vector_store_idx %arg8[%broadcast_in_dim3A_583, %select_n3A, %select_n3A_48, %broadcast_in_dim3A_49], %get3A_588 : memref<50x4x8x17xf32, #tpu.memory_space<vmem>>[vector<16xi32>, vector<16xi32>, vector<16xi32>, vector<16xi32>], vector<16xf32>,
        tpu.vector_store_idx %arg8[%broadcast_in_dim3A_583, %add3A_28, %select_n3A_48, %broadcast_in_dim3A_49], %get3A_591 : memref<50x4x8x17xf32, #tpu.memory_space<vmem>>[vector<16xi32>, vector<16xi32>, vector<16xi32>, vector<16xi32>], vector<16xf32>,
        %add3A_592 = arith.constant 50 : i32
        %add3A_593 = arith.addi %add3A_592, %add3A_582 : i32
        %get3A_594 = arith.index_cast %add3A_593 : i32 to index
        %get3A_595 = arith.constant 0 : index
        %get3A_596 = tpu.vector_load %arg7[%get3A_594, %get3A_595] {strides = array<i32>} : memref<800x32xf32, #tpu.memory_space<vmem>>, vector<16xf32>,
        %get3A_597 = arith.index_cast %add3A_593 : i32 to index
        %get3A_598 = arith.constant 16 : index
        %get3A_599 = tpu.vector_load %arg7[%get3A_597, %get3A_598] {strides = array<i32>} : memref<800x32xf32, #tpu.memory_space<vmem>>, vector<16xf32>,
        tpu.vector_store_idx %arg8[%broadcast_in_dim3A_583, %select_n3A, %select_n3A_48, %broadcast_in_dim3A_51], %get3A_596 : memref<50x4x8x17xf32, #tpu.memory_space<vmem>>[vector<16xi32>, vector<16xi32>, vector<16xi32>, vector<16xi32>], vector<16xf32>,
        tpu.vector_store_idx %arg8[%broadcast_in_dim3A_583, %add3A_28, %select_n3A_48, %broadcast_in_dim3A_51], %get3A_599 : memref<50x4x8x17xf32, #tpu.memory_space<vmem>>[vector<16xi32>, vector<16xi32>, vector<16xi32>, vector<16xi32>], vector<16xf32>,
        %add3A_600 = arith.constant 100 : i32
        %add3A_601 = arith.addi %add3A_600, %add3A_582 : i32
        %get3A_602 = arith.index_cast %add3A_601 : i32 to index
        %get3A_603 = arith.constant 0 : index
        %get3A_604 = tpu.vector_load %arg7[%get3A_602, %get3A_603] {strides = array<i32>} : memref<800x32xf32, #tpu.memory_space<vmem>>, vector<16xf32>,
        %get3A_605 = arith.index_cast %add3A_601 : i32 to index
        %get3A_606 = arith.constant 16 : index
        %get3A_607 = tpu.vector_load %arg7[%get3A_605, %get3A_606] {strides = array<i32>} : memref<800x32xf32, #tpu.memory_space<vmem>>, vector<16xf32>,
        tpu.vector_store_idx %arg8[%broadcast_in_dim3A_583, %select_n3A, %select_n3A_48, %broadcast_in_dim3A_53], %get3A_604 : memref<50x4x8x17xf32, #tpu.memory_space<vmem>>[vector<16xi32>, vector<16xi32>, vector<16xi32>, vector<16xi32>], vector<16xf32>,
        tpu.vector_store_idx %arg8[%broadcast_in_dim3A_583, %add3A_28, %select_n3A_48, %broadcast_in_dim3A_53], %get3A_607 : memref<50x4x8x17xf32, #tpu.memory_space<vmem>>[vector<16xi32>, vector<16xi32>, vector<16xi32>, vector<16xi32>], vector<16xf32>,
        %add3A_608 = arith.constant 150 : i32
        %add3A_609 = arith.addi %add3A_608, %add3A_582 : i32
        %get3A_610 = arith.index_cast %add3A_609 : i32 to index
        %get3A_611 = arith.constant 0 : index
        %get3A_612 = tpu.vector_load %arg7[%get3A_610, %get3A_611] {strides = array<i32>} : memref<800x32xf32, #tpu.memory_space<vmem>>, vector<16xf32>,
        %get3A_613 = arith.index_cast %add3A_609 : i32 to index
        %get3A_614 = arith.constant 16 : index
        %get3A_615 = tpu.vector_load %arg7[%get3A_613, %get3A_614] {strides = array<i32>} : memref<800x32xf32, #tpu.memory_space<vmem>>, vector<16xf32>,
        tpu.vector_store_idx %arg8[%broadcast_in_dim3A_583, %select_n3A, %select_n3A_48, %broadcast_in_dim3A_55], %get3A_612 : memref<50x4x8x17xf32, #tpu.memory_space<vmem>>[vector<16xi32>, vector<16xi32>, vector<16xi32>, vector<16xi32>], vector<16xf32>,
        tpu.vector_store_idx %arg8[%broadcast_in_dim3A_583, %add3A_28, %select_n3A_48, %broadcast_in_dim3A_55], %get3A_615 : memref<50x4x8x17xf32, #tpu.memory_space<vmem>>[vector<16xi32>, vector<16xi32>, vector<16xi32>, vector<16xi32>], vector<16xf32>,
        %add3A_616 = arith.constant 200 : i32
        %add3A_617 = arith.addi %add3A_616, %add3A_582 : i32
        %get3A_618 = arith.index_cast %add3A_617 : i32 to index
        %get3A_619 = arith.constant 0 : index
        %get3A_620 = tpu.vector_load %arg7[%get3A_618, %get3A_619] {strides = array<i32>} : memref<800x32xf32, #tpu.memory_space<vmem>>, vector<16xf32>,
        %get3A_621 = arith.index_cast %add3A_617 : i32 to index
        %get3A_622 = arith.constant 16 : index
        %get3A_623 = tpu.vector_load %arg7[%get3A_621, %get3A_622] {strides = array<i32>} : memref<800x32xf32, #tpu.memory_space<vmem>>, vector<16xf32>,
        tpu.vector_store_idx %arg8[%broadcast_in_dim3A_583, %select_n3A, %select_n3A_48, %broadcast_in_dim3A_57], %get3A_620 : memref<50x4x8x17xf32, #tpu.memory_space<vmem>>[vector<16xi32>, vector<16xi32>, vector<16xi32>, vector<16xi32>], vector<16xf32>,
        tpu.vector_store_idx %arg8[%broadcast_in_dim3A_583, %add3A_28, %select_n3A_48, %broadcast_in_dim3A_57], %get3A_623 : memref<50x4x8x17xf32, #tpu.memory_space<vmem>>[vector<16xi32>, vector<16xi32>, vector<16xi32>, vector<16xi32>], vector<16xf32>,
        %add3A_624 = arith.constant 250 : i32
        %add3A_625 = arith.addi %add3A_624, %add3A_582 : i32
        %get3A_626 = arith.index_cast %add3A_625 : i32 to index
        %get3A_627 = arith.constant 0 : index
        %get3A_628 = tpu.vector_load %arg7[%get3A_626, %get3A_627] {strides = array<i32>} : memref<800x32xf32, #tpu.memory_space<vmem>>, vector<16xf32>,
        %get3A_629 = arith.index_cast %add3A_625 : i32 to index
        %get3A_630 = arith.constant 16 : index
        %get3A_631 = tpu.vector_load %arg7[%get3A_629, %get3A_630] {strides = array<i32>} : memref<800x32xf32, #tpu.memory_space<vmem>>, vector<16xf32>,
        tpu.vector_store_idx %arg8[%broadcast_in_dim3A_583, %select_n3A, %select_n3A_48, %broadcast_in_dim3A_59], %get3A_628 : memref<50x4x8x17xf32, #tpu.memory_space<vmem>>[vector<16xi32>, vector<16xi32>, vector<16xi32>, vector<16xi32>], vector<16xf32>,
        tpu.vector_store_idx %arg8[%broadcast_in_dim3A_583, %add3A_28, %select_n3A_48, %broadcast_in_dim3A_59], %get3A_631 : memref<50x4x8x17xf32, #tpu.memory_space<vmem>>[vector<16xi32>, vector<16xi32>, vector<16xi32>, vector<16xi32>], vector<16xf32>,
        %add3A_632 = arith.constant 300 : i32
        %add3A_633 = arith.addi %add3A_632, %add3A_582 : i32
        %get3A_634 = arith.index_cast %add3A_633 : i32 to index
        %get3A_635 = arith.constant 0 : index
        %get3A_636 = tpu.vector_load %arg7[%get3A_634, %get3A_635] {strides = array<i32>} : memref<800x32xf32, #tpu.memory_space<vmem>>, vector<16xf32>,
        %get3A_637 = arith.index_cast %add3A_633 : i32 to index
        %get3A_638 = arith.constant 16 : index
        %get3A_639 = tpu.vector_load %arg7[%get3A_637, %get3A_638] {strides = array<i32>} : memref<800x32xf32, #tpu.memory_space<vmem>>, vector<16xf32>,
        tpu.vector_store_idx %arg8[%broadcast_in_dim3A_583, %select_n3A, %select_n3A_48, %broadcast_in_dim3A_61], %get3A_636 : memref<50x4x8x17xf32, #tpu.memory_space<vmem>>[vector<16xi32>, vector<16xi32>, vector<16xi32>, vector<16xi32>], vector<16xf32>,
        tpu.vector_store_idx %arg8[%broadcast_in_dim3A_583, %add3A_28, %select_n3A_48, %broadcast_in_dim3A_61], %get3A_639 : memref<50x4x8x17xf32, #tpu.memory_space<vmem>>[vector<16xi32>, vector<16xi32>, vector<16xi32>, vector<16xi32>], vector<16xf32>,
        %add3A_640 = arith.constant 350 : i32
        %add3A_641 = arith.addi %add3A_640, %add3A_582 : i32
        %get3A_642 = arith.index_cast %add3A_641 : i32 to index
        %get3A_643 = arith.constant 0 : index
        %get3A_644 = tpu.vector_load %arg7[%get3A_642, %get3A_643] {strides = array<i32>} : memref<800x32xf32, #tpu.memory_space<vmem>>, vector<16xf32>,
        %get3A_645 = arith.index_cast %add3A_641 : i32 to index
        %get3A_646 = arith.constant 16 : index
        %get3A_647 = tpu.vector_load %arg7[%get3A_645, %get3A_646] {strides = array<i32>} : memref<800x32xf32, #tpu.memory_space<vmem>>, vector<16xf32>,
        tpu.vector_store_idx %arg8[%broadcast_in_dim3A_583, %select_n3A, %select_n3A_48, %broadcast_in_dim3A_63], %get3A_644 : memref<50x4x8x17xf32, #tpu.memory_space<vmem>>[vector<16xi32>, vector<16xi32>, vector<16xi32>, vector<16xi32>], vector<16xf32>,
        tpu.vector_store_idx %arg8[%broadcast_in_dim3A_583, %add3A_28, %select_n3A_48, %broadcast_in_dim3A_63], %get3A_647 : memref<50x4x8x17xf32, #tpu.memory_space<vmem>>[vector<16xi32>, vector<16xi32>, vector<16xi32>, vector<16xi32>], vector<16xf32>,
        %add3A_648 = arith.constant 400 : i32
        %add3A_649 = arith.addi %add3A_648, %add3A_582 : i32
        %get3A_650 = arith.index_cast %add3A_649 : i32 to index
        %get3A_651 = arith.constant 0 : index
        %get3A_652 = tpu.vector_load %arg7[%get3A_650, %get3A_651] {strides = array<i32>} : memref<800x32xf32, #tpu.memory_space<vmem>>, vector<16xf32>,
        %get3A_653 = arith.index_cast %add3A_649 : i32 to index
        %get3A_654 = arith.constant 16 : index
        %get3A_655 = tpu.vector_load %arg7[%get3A_653, %get3A_654] {strides = array<i32>} : memref<800x32xf32, #tpu.memory_space<vmem>>, vector<16xf32>,
        tpu.vector_store_idx %arg8[%broadcast_in_dim3A_583, %select_n3A, %select_n3A_48, %broadcast_in_dim3A_65], %get3A_652 : memref<50x4x8x17xf32, #tpu.memory_space<vmem>>[vector<16xi32>, vector<16xi32>, vector<16xi32>, vector<16xi32>], vector<16xf32>,
        tpu.vector_store_idx %arg8[%broadcast_in_dim3A_583, %add3A_28, %select_n3A_48, %broadcast_in_dim3A_65], %get3A_655 : memref<50x4x8x17xf32, #tpu.memory_space<vmem>>[vector<16xi32>, vector<16xi32>, vector<16xi32>, vector<16xi32>], vector<16xf32>,
        %add3A_656 = arith.constant 450 : i32
        %add3A_657 = arith.addi %add3A_656, %add3A_582 : i32
        %get3A_658 = arith.index_cast %add3A_657 : i32 to index
        %get3A_659 = arith.constant 0 : index
        %get3A_660 = tpu.vector_load %arg7[%get3A_658, %get3A_659] {strides = array<i32>} : memref<800x32xf32, #tpu.memory_space<vmem>>, vector<16xf32>,
        %get3A_661 = arith.index_cast %add3A_657 : i32 to index
        %get3A_662 = arith.constant 16 : index
        %get3A_663 = tpu.vector_load %arg7[%get3A_661, %get3A_662] {strides = array<i32>} : memref<800x32xf32, #tpu.memory_space<vmem>>, vector<16xf32>,
        tpu.vector_store_idx %arg8[%broadcast_in_dim3A_583, %select_n3A, %select_n3A_48, %broadcast_in_dim3A_67], %get3A_660 : memref<50x4x8x17xf32, #tpu.memory_space<vmem>>[vector<16xi32>, vector<16xi32>, vector<16xi32>, vector<16xi32>], vector<16xf32>,
        tpu.vector_store_idx %arg8[%broadcast_in_dim3A_583, %add3A_28, %select_n3A_48, %broadcast_in_dim3A_67], %get3A_663 : memref<50x4x8x17xf32, #tpu.memory_space<vmem>>[vector<16xi32>, vector<16xi32>, vector<16xi32>, vector<16xi32>], vector<16xf32>,
        %add3A_664 = arith.constant 500 : i32
        %add3A_665 = arith.addi %add3A_664, %add3A_582 : i32
        %get3A_666 = arith.index_cast %add3A_665 : i32 to index
        %get3A_667 = arith.constant 0 : index
        %get3A_668 = tpu.vector_load %arg7[%get3A_666, %get3A_667] {strides = array<i32>} : memref<800x32xf32, #tpu.memory_space<vmem>>, vector<16xf32>,
        %get3A_669 = arith.index_cast %add3A_665 : i32 to index
        %get3A_670 = arith.constant 16 : index
        %get3A_671 = tpu.vector_load %arg7[%get3A_669, %get3A_670] {strides = array<i32>} : memref<800x32xf32, #tpu.memory_space<vmem>>, vector<16xf32>,
        tpu.vector_store_idx %arg8[%broadcast_in_dim3A_583, %select_n3A, %select_n3A_48, %broadcast_in_dim3A_69], %get3A_668 : memref<50x4x8x17xf32, #tpu.memory_space<vmem>>[vector<16xi32>, vector<16xi32>, vector<16xi32>, vector<16xi32>], vector<16xf32>,
        tpu.vector_store_idx %arg8[%broadcast_in_dim3A_583, %add3A_28, %select_n3A_48, %broadcast_in_dim3A_69], %get3A_671 : memref<50x4x8x17xf32, #tpu.memory_space<vmem>>[vector<16xi32>, vector<16xi32>, vector<16xi32>, vector<16xi32>], vector<16xf32>,
        %add3A_672 = arith.constant 550 : i32
        %add3A_673 = arith.addi %add3A_672, %add3A_582 : i32
        %get3A_674 = arith.index_cast %add3A_673 : i32 to index
        %get3A_675 = arith.constant 0 : index
        %get3A_676 = tpu.vector_load %arg7[%get3A_674, %get3A_675] {strides = array<i32>} : memref<800x32xf32, #tpu.memory_space<vmem>>, vector<16xf32>,
        %get3A_677 = arith.index_cast %add3A_673 : i32 to index
        %get3A_678 = arith.constant 16 : index
        %get3A_679 = tpu.vector_load %arg7[%get3A_677, %get3A_678] {strides = array<i32>} : memref<800x32xf32, #tpu.memory_space<vmem>>, vector<16xf32>,
        tpu.vector_store_idx %arg8[%broadcast_in_dim3A_583, %select_n3A, %select_n3A_48, %broadcast_in_dim3A_71], %get3A_676 : memref<50x4x8x17xf32, #tpu.memory_space<vmem>>[vector<16xi32>, vector<16xi32>, vector<16xi32>, vector<16xi32>], vector<16xf32>,
        tpu.vector_store_idx %arg8[%broadcast_in_dim3A_583, %add3A_28, %select_n3A_48, %broadcast_in_dim3A_71], %get3A_679 : memref<50x4x8x17xf32, #tpu.memory_space<vmem>>[vector<16xi32>, vector<16xi32>, vector<16xi32>, vector<16xi32>], vector<16xf32>,
        %add3A_680 = arith.constant 600 : i32
        %add3A_681 = arith.addi %add3A_680, %add3A_582 : i32
        %get3A_682 = arith.index_cast %add3A_681 : i32 to index
        %get3A_683 = arith.constant 0 : index
        %get3A_684 = tpu.vector_load %arg7[%get3A_682, %get3A_683] {strides = array<i32>} : memref<800x32xf32, #tpu.memory_space<vmem>>, vector<16xf32>,
        %get3A_685 = arith.index_cast %add3A_681 : i32 to index
        %get3A_686 = arith.constant 16 : index
        %get3A_687 = tpu.vector_load %arg7[%get3A_685, %get3A_686] {strides = array<i32>} : memref<800x32xf32, #tpu.memory_space<vmem>>, vector<16xf32>,
        tpu.vector_store_idx %arg8[%broadcast_in_dim3A_583, %select_n3A, %select_n3A_48, %broadcast_in_dim3A_73], %get3A_684 : memref<50x4x8x17xf32, #tpu.memory_space<vmem>>[vector<16xi32>, vector<16xi32>, vector<16xi32>, vector<16xi32>], vector<16xf32>,
        tpu.vector_store_idx %arg8[%broadcast_in_dim3A_583, %add3A_28, %select_n3A_48, %broadcast_in_dim3A_73], %get3A_687 : memref<50x4x8x17xf32, #tpu.memory_space<vmem>>[vector<16xi32>, vector<16xi32>, vector<16xi32>, vector<16xi32>], vector<16xf32>,
        %add3A_688 = arith.constant 650 : i32
        %add3A_689 = arith.addi %add3A_688, %add3A_582 : i32
        %get3A_690 = arith.index_cast %add3A_689 : i32 to index
        %get3A_691 = arith.constant 0 : index
        %get3A_692 = tpu.vector_load %arg7[%get3A_690, %get3A_691] {strides = array<i32>} : memref<800x32xf32, #tpu.memory_space<vmem>>, vector<16xf32>,
        %get3A_693 = arith.index_cast %add3A_689 : i32 to index
        %get3A_694 = arith.constant 16 : index
        %get3A_695 = tpu.vector_load %arg7[%get3A_693, %get3A_694] {strides = array<i32>} : memref<800x32xf32, #tpu.memory_space<vmem>>, vector<16xf32>,
        tpu.vector_store_idx %arg8[%broadcast_in_dim3A_583, %select_n3A, %select_n3A_48, %broadcast_in_dim3A_75], %get3A_692 : memref<50x4x8x17xf32, #tpu.memory_space<vmem>>[vector<16xi32>, vector<16xi32>, vector<16xi32>, vector<16xi32>], vector<16xf32>,
        tpu.vector_store_idx %arg8[%broadcast_in_dim3A_583, %add3A_28, %select_n3A_48, %broadcast_in_dim3A_75], %get3A_695 : memref<50x4x8x17xf32, #tpu.memory_space<vmem>>[vector<16xi32>, vector<16xi32>, vector<16xi32>, vector<16xi32>], vector<16xf32>,
        %add3A_696 = arith.constant 700 : i32
        %add3A_697 = arith.addi %add3A_696, %add3A_582 : i32
        %get3A_698 = arith.index_cast %add3A_697 : i32 to index
        %get3A_699 = arith.constant 0 : index
        %get3A_700 = tpu.vector_load %arg7[%get3A_698, %get3A_699] {strides = array<i32>} : memref<800x32xf32, #tpu.memory_space<vmem>>, vector<16xf32>,
        %get3A_701 = arith.index_cast %add3A_697 : i32 to index
        %get3A_702 = arith.constant 16 : index
        %get3A_703 = tpu.vector_load %arg7[%get3A_701, %get3A_702] {strides = array<i32>} : memref<800x32xf32, #tpu.memory_space<vmem>>, vector<16xf32>,
        tpu.vector_store_idx %arg8[%broadcast_in_dim3A_583, %select_n3A, %select_n3A_48, %broadcast_in_dim3A_77], %get3A_700 : memref<50x4x8x17xf32, #tpu.memory_space<vmem>>[vector<16xi32>, vector<16xi32>, vector<16xi32>, vector<16xi32>], vector<16xf32>,
        tpu.vector_store_idx %arg8[%broadcast_in_dim3A_583, %add3A_28, %select_n3A_48, %broadcast_in_dim3A_77], %get3A_703 : memref<50x4x8x17xf32, #tpu.memory_space<vmem>>[vector<16xi32>, vector<16xi32>, vector<16xi32>, vector<16xi32>], vector<16xf32>,
        %add3A_704 = arith.constant 750 : i32
        %add3A_705 = arith.addi %add3A_704, %add3A_582 : i32
        %get3A_706 = arith.index_cast %add3A_705 : i32 to index
        %get3A_707 = arith.constant 0 : index
        %get3A_708 = tpu.vector_load %arg7[%get3A_706, %get3A_707] {strides = array<i32>} : memref<800x32xf32, #tpu.memory_space<vmem>>, vector<16xf32>,
        %get3A_709 = arith.index_cast %add3A_705 : i32 to index
        %get3A_710 = arith.constant 16 : index
        %get3A_711 = tpu.vector_load %arg7[%get3A_709, %get3A_710] {strides = array<i32>} : memref<800x32xf32, #tpu.memory_space<vmem>>, vector<16xf32>,
        tpu.vector_store_idx %arg8[%broadcast_in_dim3A_583, %select_n3A, %select_n3A_48, %broadcast_in_dim3A_79], %get3A_708 : memref<50x4x8x17xf32, #tpu.memory_space<vmem>>[vector<16xi32>, vector<16xi32>, vector<16xi32>, vector<16xi32>], vector<16xf32>,
        tpu.vector_store_idx %arg8[%broadcast_in_dim3A_583, %add3A_28, %select_n3A_48, %broadcast_in_dim3A_79], %get3A_711 : memref<50x4x8x17xf32, #tpu.memory_space<vmem>>[vector<16xi32>, vector<16xi32>, vector<16xi32>, vector<16xi32>], vector<16xf32>,
      }
      %scan3A_382 = arith.constant 25 : i32
      %mul3A_383 = arith.constant 16 : i32
      %mul3A_384 = arith.muli %add3A_358, %mul3A_383 : i32
      %add3A_385 = arith.addi %mul3A_2, %mul3A_384 : i32
      %jit3A_386 = arith.constant 128 : i32
      %div3A_387 = arith.divsi %add3A_385, %jit3A_386 : i32
      %sign3A_388 = arith.constant 0 : i32
      %sign3A_389 = arith.cmpi sgt, %add3A_385, %sign3A_388 : i32
      %sign3A_390 = arith.extui %sign3A_389 : i1 to i32
      %sign3A_391 = arith.constant 0 : i32
      %sign3A_392 = arith.cmpi slt, %add3A_385, %sign3A_391 : i32
      %sign3A_393 = arith.extui %sign3A_392 : i1 to i32
      %sign3A_394 = arith.subi %sign3A_390, %sign3A_393 : i32
      %sign3A_395 = arith.constant 0 : i32
      %sign3A_396 = arith.cmpi sgt, %jit3A_386, %sign3A_395 : i32
      %sign3A_397 = arith.extui %sign3A_396 : i1 to i32
      %sign3A_398 = arith.constant 0 : i32
      %sign3A_399 = arith.cmpi slt, %jit3A_386, %sign3A_398 : i32
      %sign3A_400 = arith.extui %sign3A_399 : i1 to i32
      %sign3A_401 = arith.subi %sign3A_397, %sign3A_400 : i32
      %ne3A_402 = arith.cmpi ne, %sign3A_394, %sign3A_401 : i32
      %rem3A_403 = arith.remsi %add3A_385, %jit3A_386 : i32
      %ne3A_404 = arith.constant 0 : i32
      %ne3A_405 = arith.cmpi ne, %rem3A_403, %ne3A_404 : i32
      %and3A_406 = arith.andi %ne3A_402, %ne3A_405 : i1
      %sub3A_407 = arith.constant 1 : i32
      %sub3A_408 = arith.subi %div3A_387, %sub3A_407 : i32
      %select_n3A_409 = arith.select %and3A_406, %sub3A_408, %div3A_387 : i32
      %jit3A_410 = arith.constant 128 : i32
      %eq3A_411 = arith.constant 0 : i32
      %eq3A_412 = arith.cmpi eq, %jit3A_410, %eq3A_411 : i32
      %jit3A_413 = arith.constant 1 : i32
      %select_n3A_414 = arith.select %eq3A_412, %jit3A_413, %jit3A_410 : i32
      %rem3A_415 = arith.remsi %add3A_385, %select_n3A_414 : i32
      %ne3A_416 = arith.constant 0 : i32
      %ne3A_417 = arith.cmpi ne, %rem3A_415, %ne3A_416 : i32
      %lt3A_418 = arith.constant 0 : i32
      %lt3A_419 = arith.cmpi slt, %rem3A_415, %lt3A_418 : i32
      %lt3A_420 = arith.constant 0 : i32
      %lt3A_421 = arith.cmpi slt, %select_n3A_414, %lt3A_420 : i32
      %ne3A_422 = arith.xori %lt3A_419, %lt3A_421 : i1
      %and3A_423 = arith.andi %ne3A_422, %ne3A_417 : i1
      %add3A_424 = arith.addi %rem3A_415, %select_n3A_414 : i32
      %select_n3A_425 = arith.select %and3A_423, %add3A_424, %rem3A_415 : i32
      %dma_start3A_426 = arith.constant 0 : i32
      %dma_start3A_427 = arith.constant 0 : i32
      %dma_start3A_428 = arith.constant 0 : i32
      %dma_start3A_429 = arith.constant 0 : i32
      %dma_start3A_430 = tpu.memref_slice %arg8[%dma_start3A_426, %dma_start3A_427, %dma_start3A_428, %dma_start3A_429] : memref<50x4x8x17xf32, #tpu.memory_space<vmem>> -> memref<50x4x8x16xf32, #tpu.memory_space<vmem>>
      %dma_start3A_431 = arith.constant 0 : i32
      %dma_start3A_432 = arith.constant 0 : i32
      %dma_start3A_433 = arith.constant 0 : i32
      %dma_start3A_434 = tpu.memref_slice %arg4[%dma_start3A_431, %dma_start3A_432, %select_n3A_409, %dma_start3A_433, %select_n3A_425] : memref<50x4x128x8x128xf32, #tpu.memory_space<hbm>> -> memref<50x4x1x8x16xf32, #tpu.memory_space<hbm>>
      %dma_start3A_435 = tpu.memref_squeeze %dma_start3A_434 : memref<50x4x1x8x16xf32, #tpu.memory_space<hbm>> -> memref<50x4x8x16xf32, #tpu.memory_space<hbm>>
      %dma_start3A_436 = arith.constant 0 : i32
      %dma_start3A_437 = arith.constant 0 : i32
      %dma_start3A_438 = arith.constant 0 : i32
      %dma_start3A_439 = tpu.memref_slice %arg4[%dma_start3A_436, %dma_start3A_437, %select_n3A_409, %dma_start3A_438, %select_n3A_425] : memref<50x4x128x8x128xf32, #tpu.memory_space<hbm>> -> memref<50x4x1x8x16xf32, #tpu.memory_space<hbm>>
      %dma_start3A_440 = tpu.memref_squeeze %dma_start3A_439 : memref<50x4x1x8x16xf32, #tpu.memory_space<hbm>> -> memref<50x4x8x16xf32, #tpu.memory_space<hbm>>
      %dma_start3A_441 = arith.constant 0 : i32
      %dma_start3A_442 = arith.constant 0 : i32
      %dma_start3A_443 = arith.constant 0 : i32
      %dma_start3A_444 = arith.constant 0 : i32
      %dma_start3A_445 = tpu.memref_slice %arg8[%dma_start3A_441, %dma_start3A_442, %dma_start3A_443, %dma_start3A_444] : memref<50x4x8x17xf32, #tpu.memory_space<vmem>> -> memref<50x4x8x16xf32, #tpu.memory_space<vmem>>
      tpu.enqueue_dma source(%dma_start3A_445 : memref<50x4x8x16xf32, #tpu.memory_space<vmem>>) target(%dma_start3A_440 : memref<50x4x8x16xf32, #tpu.memory_space<hbm>>) target_semaphore(%arg11 : memref<!tpu.dma_semaphore, #tpu.memory_space<semaphore_mem>>)
    }
    %scan3A_243 = arith.constant 16 : i32
    %dma_wait3A = arith.constant 0 : i32
    %dma_wait3A_244 = arith.constant 0 : i32
    %dma_wait3A_245 = arith.constant 0 : i32
    %dma_wait3A_246 = arith.constant 0 : i32
    %dma_wait3A_247 = arith.constant 0 : i32
    %dma_wait3A_248 = tpu.memref_slice %arg8[%dma_wait3A_244, %dma_wait3A_245, %dma_wait3A_246, %dma_wait3A_247] : memref<50x4x8x17xf32, #tpu.memory_space<vmem>> -> memref<50x4x8x16xf32, #tpu.memory_space<vmem>>
    %dma_wait3A_249 = arith.constant 0 : i32
    %dma_wait3A_250 = arith.constant 0 : i32
    %dma_wait3A_251 = arith.constant 0 : i32
    %dma_wait3A_252 = arith.constant 0 : i32
    %dma_wait3A_253 = tpu.memref_slice %arg4[%dma_wait3A_249, %dma_wait3A_250, %dma_wait3A, %dma_wait3A_251, %dma_wait3A_252] : memref<50x4x128x8x128xf32, #tpu.memory_space<hbm>> -> memref<50x4x1x8x16xf32, #tpu.memory_space<hbm>>
    %dma_wait3A_254 = tpu.memref_squeeze %dma_wait3A_253 : memref<50x4x1x8x16xf32, #tpu.memory_space<hbm>> -> memref<50x4x8x16xf32, #tpu.memory_space<hbm>>
    %dma_wait3A_255 = arith.constant 0 : i32
    %dma_wait3A_256 = arith.constant 0 : i32
    %dma_wait3A_257 = arith.constant 0 : i32
    %dma_wait3A_258 = arith.constant 0 : i32
    %dma_wait3A_259 = tpu.memref_slice %arg8[%dma_wait3A_255, %dma_wait3A_256, %dma_wait3A_257, %dma_wait3A_258] : memref<50x4x8x17xf32, #tpu.memory_space<vmem>> -> memref<50x4x8x16xf32, #tpu.memory_space<vmem>>
    %dma_wait3A_260 = arith.constant 0 : i32
    %dma_wait3A_261 = arith.constant 0 : i32
    %dma_wait3A_262 = arith.constant 0 : i32
    %dma_wait3A_263 = arith.constant 0 : i32
    %dma_wait3A_264 = tpu.memref_slice %arg4[%dma_wait3A_260, %dma_wait3A_261, %dma_wait3A, %dma_wait3A_262, %dma_wait3A_263] : memref<50x4x128x8x128xf32, #tpu.memory_space<hbm>> -> memref<50x4x1x8x16xf32, #tpu.memory_space<hbm>>
    %dma_wait3A_265 = tpu.memref_squeeze %dma_wait3A_264 : memref<50x4x1x8x16xf32, #tpu.memory_space<hbm>> -> memref<50x4x8x16xf32, #tpu.memory_space<hbm>>
    tpu.wait_dma2 semaphore(%arg11 : memref<!tpu.dma_semaphore, #tpu.memory_space<semaphore_mem>>) src(%dma_wait3A_265 : memref<50x4x8x16xf32, #tpu.memory_space<hbm>>) dst(%dma_wait3A_259 : memref<50x4x8x16xf32, #tpu.memory_space<vmem>>)
    return
  }
}

</mosaic_0001>

<sc_bundles>
// kernel: kernel.3.cloned.1.call-start
scs
__scs_entry_jumppad:
0x0: {  	(pc) =	sbr.rel $0x88, $3  }
0x1: {  	(tag) =	ssettag $0x0;
	lr =	simm.s32 $0x1  }
0x2: {  	[smem:$0x3F9F] =	sst lr;
	_ =	strace $0xD0000000  }
0x3: {  	_ = 	snop  }
0x4: {  	_ = 	snop  }
0x5: {  	_ = 	snop  }
0x6: {  	_ = 	snop  }
0x7: {  	_ = 	snop  }
__scs_overlays_trampoline_lowered:
0x8: {  	[smem:$0x3FAE] =	sst s0  }
0x9: {  	[smem:$0x3FAF] =	sst s1  }
0xa: {  	[smem:$0x3FB0] =	sst s2  }
0xb: {  	[smem:$0x3FB1] =	sst s3  }
0xc: {  	[smem:$0x3FB2] =	sst s4  }
0xd: {  	[smem:$0x3FB3] =	sst s5  }
0xe: {  	[smem:$0x3FB4] =	sst s6  }
0xf: {  	[smem:$0x3FB5] =	sst s7  }
0x10: {  	[smem:$0x3FB6] =	sst s8  }
0x11: {  	[smem:$0x3FB7] =	sst s9;
	s0 =	simm.s32 @!p0 $0x0  }
0x12: {  	s1 =	sld [smem:$0x3F9D];
	s0 =	simm.s32 @p0 $0x1  }
0x13: {  	[smem:$0x3FB8] =	sst s0;
	s0 =	simm.s32 @!p1 $0x0  }
0x14: {  	s2 =	sld [smem:$0x3F9C];
	s0 =	simm.s32 @p1 $0x1  }
0x15: {  	[smem:$0x3FB9] =	sst s0;
	s0 =	simm.s32 @!p2 $0x0  }
0x16: {  	s3 =	sld [smem:$0x3FDB];
	s0 =	simm.s32 @p2 $0x1  }
0x17: {  	s4 =	simm.s32 $0x1BF5;
	[smem:$0x3FBB] =	sst s0  }
0x18: {  	s0 =	sld [smem:$0x3F9E];
	_ =	swait.ge [sflag:s4], $0x0  }
0x19: {  	s7 =	sld [smem:$0x3F9F]  }
0x1a: {  	s8 =	sadd.s32 $0xFFFFE003, lr  }
0x1b: {  	s9 =	sadd.s32 $0xFFFFFEF7, lr;
	s5 =	simm.s32 $0xFFFFFFFF;
	p2 =	slt.u32 s8, $0xFFFFF086  }
0x1c: {  	p1 =	slt.u32 s9, $0xF7A;
	s5 =	simm.s32 @!p2 $0x0  }
0x1d: {  	s5 =	simm.s32 @p1 $0x1;
	p0 =	seq.s32 s7, s2  }
0x1e: {  	s7 =	smul.u32 @!p0 $0xF7A, s2;
	p2 =	seq.s32 @!p0 s5, $0x0  }
0x1f: {  	s9 =	smul.u32 $0xF7A, s1;
	s8 =	simm.s32 @!p0 $0x1BF5;
	p2 =	por !p2, p0  }
0x20: {  	[sflag:s8] =	ssyncset.s32 @!p0 $0xFFFFF086;
	s6 =	sadd.s32 @!p0 s3, s7;
	s7 =	simm.s32 @!p0 $0x108  }
0x21: {  	s3 =	sadd.s32 s3, s9;
	s6 =	sadd.s32 @!p0 $0x88, s6;
	s7 =	simm.s32 @p2 $0x1082  }
0x22: {  	[simem:s7], [sflag:s8] =	dma.local @!p0 [hbm:s6], $0xF7A  }
0x23: {  	s9 =	sor.u32 $0xD0000000, s2;
	s6 =	simm.s32 $0x108;
	_ =	swait.ge @!p0 [sflag:s8], $0x0  }
0x24: {  	s3 =	sadd.s32 $0x88, s3;
	s6 =	simm.s32 @!p1 $0x1082;
	[sflag:s4] =	ssyncset.s32 $0xFFFFF086  }
0x25: {  	[simem:s6], [sflag:s4] =	dma.local [hbm:s3], $0xF7A  }
0x26: {  	[smem:$0x3F9F] =	sst s1;
	(tag) =	ssettag s2;
	_ =	strace s9  }
0x27: {  	s1 =	sld [smem:$0x3FAF]  }
0x28: {  	s2 =	sld [smem:$0x3FB0]  }
0x29: {  	s4 =	sld [smem:$0x3FB2]  }
0x2a: {  	p0 =	seq.s32 s5, $0x0;
	s5 =	sld [smem:$0x3FB3]  }
0x2b: {  	s6 =	sld [smem:$0x3FB4]  }
0x2c: {  	s7 =	sld [smem:$0x3FB5]  }
0x2d: {  	s3 =	simm.s32 $0x108;
	s8 =	sld [smem:$0x3FB6]  }
0x2e: {  	s3 =	simm.s32 @!p0 $0x1082;
	s9 =	sld [smem:$0x3FB7]  }
0x2f: {  	lr =	sadd.s32 s0, s3;
	s0 =	sld [smem:$0x3FAE]  }
0x30: {  	s3 =	sld [smem:$0x3FB1]  }
0x31: {  	[smem:$0x3FBA] =	sst s10  }
0x32: {  	s10 =	sld [smem:$0x3FB8];
	_ =	sdelay $0x3  }
0x33: {  	p0 =	seq.s32 s10, $0x1;
	s10 =	sld [smem:$0x3FBA];
	_ =	sdelay $0x3  }
0x34: {  	[smem:$0x3FBA] =	sst s10  }
0x35: {  	s10 =	sld [smem:$0x3FB9];
	_ =	sdelay $0x3  }
0x36: {  	p1 =	seq.s32 s10, $0x1;
	s10 =	sld [smem:$0x3FBA];
	_ =	sdelay $0x3  }
0x37: {  	[smem:$0x3FBA] =	sst s10  }
0x38: {  	s10 =	sld [smem:$0x3FBB]  }
0x39: {  	_ = 	snop;
	(pc) =	sbr.ind lr, $3  }
0x3a: {  	_ = 	snop  }
0x3b: {  	_ = 	snop  }
0x3c: {  	p2 =	seq.s32 s10, $0x1;
	s10 =	sld [smem:$0x3FBA]  }
0x3d: {  	_ =	shalt  }
0x3e: {  	_ =	shalt  }
0x3f: {  	_ =	shalt  }
0x40: {  	_ =	shalt  }
0x41: {  	_ =	shalt  }
0x42: {  	_ =	shalt  }
0x43: {  	_ =	shalt  }
0x44: {  	_ =	shalt  }
0x45: {  	_ =	shalt  }
0x46: {  	_ =	shalt  }
0x47: {  	_ =	shalt  }
0x48: {  	_ =	shalt  }
0x49: {  	_ =	shalt  }
0x4a: {  	_ =	shalt  }
0x4b: {  	_ =	shalt  }
0x4c: {  	_ =	shalt  }
0x4d: {  	_ =	shalt  }
0x4e: {  	_ =	shalt  }
0x4f: {  	_ =	shalt  }
0x50: {  	_ =	shalt  }
0x51: {  	_ =	shalt  }
0x52: {  	_ =	shalt  }
0x53: {  	_ =	shalt  }
0x54: {  	_ =	shalt  }
0x55: {  	_ =	shalt  }
0x56: {  	_ =	shalt  }
0x57: {  	_ =	shalt  }
0x58: {  	_ =	shalt  }
0x59: {  	_ =	shalt  }
0x5a: {  	_ =	shalt  }
0x5b: {  	_ =	shalt  }
0x5c: {  	_ =	shalt  }
0x5d: {  	_ =	shalt  }
0x5e: {  	_ =	shalt  }
0x5f: {  	_ =	shalt  }
0x60: {  	_ =	shalt  }
0x61: {  	_ =	shalt  }
0x62: {  	_ =	shalt  }
0x63: {  	_ =	shalt  }
0x64: {  	_ =	shalt  }
0x65: {  	_ =	shalt  }
0x66: {  	_ =	shalt  }
0x67: {  	_ =	shalt  }
0x68: {  	_ =	shalt  }
0x69: {  	_ =	shalt  }
0x6a: {  	_ =	shalt  }
0x6b: {  	_ =	shalt  }
0x6c: {  	_ =	shalt  }
0x6d: {  	_ =	shalt  }
0x6e: {  	_ =	shalt  }
0x6f: {  	_ =	shalt  }
0x70: {  	_ =	shalt  }
0x71: {  	_ =	shalt  }
0x72: {  	_ =	shalt  }
0x73: {  	_ =	shalt  }
0x74: {  	_ =	shalt  }
0x75: {  	_ =	shalt  }
0x76: {  	_ =	shalt  }
0x77: {  	_ =	shalt  }
0x78: {  	_ =	shalt  }
0x79: {  	_ =	shalt  }
0x7a: {  	_ =	shalt  }
0x7b: {  	_ =	shalt  }
0x7c: {  	_ =	shalt  }
0x7d: {  	_ =	shalt  }
0x7e: {  	_ =	shalt  }
0x7f: {  	_ =	shalt  }
0x80: {  	_ =	shalt  }
0x81: {  	_ =	shalt  }
0x82: {  	_ =	shalt  }
0x83: {  	_ =	shalt  }
0x84: {  	_ =	shalt  }
0x85: {  	_ =	shalt  }
0x86: {  	_ =	shalt  }
0x87: {  	_ =	shalt  }
.Lfunc_end0:
.L_simem_size_0:
called_computation_lowered:
.L_overlay_start_0:
0x88: {  	s2 =	sld [smem:$0x3FD9]  }
0x89: {  	s3 =	sld [smem:$0x3FFE];
	_ =	sdelay $0x1  }
0x8a: {  	s1 =	srdreg.scid  }
0x8b: {  	s0 =	sand.u32 $0x1, s1  }
0x8c: {  	s17 =	sshll.u32 s0, $0xA;
	s2 =	sadd.s32 s3, s2  }
0x8d: {  	s2 =	sadd.s32 s2, s17  }
0x8e: {  	[smem:$0x3FC6] =	sst s2  }
0x8f: {  	_ = 	snop  }
0x90: {  	s2 =	sld [smem:$0x3FD0];
	(tm) =	ssettm $0x1  }
0x91: {  	s18 =	sld [smem:$0x3FFB];
	_ =	sdelay $0x3  }
0x92: {  	_ =	strace s18  }
0x93: {  	s3 =	sld [smem:$0x3FFC];
	_ =	sdelay $0x3  }
0x94: {  	_ =	strace s3  }
0x95: {  	s3 =	sld [smem:$0x3FFD];
	_ =	sdelay $0x3  }
0x96: {  	_ =	strace s3  }
0x97: {  	_ =	strace $0x8FFFFFFF  }
0x98: {  	s19 =	sld [smem:$0x3FDB];
	_ =	sdelay $0x1  }
0x99: {  	s4 =	simm.s32 $_scs_section_size  }
0x9a: {  	s5 =	simm.s32 $_size__tile_overlayer_lowered;
	s6 =	simm.s32 $_tile_overlayer_lowered  }
0x9b: {  	s22 =	simm.s32 $0x1BFF;
	s21 =	sshll.u32 s6, $0x1;
	s3 =	sadd.s32 s4, s19  }
0x9c: {  	s7 =	simm.s32 $0x0;
	s20 =	sshll.u32 s5, $0x1;
	s5 =	sadd.s32 s21, s3  }
0x9d: {  	[timem:s7], [sflag:s22] =	dma.local [hbm:s5], s20  }
0x9e: {  	_ =	swait.ge [sflag:s22], s20  }
0x9f: {  	s4 =	ssub.s32 $0x0, s20;
	[sflag:s22] =	ssyncset.done $0x0  }
0xa0: {  	[sflag:s22] =	ssyncadd.s32 s4;
	_ =	sdelay $0x1  }
0xa1: {  	s23 =	simm.s32 $0x1B8B  }
0xa2: {  	_ =	swait.ge [sflag:s23], $0x1  }
0xa3: {  	[sflag:s23] =	ssyncset.done $0x0  }
0xa4: {  	s25 =	simm.s32 $0x1B8E;
	s24 =	sld [smem:$0x3FFE];
	[sflag:s23] =	ssyncadd.s32 $0xFFFFFFFF  }
0xa5: {  	s26 =	simm.s32 $execute0_lowered;
	[smem:$0x3FD2] =	sst s25  }
0xa6: {  	s5 =	sshll.u32 s26, $0x1;
	_ =	strace $0x80000046;
	[dreg:$0x1] =	wrdreg $0xFFFFFFFF  }
0xa7: {  	s28 =	simm.s32 $_size_execute0_lowered;
	s3 =	sadd.s32 s3, s5;
	[dreg:$0x0] =	wrdreg $0x0  }
0xa8: {  	s5 =	sshll.u32 s28, $0x1;
	[dreg:$0x2] =	wrdreg s3  }
0xa9: {  	[dreg:$0x3] =	wrdreg s5  }
0xaa: {  	[dreg:$0x4] =	wrdreg $0xC0  }
0xab: {  	_ =	task [dreg:s7], $0x5FFFF  }
0xac: {  	[dreg:$0x1] =	wrdreg $0xFFFFFFFF  }
0xad: {  	[dreg:$0x0] =	wrdreg $0x60  }
0xae: {  	[dreg:$0x2] =	wrdreg s24  }
0xaf: {  	[dreg:$0x3] =	wrdreg s2  }
0xb0: {  	[dreg:$0x4] =	wrdreg $0x9  }
0xb1: {  	_ =	task.clear_ibuf [dreg:s7], $0x5FFFF;
	_ =	strace $0x90000046  }
0xb2: {  	s29 =	simm.s32 $0x9;
	_ =	strace $0x80000048  }
0xb3: {  	_ =	swait.ge [sflag:s29], $0x1  }
0xb4: {  	[sflag:s29] =	ssyncadd.s32 $0xFFFFFFFF  }
0xb5: {  	_ =	strace $0x90000048  }
0xb6: {  	_ =	sfence  }
0xb7: {  	s30 =	sld [smem:$0x0];
	_ =	sdelay $0x2  }
0xb8: {  	s31 =	sshll.u32 s1, $0xD;
	s1 =	sshrl.u32 s1, $0x2  }
0xb9: {  	s3 =	sand.u32 $0x4000, s31;
	s1 =	sadd.s32 s1, s30  }
0xba: {  	s0 =	sor.u32 s3, s0;
	s1 =	sshll.u32 s1, $0x11  }
0xbb: {  	s0 =	sor.u32 s1, s0  }
0xbc: {  	s0 =	sadd.s32 $0x8F2B, s0  }
0xbd: {  	[sflag:s0] =	ssyncadd.remote.s32 $0x1  }
0xbe: {  	_ =	sfence.sel $0xFFFF  }
0xbf: {  	[dreg:$0x0] =	wrdreg $0xFFFFFFFF;
	(pc) =	sbr.abs _section_cstart, $3  }
0xc0: {  	[dreg:$0x1] =	wrdreg $0xFFFFFFFF  }
0xc1: {  	_ =	task.clear_ibuf [dreg:s7], $0x2FFFF;
	_ =	strace $0x9FFFFFFF  }
0xc2: {  	(tm) =	ssettm $0x7FFFFFFF  }
0xc3: {  	_ =	shalt  }
tec
execute0_lowered:
.L_overlay_start_1:
0x0: {  	(tag) =	ssettag $0x1  }
0x1: {  	s0 =	rddreg [dreg:$0x0];
	s1 =	srdreg.scid;
	v0 =	vlaneseq.u32  }
0x2: {  	s3 =	stileid.u32;
	s2 =	rddreg [dreg:$0x1];
	s9 =	simm.s32 $0x32;
	v0 =	vmul.u32 $0x18, v0  }
0x3: {  	s18 =	simm.s32 $0x1;
	s21 =	simm.s32 $0xE080;
	s22 =	simm.s32 $0xE6C0  }
0x4: {  	s23 =	simm.s32 $0xED00;
	s24 =	simm.s32 $0xF340;
	s28 =	simm.s32 $0x10600;
	v1 =	vadd.s32 $0x180, v0  }
0x5: {  	s29 =	simm.s32 $0x10C40;
	s30 =	simm.s32 $0x11280;
	s31 =	simm.s32 $0x118C0;
	v2 =	vor.u32 $0x1, v0;
	v3 =	vadd.s32 $0x181, v0;
	v4 =	vor.u32 $0x2, v0  }
0x6: {  	s10 =	simm.s32 $0x12B80;
	s11 =	simm.s32 $0x131C0;
	s12 =	simm.s32 $0x13800;
	v5 =	vadd.s32 $0x182, v0;
	v6 =	vor.u32 $0x3, v0;
	v7 =	vadd.s32 $0x183, v0  }
0x7: {  	s13 =	simm.s32 $0x2;
	s1 =	sand.u32 $0x1, s1;
	s4 =	sshll.u32 s3, $0x1;
	v8 =	vor.u32 $0x4, v0;
	v9 =	vadd.s32 $0x184, v0;
	v10 =	vor.u32 $0x5, v0  }
0x8: {  	s14 =	simm.s32 $0x3;
	s3 =	simm.s32 $0x0;
	s5 =	sor.u32 s1, s4;
	v11 =	vadd.s32 $0x185, v0;
	v12 =	vor.u32 $0x6, v0;
	v13 =	vadd.s32 $0x186, v0  }
0x9: {  	[smem:$0x7FF] =	sst s3;
	s1 =	ssub.s32 $0x2, s1;
	s4 =	smul.u32 $0xE00, s5;
	v14 =	vor.u32 $0x7, v0;
	v15 =	vadd.s32 $0x187, v0;
	v16 =	vadd.s32 $0x8, v0  }
0xa: {  	_ =	strace $0x80000047;
	s6 =	sshrl.u32 s1, $0x1;
	s5 =	sshll.u32 s5, $0x9;
	v17 =	vadd.s32 $0x188, v0;
	v18 =	vadd.s32 $0x9, v0;
	v19 =	vadd.s32 $0x189, v0  }
0xb: {  	v20 =	vadd.s32 $0xA, v0;
	v21 =	vadd.s32 $0x18A, v0;
	v22 =	vadd.s32 $0xB, v0;
	s25 =	ssub.s32 s1, s6;
	s1 =	simm.s32 $0x11F00;
	s7 =	sadd.s32 s4, s0  }
0xc: {  	v23 =	vadd.s32 $0x18B, v0;
	v24 =	vadd.s32 $0xC, v0;
	v25 =	vadd.s32 $0x18C, v0;
	s4 =	sadd.s32 $0xF42A00, s0;
	s0 =	smax.u32 s25, $0x1;
	s25 =	simm.s32 $0xF980  }
0xd: {  	v26 =	vadd.s32 $0xD, v0;
	v27 =	vadd.s32 $0x18D, v0;
	v28 =	vadd.s32 $0xE, v0;
	s26 =	sadd.s32 $0x600, s7;
	[dreg:$0x4] =	wrdreg s0;
	s0 =	simm.s32 $0x12540  }
0xe: {  	v29 =	vadd.s32 $0x18E, v0;
	v30 =	vadd.s32 $0xF, v0;
	v31 =	vadd.s32 $0x18F, v0;
	s7 =	simm.s32 $0x0;
	[dreg:$0x3] =	wrdreg s26;
	s26 =	simm.s32 $0xFFC0  }
.LBB2_1:
0xf: {  	[dreg:$0x5] =	wrdreg s7  }
0x10: {  	s6 =	rddreg [dreg:$0x3];
	s20 =	simm.s32 $0x4  }
0x11: {  	[tilespmem:s3], [sflag:$0x4] =	stream.linear.gather [hbm4b:s6+s3], $0x7000, $0x38;
	[tilespmem:$0x1CE00] =	vst v63  }
0x12: {  	_ =	swait.ge [sflag:s20], $0x7000  }
0x13: {  	[sflag:s20] =	ssyncset.done $0x0  }
0x14: {  	s7 =	simm.s32 $0x7000;
	[sflag:s20] =	ssyncadd.s32 $0xFFFF9000  }
0x15: {  	[tilespmem:s7], [sflag:$0x1] =	stream.indirect.gather [hbm4b:s4+s9], $0x20, s3, s9, $0xb8;
	[tilespmem:$0x1CE00] =	vst v63  }
0x16: {  	s8 =	simm.s32 $0x38;
	s15 =	simm.s32 $0x7640  }
0x17: {  	[tilespmem:s15], [sflag:$0x1] =	stream.indirect.gather [hbm4b:s4+s9], $0x20, s8, s9, $0xb8;
	[tilespmem:$0x1CE00] =	vst v63  }
0x18: {  	s16 =	simm.s32 $0x70;
	s17 =	simm.s32 $0x7C80  }
0x19: {  	[tilespmem:s17], [sflag:$0x1] =	stream.indirect.gather [hbm4b:s4+s9], $0x20, s16, s9, $0xb8;
	[tilespmem:$0x1CE00] =	vst v63  }
0x1a: {  	s19 =	simm.s32 $0xA8;
	s20 =	simm.s32 $0x82C0  }
0x1b: {  	[tilespmem:s20], [sflag:$0x1] =	stream.indirect.gather [hbm4b:s4+s9], $0x20, s19, s9, $0xb8;
	[tilespmem:$0x1CE00] =	vst v63  }
0x1c: {  	s8 =	simm.s32 $0xE0;
	s15 =	simm.s32 $0x8900  }
0x1d: {  	[tilespmem:s15], [sflag:$0x1] =	stream.indirect.gather [hbm4b:s4+s9], $0x20, s8, s9, $0xb8;
	[tilespmem:$0x1CE00] =	vst v63  }
0x1e: {  	s16 =	simm.s32 $0x118;
	s17 =	simm.s32 $0x8F40  }
0x1f: {  	[tilespmem:s17], [sflag:$0x1] =	stream.indirect.gather [hbm4b:s4+s9], $0x20, s16, s9, $0xb8;
	[tilespmem:$0x1CE00] =	vst v63  }
0x20: {  	s19 =	simm.s32 $0x150;
	s20 =	simm.s32 $0x9580  }
0x21: {  	[tilespmem:s20], [sflag:$0x1] =	stream.indirect.gather [hbm4b:s4+s9], $0x20, s19, s9, $0xb8;
	[tilespmem:$0x1CE00] =	vst v63  }
0x22: {  	s8 =	simm.s32 $0x188;
	s15 =	simm.s32 $0x9BC0  }
0x23: {  	[tilespmem:s15], [sflag:$0x1] =	stream.indirect.gather [hbm4b:s4+s9], $0x20, s8, s9, $0xb8;
	[tilespmem:$0x1CE00] =	vst v63  }
0x24: {  	s16 =	simm.s32 $0x1C0;
	s17 =	simm.s32 $0xA200  }
0x25: {  	[tilespmem:s17], [sflag:$0x1] =	stream.indirect.gather [hbm4b:s4+s9], $0x20, s16, s9, $0xb8;
	[tilespmem:$0x1CE00] =	vst v63  }
0x26: {  	s19 =	simm.s32 $0x1F8;
	s20 =	simm.s32 $0xA840  }
0x27: {  	[tilespmem:s20], [sflag:$0x1] =	stream.indirect.gather [hbm4b:s4+s9], $0x20, s19, s9, $0xb8;
	[tilespmem:$0x1CE00] =	vst v63  }
0x28: {  	s8 =	simm.s32 $0x230;
	s15 =	simm.s32 $0xAE80  }
0x29: {  	[tilespmem:s15], [sflag:$0x1] =	stream.indirect.gather [hbm4b:s4+s9], $0x20, s8, s9, $0xb8;
	[tilespmem:$0x1CE00] =	vst v63  }
0x2a: {  	s16 =	simm.s32 $0x268;
	s17 =	simm.s32 $0xB4C0  }
0x2b: {  	[tilespmem:s17], [sflag:$0x1] =	stream.indirect.gather [hbm4b:s4+s9], $0x20, s16, s9, $0xb8;
	[tilespmem:$0x1CE00] =	vst v63  }
0x2c: {  	s19 =	simm.s32 $0x2A0;
	s20 =	simm.s32 $0xBB00  }
0x2d: {  	[tilespmem:s20], [sflag:$0x1] =	stream.indirect.gather [hbm4b:s4+s9], $0x20, s19, s9, $0xb8;
	[tilespmem:$0x1CE00] =	vst v63  }
0x2e: {  	s8 =	simm.s32 $0x2D8;
	s15 =	simm.s32 $0xC140  }
0x2f: {  	[tilespmem:s15], [sflag:$0x1] =	stream.indirect.gather [hbm4b:s4+s9], $0x20, s8, s9, $0xb8;
	[tilespmem:$0x1CE00] =	vst v63  }
0x30: {  	s16 =	simm.s32 $0x310;
	s17 =	simm.s32 $0xC780  }
0x31: {  	[tilespmem:s17], [sflag:$0x1] =	stream.indirect.gather [hbm4b:s4+s9], $0x20, s16, s9, $0xb8;
	[tilespmem:$0x1CE00] =	vst v63  }
0x32: {  	s19 =	simm.s32 $0x348;
	s20 =	simm.s32 $0xCDC0;
	s16 =	simm.s32 $0x0  }
0x33: {  	[tilespmem:s20], [sflag:$0x1] =	stream.indirect.gather [hbm4b:s4+s9], $0x20, s19, s9, $0xb8;
	[tilespmem:$0x1CE00] =	vst v63  }
.LBB2_2:
0x34: {  	s17 =	sshllo.u32 s16, $0x1  }
0x35: {  	_ =	swait.ge [sflag:s18], $0x6400;
	s6 =	smul.u32 $0xE00, s17  }
0x36: {  	[sflag:s18] =	ssyncset.done $0x0  }
0x37: {  	s7 =	simm.s32 $0xD400;
	[sflag:s18] =	ssyncadd.s32 $0xFFFF9C00;
	s6 =	sshra.s32 s6, $0x2  }
0x38: {  	[tilespmem:s7], [sflag:$0x2] =	stream.indirect.gather [hbm4b:s4+s9], $0x20, s6, s9, $0xb8;
	[tilespmem:$0x1CE00] =	vst v63  }
0x39: {  	s8 =	simm.s32 $0xDA40;
	s19 =	sor.u32 $0x38, s6  }
0x3a: {  	[tilespmem:s8], [sflag:$0x2] =	stream.indirect.gather [hbm4b:s4+s9], $0x20, s19, s9, $0xb8;
	[tilespmem:$0x1CE00] =	vst v63  }
0x3b: {  	s20 =	sor.u32 $0x70, s6  }
0x3c: {  	[tilespmem:s21], [sflag:$0x2] =	stream.indirect.gather [hbm4b:s4+s9], $0x20, s20, s9, $0xb8;
	[tilespmem:$0x1CE00] =	vst v63  }
0x3d: {  	s8 =	sadd.s32 $0xA8, s6  }
0x3e: {  	[tilespmem:s22], [sflag:$0x2] =	stream.indirect.gather [hbm4b:s4+s9], $0x20, s8, s9, $0xb8;
	[tilespmem:$0x1CE00] =	vst v63  }
0x3f: {  	s15 =	sadd.s32 $0xE0, s6  }
0x40: {  	[tilespmem:s23], [sflag:$0x2] =	stream.indirect.gather [hbm4b:s4+s9], $0x20, s15, s9, $0xb8;
	[tilespmem:$0x1CE00] =	vst v63  }
0x41: {  	s19 =	sadd.s32 $0x118, s6  }
0x42: {  	[tilespmem:s24], [sflag:$0x2] =	stream.indirect.gather [hbm4b:s4+s9], $0x20, s19, s9, $0xb8;
	[tilespmem:$0x1CE00] =	vst v63  }
0x43: {  	s20 =	sadd.s32 $0x150, s6  }
0x44: {  	[tilespmem:s25], [sflag:$0x2] =	stream.indirect.gather [hbm4b:s4+s9], $0x20, s20, s9, $0xb8;
	[tilespmem:$0x1CE00] =	vst v63  }
0x45: {  	s8 =	sadd.s32 $0x188, s6  }
0x46: {  	[tilespmem:s26], [sflag:$0x2] =	stream.indirect.gather [hbm4b:s4+s9], $0x20, s8, s9, $0xb8;
	[tilespmem:$0x1CE00] =	vst v63  }
0x47: {  	s15 =	sadd.s32 $0x1C0, s6  }
0x48: {  	[tilespmem:s28], [sflag:$0x2] =	stream.indirect.gather [hbm4b:s4+s9], $0x20, s15, s9, $0xb8;
	[tilespmem:$0x1CE00] =	vst v63  }
0x49: {  	s19 =	sadd.s32 $0x1F8, s6  }
0x4a: {  	[tilespmem:s29], [sflag:$0x2] =	stream.indirect.gather [hbm4b:s4+s9], $0x20, s19, s9, $0xb8;
	[tilespmem:$0x1CE00] =	vst v63  }
0x4b: {  	s20 =	sadd.s32 $0x230, s6  }
0x4c: {  	[tilespmem:s30], [sflag:$0x2] =	stream.indirect.gather [hbm4b:s4+s9], $0x20, s20, s9, $0xb8;
	[tilespmem:$0x1CE00] =	vst v63  }
0x4d: {  	s8 =	sadd.s32 $0x268, s6  }
0x4e: {  	[tilespmem:s31], [sflag:$0x2] =	stream.indirect.gather [hbm4b:s4+s9], $0x20, s8, s9, $0xb8;
	[tilespmem:$0x1CE00] =	vst v63  }
0x4f: {  	s15 =	sadd.s32 $0x2A0, s6  }
0x50: {  	[tilespmem:s1], [sflag:$0x2] =	stream.indirect.gather [hbm4b:s4+s9], $0x20, s15, s9, $0xb8;
	[tilespmem:$0x1CE00] =	vst v63  }
0x51: {  	s19 =	sadd.s32 $0x2D8, s6  }
0x52: {  	[tilespmem:s0], [sflag:$0x2] =	stream.indirect.gather [hbm4b:s4+s9], $0x20, s19, s9, $0xb8;
	[tilespmem:$0x1CE00] =	vst v63  }
0x53: {  	s20 =	sadd.s32 $0x310, s6  }
0x54: {  	[tilespmem:s10], [sflag:$0x2] =	stream.indirect.gather [hbm4b:s4+s9], $0x20, s20, s9, $0xb8;
	[tilespmem:$0x1CE00] =	vst v63  }
0x55: {  	p0 =	seq.s32 s16, $0x0;
	s6 =	sadd.s32 $0x348, s6;
	s8 =	simm.s32 $0x0  }
0x56: {  	v32 =	vmov s8;
	[tilespmem:s11], [sflag:$0x2] =	stream.indirect.gather [hbm4b:s4+s9], $0x20, s6, s9, $0xb8;
	[tilespmem:$0x1CE00] =	vst v63  }
0x57: {  	v32 =	vmul.u32 $0x300, v32;
	s6 =	simm.s32 @!p0 $0x3  }
0x58: {  	_ =	swait.ge @!p0 [sflag:s6], $0x6400  }
0x59: {  	v32 =	vbroadcast v32, $0x0;
	[sflag:s6] =	ssyncset.done @!p0 $0x0  }
0x5a: {  	s15 =	simm.s32 $0x0;
	[sflag:s6] =	ssyncadd.s32 @!p0 $0xFFFF9C00  }
0x5b: {  	v34 =	vadd.s32 v0, v32;
	v33 =	vld [tilespmem:s15+$0x7000]  }
0x5c: {  	v36 =	vadd.s32 v1, v32;
	v35 =	vld [tilespmem:s15+$0x7010];
	_ =	sdelay $0x3  }
0x5d: {  	[tilespmem:v34+s12+$0x0] =	vst.idx.msk $0xffff, v33  }
0x5e: {  	[tilespmem:v36+s12+$0x0] =	vst.idx.msk $0xffff, v35  }
0x5f: {  	v51 =	vadd.s32 v2, v32;
	v33 =	vld [tilespmem:s15+$0x7640]  }
0x60: {  	v52 =	vadd.s32 v3, v32;
	v35 =	vld [tilespmem:s15+$0x7650];
	_ =	sdelay $0x3  }
0x61: {  	[tilespmem:v51+s12+$0x0] =	vst.idx.msk $0xffff, v33  }
0x62: {  	[tilespmem:v52+s12+$0x0] =	vst.idx.msk $0xffff, v35  }
0x63: {  	v53 =	vadd.s32 v4, v32;
	v33 =	vld [tilespmem:s15+$0x7C80]  }
0x64: {  	v54 =	vadd.s32 v5, v32;
	v35 =	vld [tilespmem:s15+$0x7C90];
	_ =	sdelay $0x3  }
0x65: {  	[tilespmem:v53+s12+$0x0] =	vst.idx.msk $0xffff, v33  }
0x66: {  	[tilespmem:v54+s12+$0x0] =	vst.idx.msk $0xffff, v35  }
0x67: {  	v55 =	vadd.s32 v6, v32;
	v33 =	vld [tilespmem:s15+$0x82C0]  }
0x68: {  	v56 =	vadd.s32 v7, v32;
	v35 =	vld [tilespmem:s15+$0x82D0];
	_ =	sdelay $0x3  }
0x69: {  	[tilespmem:v55+s12+$0x0] =	vst.idx.msk $0xffff, v33  }
0x6a: {  	[tilespmem:v56+s12+$0x0] =	vst.idx.msk $0xffff, v35  }
0x6b: {  	v57 =	vadd.s32 v8, v32;
	v33 =	vld [tilespmem:s15+$0x8900]  }
0x6c: {  	v58 =	vadd.s32 v9, v32;
	v35 =	vld [tilespmem:s15+$0x8910];
	_ =	sdelay $0x3  }
0x6d: {  	[tilespmem:v57+s12+$0x0] =	vst.idx.msk $0xffff, v33  }
0x6e: {  	[tilespmem:v58+s12+$0x0] =	vst.idx.msk $0xffff, v35  }
0x6f: {  	v59 =	vadd.s32 v10, v32;
	v33 =	vld [tilespmem:s15+$0x8F40]  }
0x70: {  	v60 =	vadd.s32 v11, v32;
	v35 =	vld [tilespmem:s15+$0x8F50];
	_ =	sdelay $0x3  }
0x71: {  	[tilespmem:v59+s12+$0x0] =	vst.idx.msk $0xffff, v33  }
0x72: {  	[tilespmem:v60+s12+$0x0] =	vst.idx.msk $0xffff, v35  }
0x73: {  	v61 =	vadd.s32 v12, v32;
	v33 =	vld [tilespmem:s15+$0x9580]  }
0x74: {  	v62 =	vadd.s32 v13, v32;
	v35 =	vld [tilespmem:s15+$0x9590];
	_ =	sdelay $0x3  }
0x75: {  	[tilespmem:v61+s12+$0x0] =	vst.idx.msk $0xffff, v33  }
0x76: {  	[tilespmem:v62+s12+$0x0] =	vst.idx.msk $0xffff, v35  }
0x77: {  	v63 =	vadd.s32 v14, v32;
	v33 =	vld [tilespmem:s15+$0x9BC0]  }
0x78: {  	v40 =	vadd.s32 v15, v32;
	v35 =	vld [tilespmem:s15+$0x9BD0];
	_ =	sdelay $0x3  }
0x79: {  	[tilespmem:v63+s12+$0x0] =	vst.idx.msk $0xffff, v33  }
0x7a: {  	[tilespmem:v40+s12+$0x0] =	vst.idx.msk $0xffff, v35  }
0x7b: {  	v41 =	vadd.s32 v16, v32;
	v33 =	vld [tilespmem:s15+$0xA200]  }
0x7c: {  	v42 =	vadd.s32 v17, v32;
	v35 =	vld [tilespmem:s15+$0xA210];
	_ =	sdelay $0x3  }
0x7d: {  	[tilespmem:v41+s12+$0x0] =	vst.idx.msk $0xffff, v33  }
0x7e: {  	[tilespmem:v42+s12+$0x0] =	vst.idx.msk $0xffff, v35  }
0x7f: {  	v43 =	vadd.s32 v18, v32;
	v33 =	vld [tilespmem:s15+$0xA840]  }
0x80: {  	v44 =	vadd.s32 v19, v32;
	v35 =	vld [tilespmem:s15+$0xA850];
	_ =	sdelay $0x3  }
0x81: {  	[tilespmem:v43+s12+$0x0] =	vst.idx.msk $0xffff, v33  }
0x82: {  	[tilespmem:v44+s12+$0x0] =	vst.idx.msk $0xffff, v35  }
0x83: {  	v45 =	vadd.s32 v20, v32;
	v33 =	vld [tilespmem:s15+$0xAE80]  }
0x84: {  	v46 =	vadd.s32 v21, v32;
	v35 =	vld [tilespmem:s15+$0xAE90];
	_ =	sdelay $0x3  }
0x85: {  	[tilespmem:v45+s12+$0x0] =	vst.idx.msk $0xffff, v33  }
0x86: {  	[tilespmem:v46+s12+$0x0] =	vst.idx.msk $0xffff, v35  }
0x87: {  	v47 =	vadd.s32 v22, v32;
	v33 =	vld [tilespmem:s15+$0xB4C0]  }
0x88: {  	v48 =	vadd.s32 v23, v32;
	v35 =	vld [tilespmem:s15+$0xB4D0];
	_ =	sdelay $0x3  }
0x89: {  	[tilespmem:v47+s12+$0x0] =	vst.idx.msk $0xffff, v33  }
0x8a: {  	[tilespmem:v48+s12+$0x0] =	vst.idx.msk $0xffff, v35  }
0x8b: {  	v49 =	vadd.s32 v24, v32;
	v33 =	vld [tilespmem:s15+$0xBB00]  }
0x8c: {  	v50 =	vadd.s32 v25, v32;
	v35 =	vld [tilespmem:s15+$0xBB10];
	_ =	sdelay $0x3  }
0x8d: {  	[tilespmem:v49+s12+$0x0] =	vst.idx.msk $0xffff, v33  }
0x8e: {  	[tilespmem:v50+s12+$0x0] =	vst.idx.msk $0xffff, v35  }
0x8f: {  	v51 =	vadd.s32 v26, v32;
	v33 =	vld [tilespmem:s15+$0xC140]  }
0x90: {  	v52 =	vadd.s32 v27, v32;
	v35 =	vld [tilespmem:s15+$0xC150];
	_ =	sdelay $0x3  }
0x91: {  	[tilespmem:v51+s12+$0x0] =	vst.idx.msk $0xffff, v33  }
0x92: {  	[tilespmem:v52+s12+$0x0] =	vst.idx.msk $0xffff, v35  }
0x93: {  	v53 =	vadd.s32 v28, v32;
	v33 =	vld [tilespmem:s15+$0xC780]  }
0x94: {  	v54 =	vadd.s32 v29, v32;
	v35 =	vld [tilespmem:s15+$0xC790];
	_ =	sdelay $0x3  }
0x95: {  	[tilespmem:v53+s12+$0x0] =	vst.idx.msk $0xffff, v33  }
0x96: {  	[tilespmem:v54+s12+$0x0] =	vst.idx.msk $0xffff, v35  }
0x97: {  	v55 =	vadd.s32 v30, v32;
	v33 =	vld [tilespmem:s15+$0xCDC0]  }
0x98: {  	s19 =	simm.s32 $0x1;
	v32 =	vadd.s32 v31, v32;
	v35 =	vld [tilespmem:s15+$0xCDD0]  }
0x99: {  	v56 =	vmov s19  }
0x9a: {  	v36 =	vmul.u32 $0x300, v56;
	_ =	sdelay $0x1  }
0x9b: {  	v34 =	vbroadcast v36, $0x0;
	[tilespmem:v55+s12+$0x0] =	vst.idx.msk $0xffff, v33  }
0x9c: {  	[tilespmem:v32+s12+$0x0] =	vst.idx.msk $0xffff, v35  }
0x9d: {  	v57 =	vadd.s32 v0, v34;
	v32 =	vld [tilespmem:s15+$0x7020]  }
0x9e: {  	v36 =	vadd.s32 v1, v34;
	v35 =	vld [tilespmem:s15+$0x7030];
	_ =	sdelay $0x3  }
0x9f: {  	[tilespmem:v57+s12+$0x0] =	vst.idx.msk $0xffff, v32  }
0xa0: {  	[tilespmem:v36+s12+$0x0] =	vst.idx.msk $0xffff, v35  }
0xa1: {  	v58 =	vadd.s32 v2, v34;
	v32 =	vld [tilespmem:s15+$0x7660]  }
0xa2: {  	v59 =	vadd.s32 v3, v34;
	v35 =	vld [tilespmem:s15+$0x7670];
	_ =	sdelay $0x3  }
0xa3: {  	[tilespmem:v58+s12+$0x0] =	vst.idx.msk $0xffff, v32  }
0xa4: {  	[tilespmem:v59+s12+$0x0] =	vst.idx.msk $0xffff, v35  }
0xa5: {  	v60 =	vadd.s32 v4, v34;
	v32 =	vld [tilespmem:s15+$0x7CA0]  }
0xa6: {  	v61 =	vadd.s32 v5, v34;
	v35 =	vld [tilespmem:s15+$0x7CB0];
	_ =	sdelay $0x3  }
0xa7: {  	[tilespmem:v60+s12+$0x0] =	vst.idx.msk $0xffff, v32  }
0xa8: {  	[tilespmem:v61+s12+$0x0] =	vst.idx.msk $0xffff, v35  }
0xa9: {  	v62 =	vadd.s32 v6, v34;
	v32 =	vld [tilespmem:s15+$0x82E0]  }
0xaa: {  	v63 =	vadd.s32 v7, v34;
	v35 =	vld [tilespmem:s15+$0x82F0];
	_ =	sdelay $0x3  }
0xab: {  	[tilespmem:v62+s12+$0x0] =	vst.idx.msk $0xffff, v32  }
0xac: {  	[tilespmem:v63+s12+$0x0] =	vst.idx.msk $0xffff, v35  }
0xad: {  	v40 =	vadd.s32 v8, v34;
	v32 =	vld [tilespmem:s15+$0x8920]  }
0xae: {  	v41 =	vadd.s32 v9, v34;
	v35 =	vld [tilespmem:s15+$0x8930];
	_ =	sdelay $0x3  }
0xaf: {  	[tilespmem:v40+s12+$0x0] =	vst.idx.msk $0xffff, v32  }
0xb0: {  	[tilespmem:v41+s12+$0x0] =	vst.idx.msk $0xffff, v35  }
0xb1: {  	v42 =	vadd.s32 v10, v34;
	v32 =	vld [tilespmem:s15+$0x8F60]  }
0xb2: {  	v43 =	vadd.s32 v11, v34;
	v35 =	vld [tilespmem:s15+$0x8F70];
	_ =	sdelay $0x3  }
0xb3: {  	[tilespmem:v42+s12+$0x0] =	vst.idx.msk $0xffff, v32  }
0xb4: {  	[tilespmem:v43+s12+$0x0] =	vst.idx.msk $0xffff, v35  }
0xb5: {  	v44 =	vadd.s32 v12, v34;
	v32 =	vld [tilespmem:s15+$0x95A0]  }
0xb6: {  	v45 =	vadd.s32 v13, v34;
	v35 =	vld [tilespmem:s15+$0x95B0];
	_ =	sdelay $0x3  }
0xb7: {  	[tilespmem:v44+s12+$0x0] =	vst.idx.msk $0xffff, v32  }
0xb8: {  	[tilespmem:v45+s12+$0x0] =	vst.idx.msk $0xffff, v35  }
0xb9: {  	v46 =	vadd.s32 v14, v34;
	v32 =	vld [tilespmem:s15+$0x9BE0]  }
0xba: {  	v47 =	vadd.s32 v15, v34;
	v35 =	vld [tilespmem:s15+$0x9BF0];
	_ =	sdelay $0x3  }
0xbb: {  	[tilespmem:v46+s12+$0x0] =	vst.idx.msk $0xffff, v32  }
0xbc: {  	[tilespmem:v47+s12+$0x0] =	vst.idx.msk $0xffff, v35  }
0xbd: {  	v48 =	vadd.s32 v16, v34;
	v32 =	vld [tilespmem:s15+$0xA220]  }
0xbe: {  	v49 =	vadd.s32 v17, v34;
	v35 =	vld [tilespmem:s15+$0xA230];
	_ =	sdelay $0x3  }
0xbf: {  	[tilespmem:v48+s12+$0x0] =	vst.idx.msk $0xffff, v32  }
0xc0: {  	[tilespmem:v49+s12+$0x0] =	vst.idx.msk $0xffff, v35  }
0xc1: {  	v50 =	vadd.s32 v18, v34;
	v32 =	vld [tilespmem:s15+$0xA860]  }
0xc2: {  	v51 =	vadd.s32 v19, v34;
	v35 =	vld [tilespmem:s15+$0xA870];
	_ =	sdelay $0x3  }
0xc3: {  	[tilespmem:v50+s12+$0x0] =	vst.idx.msk $0xffff, v32  }
0xc4: {  	[tilespmem:v51+s12+$0x0] =	vst.idx.msk $0xffff, v35  }
0xc5: {  	v52 =	vadd.s32 v20, v34;
	v32 =	vld [tilespmem:s15+$0xAEA0]  }
0xc6: {  	v53 =	vadd.s32 v21, v34;
	v35 =	vld [tilespmem:s15+$0xAEB0];
	_ =	sdelay $0x3  }
0xc7: {  	[tilespmem:v52+s12+$0x0] =	vst.idx.msk $0xffff, v32  }
0xc8: {  	[tilespmem:v53+s12+$0x0] =	vst.idx.msk $0xffff, v35  }
0xc9: {  	v54 =	vadd.s32 v22, v34;
	v32 =	vld [tilespmem:s15+$0xB4E0]  }
0xca: {  	v55 =	vadd.s32 v23, v34;
	v35 =	vld [tilespmem:s15+$0xB4F0];
	_ =	sdelay $0x3  }
0xcb: {  	[tilespmem:v54+s12+$0x0] =	vst.idx.msk $0xffff, v32  }
0xcc: {  	[tilespmem:v55+s12+$0x0] =	vst.idx.msk $0xffff, v35  }
0xcd: {  	v56 =	vadd.s32 v24, v34;
	v32 =	vld [tilespmem:s15+$0xBB20]  }
0xce: {  	v57 =	vadd.s32 v25, v34;
	v35 =	vld [tilespmem:s15+$0xBB30];
	_ =	sdelay $0x3  }
0xcf: {  	[tilespmem:v56+s12+$0x0] =	vst.idx.msk $0xffff, v32  }
0xd0: {  	[tilespmem:v57+s12+$0x0] =	vst.idx.msk $0xffff, v35  }
0xd1: {  	v58 =	vadd.s32 v26, v34;
	v32 =	vld [tilespmem:s15+$0xC160]  }
0xd2: {  	v59 =	vadd.s32 v27, v34;
	v35 =	vld [tilespmem:s15+$0xC170];
	_ =	sdelay $0x3  }
0xd3: {  	[tilespmem:v58+s12+$0x0] =	vst.idx.msk $0xffff, v32  }
0xd4: {  	[tilespmem:v59+s12+$0x0] =	vst.idx.msk $0xffff, v35  }
0xd5: {  	v60 =	vadd.s32 v28, v34;
	v32 =	vld [tilespmem:s15+$0xC7A0]  }
0xd6: {  	v61 =	vadd.s32 v29, v34;
	v35 =	vld [tilespmem:s15+$0xC7B0];
	_ =	sdelay $0x3  }
0xd7: {  	[tilespmem:v60+s12+$0x0] =	vst.idx.msk $0xffff, v32  }
0xd8: {  	[tilespmem:v61+s12+$0x0] =	vst.idx.msk $0xffff, v35  }
0xd9: {  	v62 =	vadd.s32 v30, v34;
	v35 =	vld [tilespmem:s15+$0xCDE0]  }
0xda: {  	s20 =	simm.s32 $0x2;
	v34 =	vadd.s32 v31, v34;
	v33 =	vld [tilespmem:s15+$0xCDF0]  }
0xdb: {  	v63 =	vmov s20  }
0xdc: {  	v32 =	vmul.u32 $0x300, v63;
	_ =	sdelay $0x1  }
0xdd: {  	s7 =	simm.s32 $0x3;
	s8 =	simm.s32 $0x200;
	s6 =	simm.s32 $0x40;
	v32 =	vbroadcast v32, $0x0;
	[tilespmem:v62+s12+$0x0] =	vst.idx.msk $0xffff, v35  }
.LBB2_3:
0xde: {  	s15 =	sshra.s32 s8, $0x2;
	p0 =	sne.s32 s8, $0x1800;
	s8 =	sadd.s32 $0x100, s8;
	[tilespmem:v34+s12+$0x0] =	vst.idx.msk $0xffff, v33  }
0xdf: {  	v33 =	vld [tilespmem:s6+$0x7000];
	v34 =	vadd.s32 v0, v32  }
0xe0: {  	v36 =	vadd.s32 v1, v32;
	v35 =	vld [tilespmem:s6+$0x7010];
	_ =	sdelay $0x3  }
0xe1: {  	[tilespmem:v34+s12+$0x0] =	vst.idx.msk $0xffff, v33  }
0xe2: {  	[tilespmem:v36+s12+$0x0] =	vst.idx.msk $0xffff, v35  }
0xe3: {  	v34 =	vadd.s32 v2, v32;
	v33 =	vld [tilespmem:s6+$0x7640]  }
0xe4: {  	v36 =	vadd.s32 v3, v32;
	v35 =	vld [tilespmem:s6+$0x7650];
	_ =	sdelay $0x3  }
0xe5: {  	[tilespmem:v34+s12+$0x0] =	vst.idx.msk $0xffff, v33  }
0xe6: {  	[tilespmem:v36+s12+$0x0] =	vst.idx.msk $0xffff, v35  }
0xe7: {  	v34 =	vadd.s32 v4, v32;
	v33 =	vld [tilespmem:s6+$0x7C80]  }
0xe8: {  	v36 =	vadd.s32 v5, v32;
	v35 =	vld [tilespmem:s6+$0x7C90];
	_ =	sdelay $0x3  }
0xe9: {  	[tilespmem:v34+s12+$0x0] =	vst.idx.msk $0xffff, v33  }
0xea: {  	[tilespmem:v36+s12+$0x0] =	vst.idx.msk $0xffff, v35  }
0xeb: {  	v34 =	vadd.s32 v6, v32;
	v33 =	vld [tilespmem:s6+$0x82C0]  }
0xec: {  	v36 =	vadd.s32 v7, v32;
	v35 =	vld [tilespmem:s6+$0x82D0];
	_ =	sdelay $0x3  }
0xed: {  	[tilespmem:v34+s12+$0x0] =	vst.idx.msk $0xffff, v33  }
0xee: {  	[tilespmem:v36+s12+$0x0] =	vst.idx.msk $0xffff, v35  }
0xef: {  	v34 =	vadd.s32 v8, v32;
	v33 =	vld [tilespmem:s6+$0x8900]  }
0xf0: {  	v36 =	vadd.s32 v9, v32;
	v35 =	vld [tilespmem:s6+$0x8910];
	_ =	sdelay $0x3  }
0xf1: {  	[tilespmem:v34+s12+$0x0] =	vst.idx.msk $0xffff, v33  }
0xf2: {  	[tilespmem:v36+s12+$0x0] =	vst.idx.msk $0xffff, v35  }
0xf3: {  	v34 =	vadd.s32 v10, v32;
	v33 =	vld [tilespmem:s6+$0x8F40]  }
0xf4: {  	v36 =	vadd.s32 v11, v32;
	v35 =	vld [tilespmem:s6+$0x8F50];
	_ =	sdelay $0x3  }
0xf5: {  	[tilespmem:v34+s12+$0x0] =	vst.idx.msk $0xffff, v33  }
0xf6: {  	[tilespmem:v36+s12+$0x0] =	vst.idx.msk $0xffff, v35  }
0xf7: {  	v34 =	vadd.s32 v12, v32;
	v33 =	vld [tilespmem:s6+$0x9580]  }
0xf8: {  	v36 =	vadd.s32 v13, v32;
	v35 =	vld [tilespmem:s6+$0x9590];
	_ =	sdelay $0x3  }
0xf9: {  	[tilespmem:v34+s12+$0x0] =	vst.idx.msk $0xffff, v33  }
0xfa: {  	[tilespmem:v36+s12+$0x0] =	vst.idx.msk $0xffff, v35  }
0xfb: {  	v34 =	vadd.s32 v14, v32;
	v33 =	vld [tilespmem:s6+$0x9BC0]  }
0xfc: {  	v36 =	vadd.s32 v15, v32;
	v35 =	vld [tilespmem:s6+$0x9BD0];
	_ =	sdelay $0x3  }
0xfd: {  	[tilespmem:v34+s12+$0x0] =	vst.idx.msk $0xffff, v33  }
0xfe: {  	[tilespmem:v36+s12+$0x0] =	vst.idx.msk $0xffff, v35  }
0xff: {  	v34 =	vadd.s32 v16, v32;
	v33 =	vld [tilespmem:s6+$0xA200]  }
0x100: {  	v36 =	vadd.s32 v17, v32;
	v35 =	vld [tilespmem:s6+$0xA210];
	_ =	sdelay $0x3  }
0x101: {  	[tilespmem:v34+s12+$0x0] =	vst.idx.msk $0xffff, v33  }
0x102: {  	[tilespmem:v36+s12+$0x0] =	vst.idx.msk $0xffff, v35  }
0x103: {  	v34 =	vadd.s32 v18, v32;
	v33 =	vld [tilespmem:s6+$0xA840]  }
0x104: {  	v36 =	vadd.s32 v19, v32;
	v35 =	vld [tilespmem:s6+$0xA850];
	_ =	sdelay $0x3  }
0x105: {  	[tilespmem:v34+s12+$0x0] =	vst.idx.msk $0xffff, v33  }
0x106: {  	[tilespmem:v36+s12+$0x0] =	vst.idx.msk $0xffff, v35  }
0x107: {  	v34 =	vadd.s32 v20, v32;
	v33 =	vld [tilespmem:s6+$0xAE80]  }
0x108: {  	v36 =	vadd.s32 v21, v32;
	v35 =	vld [tilespmem:s6+$0xAE90];
	_ =	sdelay $0x3  }
0x109: {  	[tilespmem:v34+s12+$0x0] =	vst.idx.msk $0xffff, v33  }
0x10a: {  	[tilespmem:v36+s12+$0x0] =	vst.idx.msk $0xffff, v35  }
0x10b: {  	v34 =	vadd.s32 v22, v32;
	v33 =	vld [tilespmem:s6+$0xB4C0]  }
0x10c: {  	v36 =	vadd.s32 v23, v32;
	v35 =	vld [tilespmem:s6+$0xB4D0];
	_ =	sdelay $0x3  }
0x10d: {  	[tilespmem:v34+s12+$0x0] =	vst.idx.msk $0xffff, v33  }
0x10e: {  	[tilespmem:v36+s12+$0x0] =	vst.idx.msk $0xffff, v35  }
0x10f: {  	v34 =	vadd.s32 v24, v32;
	v33 =	vld [tilespmem:s6+$0xBB00]  }
0x110: {  	v36 =	vadd.s32 v25, v32;
	v35 =	vld [tilespmem:s6+$0xBB10];
	_ =	sdelay $0x3  }
0x111: {  	[tilespmem:v34+s12+$0x0] =	vst.idx.msk $0xffff, v33  }
0x112: {  	[tilespmem:v36+s12+$0x0] =	vst.idx.msk $0xffff, v35  }
0x113: {  	v34 =	vadd.s32 v26, v32;
	v33 =	vld [tilespmem:s6+$0xC140]  }
0x114: {  	v36 =	vadd.s32 v27, v32;
	v35 =	vld [tilespmem:s6+$0xC150];
	_ =	sdelay $0x3  }
0x115: {  	[tilespmem:v34+s12+$0x0] =	vst.idx.msk $0xffff, v33  }
0x116: {  	[tilespmem:v36+s12+$0x0] =	vst.idx.msk $0xffff, v35  }
0x117: {  	v34 =	vadd.s32 v28, v32;
	v33 =	vld [tilespmem:s6+$0xC780]  }
0x118: {  	v36 =	vadd.s32 v29, v32;
	v35 =	vld [tilespmem:s6+$0xC790];
	_ =	sdelay $0x3  }
0x119: {  	[tilespmem:v34+s12+$0x0] =	vst.idx.msk $0xffff, v33  }
0x11a: {  	[tilespmem:v36+s12+$0x0] =	vst.idx.msk $0xffff, v35  }
0x11b: {  	v34 =	vadd.s32 v30, v32;
	v33 =	vld [tilespmem:s6+$0xCDC0]  }
0x11c: {  	v36 =	vadd.s32 v31, v32;
	v35 =	vld [tilespmem:s6+$0xCDD0]  }
0x11d: {  	v32 =	vmov s7  }
0x11e: {  	v32 =	vmul.u32 $0x300, v32;
	_ =	sdelay $0x1  }
0x11f: {  	v32 =	vbroadcast v32, $0x0;
	[tilespmem:v34+s12+$0x0] =	vst.idx.msk $0xffff, v33  }
0x120: {  	[tilespmem:v36+s12+$0x0] =	vst.idx.msk $0xffff, v35  }
0x121: {  	v34 =	vadd.s32 v0, v32;
	v33 =	vld [tilespmem:s6+$0x7020]  }
0x122: {  	v36 =	vadd.s32 v1, v32;
	v35 =	vld [tilespmem:s6+$0x7030];
	_ =	sdelay $0x3  }
0x123: {  	[tilespmem:v34+s12+$0x0] =	vst.idx.msk $0xffff, v33  }
0x124: {  	[tilespmem:v36+s12+$0x0] =	vst.idx.msk $0xffff, v35  }
0x125: {  	v34 =	vadd.s32 v2, v32;
	v33 =	vld [tilespmem:s6+$0x7660]  }
0x126: {  	v36 =	vadd.s32 v3, v32;
	v35 =	vld [tilespmem:s6+$0x7670];
	_ =	sdelay $0x3  }
0x127: {  	[tilespmem:v34+s12+$0x0] =	vst.idx.msk $0xffff, v33  }
0x128: {  	[tilespmem:v36+s12+$0x0] =	vst.idx.msk $0xffff, v35  }
0x129: {  	v34 =	vadd.s32 v4, v32;
	v33 =	vld [tilespmem:s6+$0x7CA0]  }
0x12a: {  	v36 =	vadd.s32 v5, v32;
	v35 =	vld [tilespmem:s6+$0x7CB0];
	_ =	sdelay $0x3  }
0x12b: {  	[tilespmem:v34+s12+$0x0] =	vst.idx.msk $0xffff, v33  }
0x12c: {  	[tilespmem:v36+s12+$0x0] =	vst.idx.msk $0xffff, v35  }
0x12d: {  	v34 =	vadd.s32 v6, v32;
	v33 =	vld [tilespmem:s6+$0x82E0]  }
0x12e: {  	v36 =	vadd.s32 v7, v32;
	v35 =	vld [tilespmem:s6+$0x82F0];
	_ =	sdelay $0x3  }
0x12f: {  	[tilespmem:v34+s12+$0x0] =	vst.idx.msk $0xffff, v33  }
0x130: {  	[tilespmem:v36+s12+$0x0] =	vst.idx.msk $0xffff, v35  }
0x131: {  	v34 =	vadd.s32 v8, v32;
	v33 =	vld [tilespmem:s6+$0x8920]  }
0x132: {  	v36 =	vadd.s32 v9, v32;
	v35 =	vld [tilespmem:s6+$0x8930];
	_ =	sdelay $0x3  }
0x133: {  	[tilespmem:v34+s12+$0x0] =	vst.idx.msk $0xffff, v33  }
0x134: {  	[tilespmem:v36+s12+$0x0] =	vst.idx.msk $0xffff, v35  }
0x135: {  	v34 =	vadd.s32 v10, v32;
	v33 =	vld [tilespmem:s6+$0x8F60]  }
0x136: {  	v36 =	vadd.s32 v11, v32;
	v35 =	vld [tilespmem:s6+$0x8F70];
	_ =	sdelay $0x3  }
0x137: {  	[tilespmem:v34+s12+$0x0] =	vst.idx.msk $0xffff, v33  }
0x138: {  	[tilespmem:v36+s12+$0x0] =	vst.idx.msk $0xffff, v35  }
0x139: {  	v34 =	vadd.s32 v12, v32;
	v33 =	vld [tilespmem:s6+$0x95A0]  }
0x13a: {  	v36 =	vadd.s32 v13, v32;
	v35 =	vld [tilespmem:s6+$0x95B0];
	_ =	sdelay $0x3  }
0x13b: {  	[tilespmem:v34+s12+$0x0] =	vst.idx.msk $0xffff, v33  }
0x13c: {  	[tilespmem:v36+s12+$0x0] =	vst.idx.msk $0xffff, v35  }
0x13d: {  	v34 =	vadd.s32 v14, v32;
	v33 =	vld [tilespmem:s6+$0x9BE0]  }
0x13e: {  	v36 =	vadd.s32 v15, v32;
	v35 =	vld [tilespmem:s6+$0x9BF0];
	_ =	sdelay $0x3  }
0x13f: {  	[tilespmem:v34+s12+$0x0] =	vst.idx.msk $0xffff, v33  }
0x140: {  	[tilespmem:v36+s12+$0x0] =	vst.idx.msk $0xffff, v35  }
0x141: {  	v34 =	vadd.s32 v16, v32;
	v33 =	vld [tilespmem:s6+$0xA220]  }
0x142: {  	v36 =	vadd.s32 v17, v32;
	v35 =	vld [tilespmem:s6+$0xA230];
	_ =	sdelay $0x3  }
0x143: {  	[tilespmem:v34+s12+$0x0] =	vst.idx.msk $0xffff, v33  }
0x144: {  	[tilespmem:v36+s12+$0x0] =	vst.idx.msk $0xffff, v35  }
0x145: {  	v34 =	vadd.s32 v18, v32;
	v33 =	vld [tilespmem:s6+$0xA860]  }
0x146: {  	v36 =	vadd.s32 v19, v32;
	v35 =	vld [tilespmem:s6+$0xA870];
	_ =	sdelay $0x3  }
0x147: {  	[tilespmem:v34+s12+$0x0] =	vst.idx.msk $0xffff, v33  }
0x148: {  	[tilespmem:v36+s12+$0x0] =	vst.idx.msk $0xffff, v35  }
0x149: {  	v34 =	vadd.s32 v20, v32;
	v33 =	vld [tilespmem:s6+$0xAEA0]  }
0x14a: {  	v36 =	vadd.s32 v21, v32;
	v35 =	vld [tilespmem:s6+$0xAEB0];
	_ =	sdelay $0x3  }
0x14b: {  	[tilespmem:v34+s12+$0x0] =	vst.idx.msk $0xffff, v33  }
0x14c: {  	[tilespmem:v36+s12+$0x0] =	vst.idx.msk $0xffff, v35  }
0x14d: {  	v34 =	vadd.s32 v22, v32;
	v33 =	vld [tilespmem:s6+$0xB4E0]  }
0x14e: {  	v36 =	vadd.s32 v23, v32;
	v35 =	vld [tilespmem:s6+$0xB4F0];
	_ =	sdelay $0x3  }
0x14f: {  	[tilespmem:v34+s12+$0x0] =	vst.idx.msk $0xffff, v33  }
0x150: {  	[tilespmem:v36+s12+$0x0] =	vst.idx.msk $0xffff, v35  }
0x151: {  	v34 =	vadd.s32 v24, v32;
	v33 =	vld [tilespmem:s6+$0xBB20]  }
0x152: {  	v36 =	vadd.s32 v25, v32;
	v35 =	vld [tilespmem:s6+$0xBB30];
	_ =	sdelay $0x3  }
0x153: {  	[tilespmem:v34+s12+$0x0] =	vst.idx.msk $0xffff, v33  }
0x154: {  	[tilespmem:v36+s12+$0x0] =	vst.idx.msk $0xffff, v35  }
0x155: {  	v34 =	vadd.s32 v26, v32;
	v33 =	vld [tilespmem:s6+$0xC160]  }
0x156: {  	v36 =	vadd.s32 v27, v32;
	v35 =	vld [tilespmem:s6+$0xC170];
	_ =	sdelay $0x3  }
0x157: {  	[tilespmem:v34+s12+$0x0] =	vst.idx.msk $0xffff, v33  }
0x158: {  	[tilespmem:v36+s12+$0x0] =	vst.idx.msk $0xffff, v35  }
0x159: {  	v34 =	vadd.s32 v28, v32;
	v33 =	vld [tilespmem:s6+$0xC7A0]  }
0x15a: {  	v36 =	vadd.s32 v29, v32;
	v35 =	vld [tilespmem:s6+$0xC7B0];
	_ =	sdelay $0x3  }
0x15b: {  	[tilespmem:v34+s12+$0x0] =	vst.idx.msk $0xffff, v33  }
0x15c: {  	[tilespmem:v36+s12+$0x0] =	vst.idx.msk $0xffff, v35  }
0x15d: {  	s7 =	sadd.s32 $0x2, s7;
	v36 =	vadd.s32 v30, v32;
	v35 =	vld [tilespmem:s6+$0xCDE0]  }
.Ltmp0:
0x15e: {  	s19 =	sadd.s32 $0xFFFFFFFF, s7;
	v34 =	vadd.s32 v31, v32;
	v33 =	vld [tilespmem:s6+$0xCDF0];
	s6 =	smov.u32 s15;
	(pc) =	sbr.rel @p0 .LBB2_3-.Ltmp0, $3  }
0x15f: {  	v32 =	vmov s19  }
0x160: {  	v32 =	vmul.u32 $0x300, v32;
	_ =	sdelay $0x1  }
0x161: {  	v32 =	vbroadcast v32, $0x0;
	[tilespmem:v36+s12+$0x0] =	vst.idx.msk $0xffff, v35  }
0x162: {  	_ =	sdelay $0x3  }
0x163: {  	[tilespmem:v34+s12+$0x0] =	vst.idx.msk $0xffff, v33  }
0x164: {  	v33 =	vld [tilespmem:s6+$0x7000];
	v50 =	vadd.s32 v0, v32  }
0x165: {  	v35 =	vld [tilespmem:s6+$0x7010];
	v36 =	vadd.s32 v1, v32;
	_ =	sdelay $0x3  }
0x166: {  	[tilespmem:v50+s12+$0x0] =	vst.idx.msk $0xffff, v33  }
0x167: {  	[tilespmem:v36+s12+$0x0] =	vst.idx.msk $0xffff, v35  }
0x168: {  	v51 =	vadd.s32 v2, v32;
	v33 =	vld [tilespmem:s6+$0x7640]  }
0x169: {  	v52 =	vadd.s32 v3, v32;
	v35 =	vld [tilespmem:s6+$0x7650];
	_ =	sdelay $0x3  }
0x16a: {  	[tilespmem:v51+s12+$0x0] =	vst.idx.msk $0xffff, v33  }
0x16b: {  	[tilespmem:v52+s12+$0x0] =	vst.idx.msk $0xffff, v35  }
0x16c: {  	v53 =	vadd.s32 v4, v32;
	v33 =	vld [tilespmem:s6+$0x7C80]  }
0x16d: {  	v54 =	vadd.s32 v5, v32;
	v35 =	vld [tilespmem:s6+$0x7C90];
	_ =	sdelay $0x3  }
0x16e: {  	[tilespmem:v53+s12+$0x0] =	vst.idx.msk $0xffff, v33  }
0x16f: {  	[tilespmem:v54+s12+$0x0] =	vst.idx.msk $0xffff, v35  }
0x170: {  	v55 =	vadd.s32 v6, v32;
	v33 =	vld [tilespmem:s6+$0x82C0]  }
0x171: {  	v56 =	vadd.s32 v7, v32;
	v35 =	vld [tilespmem:s6+$0x82D0];
	_ =	sdelay $0x3  }
0x172: {  	[tilespmem:v55+s12+$0x0] =	vst.idx.msk $0xffff, v33  }
0x173: {  	[tilespmem:v56+s12+$0x0] =	vst.idx.msk $0xffff, v35  }
0x174: {  	v57 =	vadd.s32 v8, v32;
	v33 =	vld [tilespmem:s6+$0x8900]  }
0x175: {  	v58 =	vadd.s32 v9, v32;
	v35 =	vld [tilespmem:s6+$0x8910];
	_ =	sdelay $0x3  }
0x176: {  	[tilespmem:v57+s12+$0x0] =	vst.idx.msk $0xffff, v33  }
0x177: {  	[tilespmem:v58+s12+$0x0] =	vst.idx.msk $0xffff, v35  }
0x178: {  	v59 =	vadd.s32 v10, v32;
	v33 =	vld [tilespmem:s6+$0x8F40]  }
0x179: {  	v60 =	vadd.s32 v11, v32;
	v35 =	vld [tilespmem:s6+$0x8F50];
	_ =	sdelay $0x3  }
0x17a: {  	[tilespmem:v59+s12+$0x0] =	vst.idx.msk $0xffff, v33  }
0x17b: {  	[tilespmem:v60+s12+$0x0] =	vst.idx.msk $0xffff, v35  }
0x17c: {  	v61 =	vadd.s32 v12, v32;
	v33 =	vld [tilespmem:s6+$0x9580]  }
0x17d: {  	v62 =	vadd.s32 v13, v32;
	v35 =	vld [tilespmem:s6+$0x9590];
	_ =	sdelay $0x3  }
0x17e: {  	[tilespmem:v61+s12+$0x0] =	vst.idx.msk $0xffff, v33  }
0x17f: {  	[tilespmem:v62+s12+$0x0] =	vst.idx.msk $0xffff, v35  }
0x180: {  	v63 =	vadd.s32 v14, v32;
	v33 =	vld [tilespmem:s6+$0x9BC0]  }
0x181: {  	v40 =	vadd.s32 v15, v32;
	v35 =	vld [tilespmem:s6+$0x9BD0];
	_ =	sdelay $0x3  }
0x182: {  	[tilespmem:v63+s12+$0x0] =	vst.idx.msk $0xffff, v33  }
0x183: {  	[tilespmem:v40+s12+$0x0] =	vst.idx.msk $0xffff, v35  }
0x184: {  	v41 =	vadd.s32 v16, v32;
	v33 =	vld [tilespmem:s6+$0xA200]  }
0x185: {  	v42 =	vadd.s32 v17, v32;
	v35 =	vld [tilespmem:s6+$0xA210];
	_ =	sdelay $0x3  }
0x186: {  	[tilespmem:v41+s12+$0x0] =	vst.idx.msk $0xffff, v33  }
0x187: {  	[tilespmem:v42+s12+$0x0] =	vst.idx.msk $0xffff, v35  }
0x188: {  	v43 =	vadd.s32 v18, v32;
	v33 =	vld [tilespmem:s6+$0xA840]  }
0x189: {  	v44 =	vadd.s32 v19, v32;
	v35 =	vld [tilespmem:s6+$0xA850];
	_ =	sdelay $0x3  }
0x18a: {  	[tilespmem:v43+s12+$0x0] =	vst.idx.msk $0xffff, v33  }
0x18b: {  	[tilespmem:v44+s12+$0x0] =	vst.idx.msk $0xffff, v35  }
0x18c: {  	v45 =	vadd.s32 v20, v32;
	v33 =	vld [tilespmem:s6+$0xAE80]  }
0x18d: {  	v46 =	vadd.s32 v21, v32;
	v35 =	vld [tilespmem:s6+$0xAE90];
	_ =	sdelay $0x3  }
0x18e: {  	[tilespmem:v45+s12+$0x0] =	vst.idx.msk $0xffff, v33  }
0x18f: {  	[tilespmem:v46+s12+$0x0] =	vst.idx.msk $0xffff, v35  }
0x190: {  	v47 =	vadd.s32 v22, v32;
	v33 =	vld [tilespmem:s6+$0xB4C0]  }
0x191: {  	v48 =	vadd.s32 v23, v32;
	v35 =	vld [tilespmem:s6+$0xB4D0];
	_ =	sdelay $0x3  }
0x192: {  	[tilespmem:v47+s12+$0x0] =	vst.idx.msk $0xffff, v33  }
0x193: {  	[tilespmem:v48+s12+$0x0] =	vst.idx.msk $0xffff, v35  }
0x194: {  	v49 =	vadd.s32 v24, v32;
	v33 =	vld [tilespmem:s6+$0xBB00]  }
0x195: {  	v50 =	vadd.s32 v25, v32;
	v35 =	vld [tilespmem:s6+$0xBB10];
	_ =	sdelay $0x3  }
0x196: {  	[tilespmem:v49+s12+$0x0] =	vst.idx.msk $0xffff, v33  }
0x197: {  	[tilespmem:v50+s12+$0x0] =	vst.idx.msk $0xffff, v35  }
0x198: {  	v51 =	vadd.s32 v26, v32;
	v33 =	vld [tilespmem:s6+$0xC140]  }
0x199: {  	v52 =	vadd.s32 v27, v32;
	v35 =	vld [tilespmem:s6+$0xC150];
	_ =	sdelay $0x3  }
0x19a: {  	[tilespmem:v51+s12+$0x0] =	vst.idx.msk $0xffff, v33  }
0x19b: {  	[tilespmem:v52+s12+$0x0] =	vst.idx.msk $0xffff, v35  }
0x19c: {  	v53 =	vadd.s32 v28, v32;
	v33 =	vld [tilespmem:s6+$0xC780]  }
0x19d: {  	v54 =	vadd.s32 v29, v32;
	v35 =	vld [tilespmem:s6+$0xC790];
	_ =	sdelay $0x3  }
0x19e: {  	[tilespmem:v53+s12+$0x0] =	vst.idx.msk $0xffff, v33  }
0x19f: {  	[tilespmem:v54+s12+$0x0] =	vst.idx.msk $0xffff, v35  }
0x1a0: {  	v55 =	vadd.s32 v30, v32;
	v33 =	vld [tilespmem:s6+$0xCDC0]  }
0x1a1: {  	v56 =	vadd.s32 v31, v32;
	v35 =	vld [tilespmem:s6+$0xCDD0]  }
0x1a2: {  	v57 =	vmov s7  }
0x1a3: {  	v36 =	vmul.u32 $0x300, v57;
	_ =	sdelay $0x1  }
0x1a4: {  	[tilespmem:v55+s12+$0x0] =	vst.idx.msk $0xffff, v33;
	v33 =	vbroadcast v36, $0x0  }
0x1a5: {  	[tilespmem:v56+s12+$0x0] =	vst.idx.msk $0xffff, v35  }
0x1a6: {  	v32 =	vld [tilespmem:s6+$0x7020];
	v58 =	vadd.s32 v0, v33  }
0x1a7: {  	v35 =	vld [tilespmem:s6+$0x7030];
	v36 =	vadd.s32 v1, v33;
	_ =	sdelay $0x3  }
0x1a8: {  	[tilespmem:v58+s12+$0x0] =	vst.idx.msk $0xffff, v32  }
0x1a9: {  	[tilespmem:v36+s12+$0x0] =	vst.idx.msk $0xffff, v35  }
0x1aa: {  	v59 =	vadd.s32 v2, v33;
	v32 =	vld [tilespmem:s6+$0x7660]  }
0x1ab: {  	v60 =	vadd.s32 v3, v33;
	v35 =	vld [tilespmem:s6+$0x7670];
	_ =	sdelay $0x3  }
0x1ac: {  	[tilespmem:v59+s12+$0x0] =	vst.idx.msk $0xffff, v32  }
0x1ad: {  	[tilespmem:v60+s12+$0x0] =	vst.idx.msk $0xffff, v35  }
0x1ae: {  	v61 =	vadd.s32 v4, v33;
	v32 =	vld [tilespmem:s6+$0x7CA0]  }
0x1af: {  	v62 =	vadd.s32 v5, v33;
	v35 =	vld [tilespmem:s6+$0x7CB0];
	_ =	sdelay $0x3  }
0x1b0: {  	[tilespmem:v61+s12+$0x0] =	vst.idx.msk $0xffff, v32  }
0x1b1: {  	[tilespmem:v62+s12+$0x0] =	vst.idx.msk $0xffff, v35  }
0x1b2: {  	v63 =	vadd.s32 v6, v33;
	v32 =	vld [tilespmem:s6+$0x82E0]  }
0x1b3: {  	v40 =	vadd.s32 v7, v33;
	v35 =	vld [tilespmem:s6+$0x82F0];
	_ =	sdelay $0x3  }
0x1b4: {  	[tilespmem:v63+s12+$0x0] =	vst.idx.msk $0xffff, v32  }
0x1b5: {  	[tilespmem:v40+s12+$0x0] =	vst.idx.msk $0xffff, v35  }
0x1b6: {  	v41 =	vadd.s32 v8, v33;
	v32 =	vld [tilespmem:s6+$0x8920]  }
0x1b7: {  	v42 =	vadd.s32 v9, v33;
	v35 =	vld [tilespmem:s6+$0x8930];
	_ =	sdelay $0x3  }
0x1b8: {  	[tilespmem:v41+s12+$0x0] =	vst.idx.msk $0xffff, v32  }
0x1b9: {  	[tilespmem:v42+s12+$0x0] =	vst.idx.msk $0xffff, v35  }
0x1ba: {  	v43 =	vadd.s32 v10, v33;
	v32 =	vld [tilespmem:s6+$0x8F60]  }
0x1bb: {  	v44 =	vadd.s32 v11, v33;
	v35 =	vld [tilespmem:s6+$0x8F70];
	_ =	sdelay $0x3  }
0x1bc: {  	[tilespmem:v43+s12+$0x0] =	vst.idx.msk $0xffff, v32  }
0x1bd: {  	[tilespmem:v44+s12+$0x0] =	vst.idx.msk $0xffff, v35  }
0x1be: {  	v45 =	vadd.s32 v12, v33;
	v32 =	vld [tilespmem:s6+$0x95A0]  }
0x1bf: {  	v46 =	vadd.s32 v13, v33;
	v35 =	vld [tilespmem:s6+$0x95B0];
	_ =	sdelay $0x3  }
0x1c0: {  	[tilespmem:v45+s12+$0x0] =	vst.idx.msk $0xffff, v32  }
0x1c1: {  	[tilespmem:v46+s12+$0x0] =	vst.idx.msk $0xffff, v35  }
0x1c2: {  	v47 =	vadd.s32 v14, v33;
	v32 =	vld [tilespmem:s6+$0x9BE0]  }
0x1c3: {  	v48 =	vadd.s32 v15, v33;
	v35 =	vld [tilespmem:s6+$0x9BF0];
	_ =	sdelay $0x3  }
0x1c4: {  	[tilespmem:v47+s12+$0x0] =	vst.idx.msk $0xffff, v32  }
0x1c5: {  	[tilespmem:v48+s12+$0x0] =	vst.idx.msk $0xffff, v35  }
0x1c6: {  	v49 =	vadd.s32 v16, v33;
	v32 =	vld [tilespmem:s6+$0xA220]  }
0x1c7: {  	v50 =	vadd.s32 v17, v33;
	v35 =	vld [tilespmem:s6+$0xA230];
	_ =	sdelay $0x3  }
0x1c8: {  	[tilespmem:v49+s12+$0x0] =	vst.idx.msk $0xffff, v32  }
0x1c9: {  	[tilespmem:v50+s12+$0x0] =	vst.idx.msk $0xffff, v35  }
0x1ca: {  	v51 =	vadd.s32 v18, v33;
	v32 =	vld [tilespmem:s6+$0xA860]  }
0x1cb: {  	v52 =	vadd.s32 v19, v33;
	v35 =	vld [tilespmem:s6+$0xA870];
	_ =	sdelay $0x3  }
0x1cc: {  	[tilespmem:v51+s12+$0x0] =	vst.idx.msk $0xffff, v32  }
0x1cd: {  	[tilespmem:v52+s12+$0x0] =	vst.idx.msk $0xffff, v35  }
0x1ce: {  	v53 =	vadd.s32 v20, v33;
	v32 =	vld [tilespmem:s6+$0xAEA0]  }
0x1cf: {  	v54 =	vadd.s32 v21, v33;
	v35 =	vld [tilespmem:s6+$0xAEB0];
	_ =	sdelay $0x3  }
0x1d0: {  	[tilespmem:v53+s12+$0x0] =	vst.idx.msk $0xffff, v32  }
0x1d1: {  	[tilespmem:v54+s12+$0x0] =	vst.idx.msk $0xffff, v35  }
0x1d2: {  	v55 =	vadd.s32 v22, v33;
	v32 =	vld [tilespmem:s6+$0xB4E0]  }
0x1d3: {  	v56 =	vadd.s32 v23, v33;
	v35 =	vld [tilespmem:s6+$0xB4F0];
	_ =	sdelay $0x3  }
0x1d4: {  	[tilespmem:v55+s12+$0x0] =	vst.idx.msk $0xffff, v32  }
0x1d5: {  	[tilespmem:v56+s12+$0x0] =	vst.idx.msk $0xffff, v35  }
0x1d6: {  	v57 =	vadd.s32 v24, v33;
	v32 =	vld [tilespmem:s6+$0xBB20]  }
0x1d7: {  	v58 =	vadd.s32 v25, v33;
	v35 =	vld [tilespmem:s6+$0xBB30];
	_ =	sdelay $0x3  }
0x1d8: {  	[tilespmem:v57+s12+$0x0] =	vst.idx.msk $0xffff, v32  }
0x1d9: {  	[tilespmem:v58+s12+$0x0] =	vst.idx.msk $0xffff, v35  }
0x1da: {  	v59 =	vadd.s32 v26, v33;
	v32 =	vld [tilespmem:s6+$0xC160]  }
0x1db: {  	v60 =	vadd.s32 v27, v33;
	v35 =	vld [tilespmem:s6+$0xC170];
	_ =	sdelay $0x3  }
0x1dc: {  	[tilespmem:v59+s12+$0x0] =	vst.idx.msk $0xffff, v32  }
0x1dd: {  	[tilespmem:v60+s12+$0x0] =	vst.idx.msk $0xffff, v35  }
0x1de: {  	v61 =	vadd.s32 v28, v33;
	v32 =	vld [tilespmem:s6+$0xC7A0]  }
0x1df: {  	v62 =	vadd.s32 v29, v33;
	v35 =	vld [tilespmem:s6+$0xC7B0];
	_ =	sdelay $0x1  }
0x1e0: {  	s15 =	sshll.u32 s16, $0x5  }
0x1e1: {  	s8 =	sor.u32 s5, s15;
	s7 =	sand.u32 $0x60, s15  }
0x1e2: {  	p0 =	seq.s32 s8, $0x0;
	p1 =	sne.s32 s7, $0x0;
	[tilespmem:v61+s12+$0x0] =	vst.idx.msk $0xffff, v32  }
0x1e3: {  	p0 =	por !p0, !p1;
	[tilespmem:v62+s12+$0x0] =	vst.idx.msk $0xffff, v35  }
0x1e4: {  	s15 =	simm.s32 $0x1;
	p0 =	por !p0, !p0;
	v63 =	vadd.s32 v30, v33;
	v32 =	vld [tilespmem:s6+$0xCDE0]  }
0x1e5: {  	s19 =	sshrl.u32 s8, $0x7;
	s15 =	simm.s32 @!p0 $0x0;
	v33 =	vadd.s32 v31, v33;
	v35 =	vld [tilespmem:s6+$0xCDF0]  }
0x1e6: {  	s6 =	ssub.s32 s19, s15  }
0x1e7: {  	s6 =	sshll.u32 s6, $0xA  }
0x1e8: {  	s6 =	sor.u32 s7, s6  }
0x1e9: {  	s6 =	sshrl.u32 s6, $0x3;
	[tilespmem:v63+s12+$0x0] =	vst.idx.msk $0xffff, v32  }
0x1ea: {  	s20 =	simm.s32 $0x13800;
	s7 =	sadd.s32 s2, s6;
	[tilespmem:v33+s12+$0x0] =	vst.idx.msk $0xffff, v35  }
0x1eb: {  	[hbm4b:s7+s3] =	stream.linear.scatter [tilespmem:s20], [sflag:$0x3], $0x10, $0x38;
	[tilespmem:$0x1CE00] =	vst v63  }
0x1ec: {  	s8 =	simm.s32 $0x13818;
	s15 =	sadd.s32 $0x10, s7  }
0x1ed: {  	[hbm4b:s15+s3] =	stream.linear.scatter [tilespmem:s8], [sflag:$0x3], $0x10, $0x38;
	[tilespmem:$0x1CE00] =	vst v63  }
0x1ee: {  	s19 =	simm.s32 $0x13830;
	s20 =	sadd.s32 $0x20, s7  }
0x1ef: {  	[hbm4b:s20+s3] =	stream.linear.scatter [tilespmem:s19], [sflag:$0x3], $0x10, $0x38;
	[tilespmem:$0x1CE00] =	vst v63  }
0x1f0: {  	s8 =	simm.s32 $0x13848;
	s15 =	sadd.s32 $0x30, s7  }
0x1f1: {  	[hbm4b:s15+s3] =	stream.linear.scatter [tilespmem:s8], [sflag:$0x3], $0x10, $0x38;
	[tilespmem:$0x1CE00] =	vst v63  }
0x1f2: {  	s19 =	simm.s32 $0x13860;
	s20 =	sadd.s32 $0x40, s7  }
0x1f3: {  	[hbm4b:s20+s3] =	stream.linear.scatter [tilespmem:s19], [sflag:$0x3], $0x10, $0x38;
	[tilespmem:$0x1CE00] =	vst v63  }
0x1f4: {  	s6 =	simm.s32 $0xC0;
	s8 =	simm.s32 $0x13878;
	s15 =	sadd.s32 $0x50, s7  }
0x1f5: {  	[hbm4b:s15+s3] =	stream.linear.scatter [tilespmem:s8], [sflag:$0x3], $0x10, $0x38;
	[tilespmem:$0x1CE00] =	vst v63  }
0x1f6: {  	s19 =	simm.s32 $0x13890;
	s20 =	sadd.s32 $0x60, s7;
	s8 =	simm.s32 $0x600  }
0x1f7: {  	[hbm4b:s20+s3] =	stream.linear.scatter [tilespmem:s19], [sflag:$0x3], $0x10, $0x38;
	[tilespmem:$0x1CE00] =	vst v63  }
0x1f8: {  	s15 =	simm.s32 $0x138A8;
	s19 =	sadd.s32 $0x70, s7;
	s7 =	sadd.s32 $0x4000, s7  }
.LBB2_5:
0x1f9: {  	[hbm4b:s19+s3] =	stream.linear.scatter [tilespmem:s15], [sflag:$0x3], $0x10, $0x38;
	[tilespmem:$0x1CE00] =	vst v63  }
0x1fa: {  	s15 =	smov.u32 s6;
	s6 =	smov.u32 s8  }
0x1fb: {  	s20 =	sadd.s32 $0x300, s8;
	s6 =	sshra.s32 s6, $0x2;
	s19 =	sadd.s32 $0x13800, s15  }
0x1fc: {  	[hbm4b:s7+s3] =	stream.linear.scatter [tilespmem:s19], [sflag:$0x3], $0x10, $0x38;
	[tilespmem:$0x1CE00] =	vst v63  }
0x1fd: {  	p0 =	sne.s32 s8, $0x25500;
	s8 =	sadd.s32 $0x13818, s15;
	s19 =	sadd.s32 $0x10, s7  }
0x1fe: {  	[hbm4b:s19+s3] =	stream.linear.scatter [tilespmem:s8], [sflag:$0x3], $0x10, $0x38;
	[tilespmem:$0x1CE00] =	vst v63  }
0x1ff: {  	s8 =	sadd.s32 $0x13830, s15;
	s19 =	sadd.s32 $0x20, s7  }
0x200: {  	[hbm4b:s19+s3] =	stream.linear.scatter [tilespmem:s8], [sflag:$0x3], $0x10, $0x38;
	[tilespmem:$0x1CE00] =	vst v63  }
0x201: {  	s8 =	sadd.s32 $0x13848, s15;
	s19 =	sadd.s32 $0x30, s7  }
0x202: {  	[hbm4b:s19+s3] =	stream.linear.scatter [tilespmem:s8], [sflag:$0x3], $0x10, $0x38;
	[tilespmem:$0x1CE00] =	vst v63  }
0x203: {  	s8 =	sadd.s32 $0x13860, s15;
	s19 =	sadd.s32 $0x40, s7  }
0x204: {  	[hbm4b:s19+s3] =	stream.linear.scatter [tilespmem:s8], [sflag:$0x3], $0x10, $0x38;
	[tilespmem:$0x1CE00] =	vst v63  }
.Ltmp1:
0x205: {  	s8 =	sadd.s32 $0x13878, s15;
	s19 =	sadd.s32 $0x50, s7;
	(pc) =	sbr.rel @p0 .LBB2_5-.Ltmp1, $4  }
0x206: {  	[hbm4b:s19+s3] =	stream.linear.scatter [tilespmem:s8], [sflag:$0x3], $0x10, $0x38;
	[tilespmem:$0x1CE00] =	vst v63  }
0x207: {  	s8 =	sadd.s32 $0x13890, s15;
	s19 =	sadd.s32 $0x60, s7;
	s15 =	sadd.s32 $0x138A8, s15  }
0x208: {  	[hbm4b:s19+s3] =	stream.linear.scatter [tilespmem:s8], [sflag:$0x3], $0x10, $0x38;
	[tilespmem:$0x1CE00] =	vst v63  }
0x209: {  	s19 =	sadd.s32 $0x70, s7;
	s7 =	sadd.s32 $0x4000, s7;
	s8 =	smov.u32 s20  }
0x20a: {  	[hbm4b:s19+s3] =	stream.linear.scatter [tilespmem:s15], [sflag:$0x3], $0x10, $0x38;
	[tilespmem:$0x1CE00] =	vst v63  }
0x20b: {  	s8 =	sadd.s32 $0x13800, s6  }
0x20c: {  	[hbm4b:s7+s3] =	stream.linear.scatter [tilespmem:s8], [sflag:$0x3], $0x10, $0x38;
	[tilespmem:$0x1CE00] =	vst v63  }
0x20d: {  	s19 =	sadd.s32 $0x13818, s6;
	s20 =	sadd.s32 $0x10, s7  }
0x20e: {  	[hbm4b:s20+s3] =	stream.linear.scatter [tilespmem:s19], [sflag:$0x3], $0x10, $0x38;
	[tilespmem:$0x1CE00] =	vst v63  }
0x20f: {  	s19 =	sadd.s32 $0x13830, s6;
	s20 =	sadd.s32 $0x20, s7  }
0x210: {  	[hbm4b:s20+s3] =	stream.linear.scatter [tilespmem:s19], [sflag:$0x3], $0x10, $0x38;
	[tilespmem:$0x1CE00] =	vst v63  }
0x211: {  	s19 =	sadd.s32 $0x13848, s6;
	s20 =	sadd.s32 $0x30, s7  }
0x212: {  	[hbm4b:s20+s3] =	stream.linear.scatter [tilespmem:s19], [sflag:$0x3], $0x10, $0x38;
	[tilespmem:$0x1CE00] =	vst v63  }
0x213: {  	s19 =	sadd.s32 $0x13860, s6;
	s20 =	sadd.s32 $0x40, s7  }
0x214: {  	[hbm4b:s20+s3] =	stream.linear.scatter [tilespmem:s19], [sflag:$0x3], $0x10, $0x38;
	[tilespmem:$0x1CE00] =	vst v63  }
0x215: {  	s19 =	sadd.s32 $0x13878, s6;
	s20 =	sadd.s32 $0x50, s7  }
0x216: {  	[hbm4b:s20+s3] =	stream.linear.scatter [tilespmem:s19], [sflag:$0x3], $0x10, $0x38;
	[tilespmem:$0x1CE00] =	vst v63  }
0x217: {  	p0 =	seq.s32 s16, $0xF;
	s19 =	sadd.s32 $0x13890, s6;
	s20 =	sadd.s32 $0x60, s7  }
0x218: {  	[hbm4b:s20+s3] =	stream.linear.scatter [tilespmem:s19], [sflag:$0x3], $0x10, $0x38;
	[tilespmem:$0x1CE00] =	vst v63  }
0x219: {  	s15 =	sadd.s32 $0x138A8, s6;
	s6 =	smul.u32 @!p0 $0x1C00, s16;
	s19 =	sadd.s32 $0x70, s7  }
0x21a: {  	[hbm4b:s19+s3] =	stream.linear.scatter [tilespmem:s15], [sflag:$0x3], $0x10, $0x38;
	[tilespmem:$0x1CE00] =	vst v63  }
0x21b: {  	_ =	swait.ge [sflag:s13], $0x6400  }
0x21c: {  	s8 =	simm.s32 @!p0 $0x32;
	s6 =	sshra.s32 @!p0 s6, $0x2;
	[sflag:s13] =	ssyncset.done $0x0  }
0x21d: {  	s7 =	sadd.s32 @!p0 $0x700, s6;
	s15 =	simm.s32 @!p0 $0x7000;
	[sflag:s13] =	ssyncadd.s32 $0xFFFF9C00  }
0x21e: {  	[tilespmem:s15], [sflag:$0x1] =	stream.indirect.gather @!p0 [hbm4b:s4+s8], $0x20, s7, s8, $0xb8;
	[tilespmem:$0x1CE00] =	vst v63  }
0x21f: {  	s7 =	sadd.s32 @!p0 $0x738, s6;
	s15 =	simm.s32 @!p0 $0x7640  }
0x220: {  	[tilespmem:s15], [sflag:$0x1] =	stream.indirect.gather @!p0 [hbm4b:s4+s8], $0x20, s7, s8, $0xb8;
	[tilespmem:$0x1CE00] =	vst v63  }
0x221: {  	s7 =	sadd.s32 @!p0 $0x770, s6;
	s15 =	simm.s32 @!p0 $0x7C80  }
0x222: {  	[tilespmem:s15], [sflag:$0x1] =	stream.indirect.gather @!p0 [hbm4b:s4+s8], $0x20, s7, s8, $0xb8;
	[tilespmem:$0x1CE00] =	vst v63  }
0x223: {  	s7 =	sadd.s32 @!p0 $0x7A8, s6;
	s15 =	simm.s32 @!p0 $0x82C0  }
0x224: {  	[tilespmem:s15], [sflag:$0x1] =	stream.indirect.gather @!p0 [hbm4b:s4+s8], $0x20, s7, s8, $0xb8;
	[tilespmem:$0x1CE00] =	vst v63  }
0x225: {  	s7 =	sadd.s32 @!p0 $0x7E0, s6;
	s15 =	simm.s32 @!p0 $0x8900  }
0x226: {  	[tilespmem:s15], [sflag:$0x1] =	stream.indirect.gather @!p0 [hbm4b:s4+s8], $0x20, s7, s8, $0xb8;
	[tilespmem:$0x1CE00] =	vst v63  }
0x227: {  	s7 =	sadd.s32 @!p0 $0x818, s6;
	s15 =	simm.s32 @!p0 $0x8F40  }
0x228: {  	[tilespmem:s15], [sflag:$0x1] =	stream.indirect.gather @!p0 [hbm4b:s4+s8], $0x20, s7, s8, $0xb8;
	[tilespmem:$0x1CE00] =	vst v63  }
0x229: {  	s7 =	sadd.s32 @!p0 $0x850, s6;
	s15 =	simm.s32 @!p0 $0x9580  }
0x22a: {  	[tilespmem:s15], [sflag:$0x1] =	stream.indirect.gather @!p0 [hbm4b:s4+s8], $0x20, s7, s8, $0xb8;
	[tilespmem:$0x1CE00] =	vst v63  }
0x22b: {  	s7 =	sadd.s32 @!p0 $0x888, s6;
	s15 =	simm.s32 @!p0 $0x9BC0  }
0x22c: {  	[tilespmem:s15], [sflag:$0x1] =	stream.indirect.gather @!p0 [hbm4b:s4+s8], $0x20, s7, s8, $0xb8;
	[tilespmem:$0x1CE00] =	vst v63  }
0x22d: {  	s7 =	sadd.s32 @!p0 $0x8C0, s6;
	s15 =	simm.s32 @!p0 $0xA200  }
0x22e: {  	[tilespmem:s15], [sflag:$0x1] =	stream.indirect.gather @!p0 [hbm4b:s4+s8], $0x20, s7, s8, $0xb8;
	[tilespmem:$0x1CE00] =	vst v63  }
0x22f: {  	s7 =	sadd.s32 @!p0 $0x8F8, s6;
	s15 =	simm.s32 @!p0 $0xA840  }
0x230: {  	[tilespmem:s15], [sflag:$0x1] =	stream.indirect.gather @!p0 [hbm4b:s4+s8], $0x20, s7, s8, $0xb8;
	[tilespmem:$0x1CE00] =	vst v63  }
0x231: {  	s7 =	sadd.s32 @!p0 $0x930, s6;
	s15 =	simm.s32 @!p0 $0xAE80  }
0x232: {  	[tilespmem:s15], [sflag:$0x1] =	stream.indirect.gather @!p0 [hbm4b:s4+s8], $0x20, s7, s8, $0xb8;
	[tilespmem:$0x1CE00] =	vst v63  }
0x233: {  	s7 =	sadd.s32 @!p0 $0x968, s6;
	s15 =	simm.s32 @!p0 $0xB4C0  }
0x234: {  	[tilespmem:s15], [sflag:$0x1] =	stream.indirect.gather @!p0 [hbm4b:s4+s8], $0x20, s7, s8, $0xb8;
	[tilespmem:$0x1CE00] =	vst v63  }
0x235: {  	s7 =	sadd.s32 @!p0 $0x9A0, s6;
	s15 =	simm.s32 @!p0 $0xBB00  }
0x236: {  	[tilespmem:s15], [sflag:$0x1] =	stream.indirect.gather @!p0 [hbm4b:s4+s8], $0x20, s7, s8, $0xb8;
	[tilespmem:$0x1CE00] =	vst v63  }
0x237: {  	s7 =	sadd.s32 @!p0 $0x9D8, s6;
	s15 =	simm.s32 @!p0 $0xC140  }
0x238: {  	[tilespmem:s15], [sflag:$0x1] =	stream.indirect.gather @!p0 [hbm4b:s4+s8], $0x20, s7, s8, $0xb8;
	[tilespmem:$0x1CE00] =	vst v63  }
0x239: {  	s20 =	simm.s32 $0x0;
	s7 =	sadd.s32 @!p0 $0xA10, s6;
	s15 =	simm.s32 @!p0 $0xC780  }
0x23a: {  	[tilespmem:s15], [sflag:$0x1] =	stream.indirect.gather @!p0 [hbm4b:s4+s8], $0x20, s7, s8, $0xb8;
	[tilespmem:$0x1CE00] =	vst v63  }
0x23b: {  	v32 =	vmov s20;
	s6 =	sadd.s32 @!p0 $0xA48, s6;
	s15 =	simm.s32 @!p0 $0xCDC0  }
0x23c: {  	v32 =	vmul.u32 $0x300, v32;
	[tilespmem:s15], [sflag:$0x1] =	stream.indirect.gather @!p0 [hbm4b:s4+s8], $0x20, s6, s8, $0xb8;
	[tilespmem:$0x1CE00] =	vst v63  }
0x23d: {  	_ =	swait.ge [sflag:s14], $0x6400  }
0x23e: {  	v32 =	vbroadcast v32, $0x0;
	[sflag:s14] =	ssyncset.done $0x0  }
0x23f: {  	s15 =	simm.s32 $0x0;
	[sflag:s14] =	ssyncadd.s32 $0xFFFF9C00  }
0x240: {  	v34 =	vadd.s32 v0, v32;
	v33 =	vld [tilespmem:s15+$0xD400]  }
0x241: {  	v36 =	vadd.s32 v1, v32;
	v35 =	vld [tilespmem:s15+$0xD410];
	_ =	sdelay $0x3  }
0x242: {  	[tilespmem:v34+s12+$0x0] =	vst.idx.msk $0xffff, v33  }
0x243: {  	[tilespmem:v36+s12+$0x0] =	vst.idx.msk $0xffff, v35  }
0x244: {  	v51 =	vadd.s32 v2, v32;
	v33 =	vld [tilespmem:s15+$0xDA40]  }
0x245: {  	v52 =	vadd.s32 v3, v32;
	v35 =	vld [tilespmem:s15+$0xDA50];
	_ =	sdelay $0x3  }
0x246: {  	[tilespmem:v51+s12+$0x0] =	vst.idx.msk $0xffff, v33  }
0x247: {  	[tilespmem:v52+s12+$0x0] =	vst.idx.msk $0xffff, v35  }
0x248: {  	v53 =	vadd.s32 v4, v32;
	v33 =	vld [tilespmem:s15+$0xE080]  }
0x249: {  	v54 =	vadd.s32 v5, v32;
	v35 =	vld [tilespmem:s15+$0xE090];
	_ =	sdelay $0x3  }
0x24a: {  	[tilespmem:v53+s12+$0x0] =	vst.idx.msk $0xffff, v33  }
0x24b: {  	[tilespmem:v54+s12+$0x0] =	vst.idx.msk $0xffff, v35  }
0x24c: {  	v55 =	vadd.s32 v6, v32;
	v33 =	vld [tilespmem:s15+$0xE6C0]  }
0x24d: {  	v56 =	vadd.s32 v7, v32;
	v35 =	vld [tilespmem:s15+$0xE6D0];
	_ =	sdelay $0x3  }
0x24e: {  	[tilespmem:v55+s12+$0x0] =	vst.idx.msk $0xffff, v33  }
0x24f: {  	[tilespmem:v56+s12+$0x0] =	vst.idx.msk $0xffff, v35  }
0x250: {  	v57 =	vadd.s32 v8, v32;
	v33 =	vld [tilespmem:s15+$0xED00]  }
0x251: {  	v58 =	vadd.s32 v9, v32;
	v35 =	vld [tilespmem:s15+$0xED10];
	_ =	sdelay $0x3  }
0x252: {  	[tilespmem:v57+s12+$0x0] =	vst.idx.msk $0xffff, v33  }
0x253: {  	[tilespmem:v58+s12+$0x0] =	vst.idx.msk $0xffff, v35  }
0x254: {  	v59 =	vadd.s32 v10, v32;
	v33 =	vld [tilespmem:s15+$0xF340]  }
0x255: {  	v60 =	vadd.s32 v11, v32;
	v35 =	vld [tilespmem:s15+$0xF350];
	_ =	sdelay $0x3  }
0x256: {  	[tilespmem:v59+s12+$0x0] =	vst.idx.msk $0xffff, v33  }
0x257: {  	[tilespmem:v60+s12+$0x0] =	vst.idx.msk $0xffff, v35  }
0x258: {  	v61 =	vadd.s32 v12, v32;
	v33 =	vld [tilespmem:s15+$0xF980]  }
0x259: {  	v62 =	vadd.s32 v13, v32;
	v35 =	vld [tilespmem:s15+$0xF990];
	_ =	sdelay $0x3  }
0x25a: {  	[tilespmem:v61+s12+$0x0] =	vst.idx.msk $0xffff, v33  }
0x25b: {  	[tilespmem:v62+s12+$0x0] =	vst.idx.msk $0xffff, v35  }
0x25c: {  	v63 =	vadd.s32 v14, v32;
	v33 =	vld [tilespmem:s15+$0xFFC0]  }
0x25d: {  	v40 =	vadd.s32 v15, v32;
	v35 =	vld [tilespmem:s15+$0xFFD0];
	_ =	sdelay $0x3  }
0x25e: {  	[tilespmem:v63+s12+$0x0] =	vst.idx.msk $0xffff, v33  }
0x25f: {  	[tilespmem:v40+s12+$0x0] =	vst.idx.msk $0xffff, v35  }
0x260: {  	v41 =	vadd.s32 v16, v32;
	v33 =	vld [tilespmem:s15+$0x10600]  }
0x261: {  	v42 =	vadd.s32 v17, v32;
	v35 =	vld [tilespmem:s15+$0x10610];
	_ =	sdelay $0x3  }
0x262: {  	[tilespmem:v41+s12+$0x0] =	vst.idx.msk $0xffff, v33  }
0x263: {  	[tilespmem:v42+s12+$0x0] =	vst.idx.msk $0xffff, v35  }
0x264: {  	v43 =	vadd.s32 v18, v32;
	v33 =	vld [tilespmem:s15+$0x10C40]  }
0x265: {  	v44 =	vadd.s32 v19, v32;
	v35 =	vld [tilespmem:s15+$0x10C50];
	_ =	sdelay $0x3  }
0x266: {  	[tilespmem:v43+s12+$0x0] =	vst.idx.msk $0xffff, v33  }
0x267: {  	[tilespmem:v44+s12+$0x0] =	vst.idx.msk $0xffff, v35  }
0x268: {  	v45 =	vadd.s32 v20, v32;
	v33 =	vld [tilespmem:s15+$0x11280]  }
0x269: {  	v46 =	vadd.s32 v21, v32;
	v35 =	vld [tilespmem:s15+$0x11290];
	_ =	sdelay $0x3  }
0x26a: {  	[tilespmem:v45+s12+$0x0] =	vst.idx.msk $0xffff, v33  }
0x26b: {  	[tilespmem:v46+s12+$0x0] =	vst.idx.msk $0xffff, v35  }
0x26c: {  	v47 =	vadd.s32 v22, v32;
	v33 =	vld [tilespmem:s15+$0x118C0]  }
0x26d: {  	v48 =	vadd.s32 v23, v32;
	v35 =	vld [tilespmem:s15+$0x118D0];
	_ =	sdelay $0x3  }
0x26e: {  	[tilespmem:v47+s12+$0x0] =	vst.idx.msk $0xffff, v33  }
0x26f: {  	[tilespmem:v48+s12+$0x0] =	vst.idx.msk $0xffff, v35  }
0x270: {  	v49 =	vadd.s32 v24, v32;
	v33 =	vld [tilespmem:s15+$0x11F00]  }
0x271: {  	v50 =	vadd.s32 v25, v32;
	v35 =	vld [tilespmem:s15+$0x11F10];
	_ =	sdelay $0x3  }
0x272: {  	[tilespmem:v49+s12+$0x0] =	vst.idx.msk $0xffff, v33  }
0x273: {  	[tilespmem:v50+s12+$0x0] =	vst.idx.msk $0xffff, v35  }
0x274: {  	v51 =	vadd.s32 v26, v32;
	v33 =	vld [tilespmem:s15+$0x12540]  }
0x275: {  	v52 =	vadd.s32 v27, v32;
	v35 =	vld [tilespmem:s15+$0x12550];
	_ =	sdelay $0x3  }
0x276: {  	[tilespmem:v51+s12+$0x0] =	vst.idx.msk $0xffff, v33  }
0x277: {  	[tilespmem:v52+s12+$0x0] =	vst.idx.msk $0xffff, v35  }
0x278: {  	v53 =	vadd.s32 v28, v32;
	v33 =	vld [tilespmem:s15+$0x12B80]  }
0x279: {  	v54 =	vadd.s32 v29, v32;
	v35 =	vld [tilespmem:s15+$0x12B90];
	_ =	sdelay $0x3  }
0x27a: {  	[tilespmem:v53+s12+$0x0] =	vst.idx.msk $0xffff, v33  }
0x27b: {  	[tilespmem:v54+s12+$0x0] =	vst.idx.msk $0xffff, v35  }
0x27c: {  	v55 =	vadd.s32 v30, v32;
	v33 =	vld [tilespmem:s15+$0x131C0]  }
0x27d: {  	s19 =	simm.s32 $0x1;
	v32 =	vadd.s32 v31, v32;
	v35 =	vld [tilespmem:s15+$0x131D0]  }
0x27e: {  	v56 =	vmov s19  }
0x27f: {  	v36 =	vmul.u32 $0x300, v56;
	_ =	sdelay $0x1  }
0x280: {  	v34 =	vbroadcast v36, $0x0;
	[tilespmem:v55+s12+$0x0] =	vst.idx.msk $0xffff, v33  }
0x281: {  	[tilespmem:v32+s12+$0x0] =	vst.idx.msk $0xffff, v35  }
0x282: {  	v57 =	vadd.s32 v0, v34;
	v32 =	vld [tilespmem:s15+$0xD420]  }
0x283: {  	v36 =	vadd.s32 v1, v34;
	v35 =	vld [tilespmem:s15+$0xD430];
	_ =	sdelay $0x3  }
0x284: {  	[tilespmem:v57+s12+$0x0] =	vst.idx.msk $0xffff, v32  }
0x285: {  	[tilespmem:v36+s12+$0x0] =	vst.idx.msk $0xffff, v35  }
0x286: {  	v58 =	vadd.s32 v2, v34;
	v32 =	vld [tilespmem:s15+$0xDA60]  }
0x287: {  	v59 =	vadd.s32 v3, v34;
	v35 =	vld [tilespmem:s15+$0xDA70];
	_ =	sdelay $0x3  }
0x288: {  	[tilespmem:v58+s12+$0x0] =	vst.idx.msk $0xffff, v32  }
0x289: {  	[tilespmem:v59+s12+$0x0] =	vst.idx.msk $0xffff, v35  }
0x28a: {  	v60 =	vadd.s32 v4, v34;
	v32 =	vld [tilespmem:s15+$0xE0A0]  }
0x28b: {  	v61 =	vadd.s32 v5, v34;
	v35 =	vld [tilespmem:s15+$0xE0B0];
	_ =	sdelay $0x3  }
0x28c: {  	[tilespmem:v60+s12+$0x0] =	vst.idx.msk $0xffff, v32  }
0x28d: {  	[tilespmem:v61+s12+$0x0] =	vst.idx.msk $0xffff, v35  }
0x28e: {  	v62 =	vadd.s32 v6, v34;
	v32 =	vld [tilespmem:s15+$0xE6E0]  }
0x28f: {  	v63 =	vadd.s32 v7, v34;
	v35 =	vld [tilespmem:s15+$0xE6F0];
	_ =	sdelay $0x3  }
0x290: {  	[tilespmem:v62+s12+$0x0] =	vst.idx.msk $0xffff, v32  }
0x291: {  	[tilespmem:v63+s12+$0x0] =	vst.idx.msk $0xffff, v35  }
0x292: {  	v40 =	vadd.s32 v8, v34;
	v32 =	vld [tilespmem:s15+$0xED20]  }
0x293: {  	v41 =	vadd.s32 v9, v34;
	v35 =	vld [tilespmem:s15+$0xED30];
	_ =	sdelay $0x3  }
0x294: {  	[tilespmem:v40+s12+$0x0] =	vst.idx.msk $0xffff, v32  }
0x295: {  	[tilespmem:v41+s12+$0x0] =	vst.idx.msk $0xffff, v35  }
0x296: {  	v42 =	vadd.s32 v10, v34;
	v32 =	vld [tilespmem:s15+$0xF360]  }
0x297: {  	v43 =	vadd.s32 v11, v34;
	v35 =	vld [tilespmem:s15+$0xF370];
	_ =	sdelay $0x3  }
0x298: {  	[tilespmem:v42+s12+$0x0] =	vst.idx.msk $0xffff, v32  }
0x299: {  	[tilespmem:v43+s12+$0x0] =	vst.idx.msk $0xffff, v35  }
0x29a: {  	v44 =	vadd.s32 v12, v34;
	v32 =	vld [tilespmem:s15+$0xF9A0]  }
0x29b: {  	v45 =	vadd.s32 v13, v34;
	v35 =	vld [tilespmem:s15+$0xF9B0];
	_ =	sdelay $0x3  }
0x29c: {  	[tilespmem:v44+s12+$0x0] =	vst.idx.msk $0xffff, v32  }
0x29d: {  	[tilespmem:v45+s12+$0x0] =	vst.idx.msk $0xffff, v35  }
0x29e: {  	v46 =	vadd.s32 v14, v34;
	v32 =	vld [tilespmem:s15+$0xFFE0]  }
0x29f: {  	v47 =	vadd.s32 v15, v34;
	v35 =	vld [tilespmem:s15+$0xFFF0];
	_ =	sdelay $0x3  }
0x2a0: {  	[tilespmem:v46+s12+$0x0] =	vst.idx.msk $0xffff, v32  }
0x2a1: {  	[tilespmem:v47+s12+$0x0] =	vst.idx.msk $0xffff, v35  }
0x2a2: {  	v48 =	vadd.s32 v16, v34;
	v32 =	vld [tilespmem:s15+$0x10620]  }
0x2a3: {  	v49 =	vadd.s32 v17, v34;
	v35 =	vld [tilespmem:s15+$0x10630];
	_ =	sdelay $0x3  }
0x2a4: {  	[tilespmem:v48+s12+$0x0] =	vst.idx.msk $0xffff, v32  }
0x2a5: {  	[tilespmem:v49+s12+$0x0] =	vst.idx.msk $0xffff, v35  }
0x2a6: {  	v50 =	vadd.s32 v18, v34;
	v32 =	vld [tilespmem:s15+$0x10C60]  }
0x2a7: {  	v51 =	vadd.s32 v19, v34;
	v35 =	vld [tilespmem:s15+$0x10C70];
	_ =	sdelay $0x3  }
0x2a8: {  	[tilespmem:v50+s12+$0x0] =	vst.idx.msk $0xffff, v32  }
0x2a9: {  	[tilespmem:v51+s12+$0x0] =	vst.idx.msk $0xffff, v35  }
0x2aa: {  	v52 =	vadd.s32 v20, v34;
	v32 =	vld [tilespmem:s15+$0x112A0]  }
0x2ab: {  	v53 =	vadd.s32 v21, v34;
	v35 =	vld [tilespmem:s15+$0x112B0];
	_ =	sdelay $0x3  }
0x2ac: {  	[tilespmem:v52+s12+$0x0] =	vst.idx.msk $0xffff, v32  }
0x2ad: {  	[tilespmem:v53+s12+$0x0] =	vst.idx.msk $0xffff, v35  }
0x2ae: {  	v54 =	vadd.s32 v22, v34;
	v32 =	vld [tilespmem:s15+$0x118E0]  }
0x2af: {  	v55 =	vadd.s32 v23, v34;
	v35 =	vld [tilespmem:s15+$0x118F0];
	_ =	sdelay $0x3  }
0x2b0: {  	[tilespmem:v54+s12+$0x0] =	vst.idx.msk $0xffff, v32  }
0x2b1: {  	[tilespmem:v55+s12+$0x0] =	vst.idx.msk $0xffff, v35  }
0x2b2: {  	v56 =	vadd.s32 v24, v34;
	v32 =	vld [tilespmem:s15+$0x11F20]  }
0x2b3: {  	v57 =	vadd.s32 v25, v34;
	v35 =	vld [tilespmem:s15+$0x11F30];
	_ =	sdelay $0x3  }
0x2b4: {  	[tilespmem:v56+s12+$0x0] =	vst.idx.msk $0xffff, v32  }
0x2b5: {  	[tilespmem:v57+s12+$0x0] =	vst.idx.msk $0xffff, v35  }
0x2b6: {  	v58 =	vadd.s32 v26, v34;
	v32 =	vld [tilespmem:s15+$0x12560]  }
0x2b7: {  	v59 =	vadd.s32 v27, v34;
	v35 =	vld [tilespmem:s15+$0x12570];
	_ =	sdelay $0x3  }
0x2b8: {  	[tilespmem:v58+s12+$0x0] =	vst.idx.msk $0xffff, v32  }
0x2b9: {  	[tilespmem:v59+s12+$0x0] =	vst.idx.msk $0xffff, v35  }
0x2ba: {  	v60 =	vadd.s32 v28, v34;
	v32 =	vld [tilespmem:s15+$0x12BA0]  }
0x2bb: {  	v61 =	vadd.s32 v29, v34;
	v35 =	vld [tilespmem:s15+$0x12BB0];
	_ =	sdelay $0x3  }
0x2bc: {  	[tilespmem:v60+s12+$0x0] =	vst.idx.msk $0xffff, v32  }
0x2bd: {  	[tilespmem:v61+s12+$0x0] =	vst.idx.msk $0xffff, v35  }
0x2be: {  	v62 =	vadd.s32 v30, v34;
	v35 =	vld [tilespmem:s15+$0x131E0]  }
0x2bf: {  	s20 =	simm.s32 $0x2;
	v34 =	vadd.s32 v31, v34;
	v33 =	vld [tilespmem:s15+$0x131F0]  }
0x2c0: {  	v63 =	vmov s20  }
0x2c1: {  	v32 =	vmul.u32 $0x300, v63;
	_ =	sdelay $0x1  }
0x2c2: {  	s7 =	simm.s32 $0x3;
	s6 =	simm.s32 $0x40;
	s8 =	simm.s32 $0x200;
	v32 =	vbroadcast v32, $0x0;
	[tilespmem:v62+s12+$0x0] =	vst.idx.msk $0xffff, v35  }
.LBB2_7:
0x2c3: {  	s15 =	sshra.s32 s8, $0x2;
	p0 =	sne.s32 s8, $0x1800;
	s8 =	sadd.s32 $0x100, s8;
	[tilespmem:v34+s12+$0x0] =	vst.idx.msk $0xffff, v33  }
0x2c4: {  	v33 =	vld [tilespmem:s6+$0xD400];
	v34 =	vadd.s32 v0, v32  }
0x2c5: {  	v36 =	vadd.s32 v1, v32;
	v35 =	vld [tilespmem:s6+$0xD410];
	_ =	sdelay $0x3  }
0x2c6: {  	[tilespmem:v34+s12+$0x0] =	vst.idx.msk $0xffff, v33  }
0x2c7: {  	[tilespmem:v36+s12+$0x0] =	vst.idx.msk $0xffff, v35  }
0x2c8: {  	v34 =	vadd.s32 v2, v32;
	v33 =	vld [tilespmem:s6+$0xDA40]  }
0x2c9: {  	v36 =	vadd.s32 v3, v32;
	v35 =	vld [tilespmem:s6+$0xDA50];
	_ =	sdelay $0x3  }
0x2ca: {  	[tilespmem:v34+s12+$0x0] =	vst.idx.msk $0xffff, v33  }
0x2cb: {  	[tilespmem:v36+s12+$0x0] =	vst.idx.msk $0xffff, v35  }
0x2cc: {  	v34 =	vadd.s32 v4, v32;
	v33 =	vld [tilespmem:s6+$0xE080]  }
0x2cd: {  	v36 =	vadd.s32 v5, v32;
	v35 =	vld [tilespmem:s6+$0xE090];
	_ =	sdelay $0x3  }
0x2ce: {  	[tilespmem:v34+s12+$0x0] =	vst.idx.msk $0xffff, v33  }
0x2cf: {  	[tilespmem:v36+s12+$0x0] =	vst.idx.msk $0xffff, v35  }
0x2d0: {  	v34 =	vadd.s32 v6, v32;
	v33 =	vld [tilespmem:s6+$0xE6C0]  }
0x2d1: {  	v36 =	vadd.s32 v7, v32;
	v35 =	vld [tilespmem:s6+$0xE6D0];
	_ =	sdelay $0x3  }
0x2d2: {  	[tilespmem:v34+s12+$0x0] =	vst.idx.msk $0xffff, v33  }
0x2d3: {  	[tilespmem:v36+s12+$0x0] =	vst.idx.msk $0xffff, v35  }
0x2d4: {  	v34 =	vadd.s32 v8, v32;
	v33 =	vld [tilespmem:s6+$0xED00]  }
0x2d5: {  	v36 =	vadd.s32 v9, v32;
	v35 =	vld [tilespmem:s6+$0xED10];
	_ =	sdelay $0x3  }
0x2d6: {  	[tilespmem:v34+s12+$0x0] =	vst.idx.msk $0xffff, v33  }
0x2d7: {  	[tilespmem:v36+s12+$0x0] =	vst.idx.msk $0xffff, v35  }
0x2d8: {  	v34 =	vadd.s32 v10, v32;
	v33 =	vld [tilespmem:s6+$0xF340]  }
0x2d9: {  	v36 =	vadd.s32 v11, v32;
	v35 =	vld [tilespmem:s6+$0xF350];
	_ =	sdelay $0x3  }
0x2da: {  	[tilespmem:v34+s12+$0x0] =	vst.idx.msk $0xffff, v33  }
0x2db: {  	[tilespmem:v36+s12+$0x0] =	vst.idx.msk $0xffff, v35  }
0x2dc: {  	v34 =	vadd.s32 v12, v32;
	v33 =	vld [tilespmem:s6+$0xF980]  }
0x2dd: {  	v36 =	vadd.s32 v13, v32;
	v35 =	vld [tilespmem:s6+$0xF990];
	_ =	sdelay $0x3  }
0x2de: {  	[tilespmem:v34+s12+$0x0] =	vst.idx.msk $0xffff, v33  }
0x2df: {  	[tilespmem:v36+s12+$0x0] =	vst.idx.msk $0xffff, v35  }
0x2e0: {  	v34 =	vadd.s32 v14, v32;
	v33 =	vld [tilespmem:s6+$0xFFC0]  }
0x2e1: {  	v36 =	vadd.s32 v15, v32;
	v35 =	vld [tilespmem:s6+$0xFFD0];
	_ =	sdelay $0x3  }
0x2e2: {  	[tilespmem:v34+s12+$0x0] =	vst.idx.msk $0xffff, v33  }
0x2e3: {  	[tilespmem:v36+s12+$0x0] =	vst.idx.msk $0xffff, v35  }
0x2e4: {  	v34 =	vadd.s32 v16, v32;
	v33 =	vld [tilespmem:s6+$0x10600]  }
0x2e5: {  	v36 =	vadd.s32 v17, v32;
	v35 =	vld [tilespmem:s6+$0x10610];
	_ =	sdelay $0x3  }
0x2e6: {  	[tilespmem:v34+s12+$0x0] =	vst.idx.msk $0xffff, v33  }
0x2e7: {  	[tilespmem:v36+s12+$0x0] =	vst.idx.msk $0xffff, v35  }
0x2e8: {  	v34 =	vadd.s32 v18, v32;
	v33 =	vld [tilespmem:s6+$0x10C40]  }
0x2e9: {  	v36 =	vadd.s32 v19, v32;
	v35 =	vld [tilespmem:s6+$0x10C50];
	_ =	sdelay $0x3  }
0x2ea: {  	[tilespmem:v34+s12+$0x0] =	vst.idx.msk $0xffff, v33  }
0x2eb: {  	[tilespmem:v36+s12+$0x0] =	vst.idx.msk $0xffff, v35  }
0x2ec: {  	v34 =	vadd.s32 v20, v32;
	v33 =	vld [tilespmem:s6+$0x11280]  }
0x2ed: {  	v36 =	vadd.s32 v21, v32;
	v35 =	vld [tilespmem:s6+$0x11290];
	_ =	sdelay $0x3  }
0x2ee: {  	[tilespmem:v34+s12+$0x0] =	vst.idx.msk $0xffff, v33  }
0x2ef: {  	[tilespmem:v36+s12+$0x0] =	vst.idx.msk $0xffff, v35  }
0x2f0: {  	v34 =	vadd.s32 v22, v32;
	v33 =	vld [tilespmem:s6+$0x118C0]  }
0x2f1: {  	v36 =	vadd.s32 v23, v32;
	v35 =	vld [tilespmem:s6+$0x118D0];
	_ =	sdelay $0x3  }
0x2f2: {  	[tilespmem:v34+s12+$0x0] =	vst.idx.msk $0xffff, v33  }
0x2f3: {  	[tilespmem:v36+s12+$0x0] =	vst.idx.msk $0xffff, v35  }
0x2f4: {  	v34 =	vadd.s32 v24, v32;
	v33 =	vld [tilespmem:s6+$0x11F00]  }
0x2f5: {  	v36 =	vadd.s32 v25, v32;
	v35 =	vld [tilespmem:s6+$0x11F10];
	_ =	sdelay $0x3  }
0x2f6: {  	[tilespmem:v34+s12+$0x0] =	vst.idx.msk $0xffff, v33  }
0x2f7: {  	[tilespmem:v36+s12+$0x0] =	vst.idx.msk $0xffff, v35  }
0x2f8: {  	v34 =	vadd.s32 v26, v32;
	v33 =	vld [tilespmem:s6+$0x12540]  }
0x2f9: {  	v36 =	vadd.s32 v27, v32;
	v35 =	vld [tilespmem:s6+$0x12550];
	_ =	sdelay $0x3  }
0x2fa: {  	[tilespmem:v34+s12+$0x0] =	vst.idx.msk $0xffff, v33  }
0x2fb: {  	[tilespmem:v36+s12+$0x0] =	vst.idx.msk $0xffff, v35  }
0x2fc: {  	v34 =	vadd.s32 v28, v32;
	v33 =	vld [tilespmem:s6+$0x12B80]  }
0x2fd: {  	v36 =	vadd.s32 v29, v32;
	v35 =	vld [tilespmem:s6+$0x12B90];
	_ =	sdelay $0x3  }
0x2fe: {  	[tilespmem:v34+s12+$0x0] =	vst.idx.msk $0xffff, v33  }
0x2ff: {  	[tilespmem:v36+s12+$0x0] =	vst.idx.msk $0xffff, v35  }
0x300: {  	v34 =	vadd.s32 v30, v32;
	v33 =	vld [tilespmem:s6+$0x131C0]  }
0x301: {  	v36 =	vadd.s32 v31, v32;
	v35 =	vld [tilespmem:s6+$0x131D0]  }
0x302: {  	v32 =	vmov s7  }
0x303: {  	v32 =	vmul.u32 $0x300, v32;
	_ =	sdelay $0x1  }
0x304: {  	v32 =	vbroadcast v32, $0x0;
	[tilespmem:v34+s12+$0x0] =	vst.idx.msk $0xffff, v33  }
0x305: {  	[tilespmem:v36+s12+$0x0] =	vst.idx.msk $0xffff, v35  }
0x306: {  	v34 =	vadd.s32 v0, v32;
	v33 =	vld [tilespmem:s6+$0xD420]  }
0x307: {  	v36 =	vadd.s32 v1, v32;
	v35 =	vld [tilespmem:s6+$0xD430];
	_ =	sdelay $0x3  }
0x308: {  	[tilespmem:v34+s12+$0x0] =	vst.idx.msk $0xffff, v33  }
0x309: {  	[tilespmem:v36+s12+$0x0] =	vst.idx.msk $0xffff, v35  }
0x30a: {  	v34 =	vadd.s32 v2, v32;
	v33 =	vld [tilespmem:s6+$0xDA60]  }
0x30b: {  	v36 =	vadd.s32 v3, v32;
	v35 =	vld [tilespmem:s6+$0xDA70];
	_ =	sdelay $0x3  }
0x30c: {  	[tilespmem:v34+s12+$0x0] =	vst.idx.msk $0xffff, v33  }
0x30d: {  	[tilespmem:v36+s12+$0x0] =	vst.idx.msk $0xffff, v35  }
0x30e: {  	v34 =	vadd.s32 v4, v32;
	v33 =	vld [tilespmem:s6+$0xE0A0]  }
0x30f: {  	v36 =	vadd.s32 v5, v32;
	v35 =	vld [tilespmem:s6+$0xE0B0];
	_ =	sdelay $0x3  }
0x310: {  	[tilespmem:v34+s12+$0x0] =	vst.idx.msk $0xffff, v33  }
0x311: {  	[tilespmem:v36+s12+$0x0] =	vst.idx.msk $0xffff, v35  }
0x312: {  	v34 =	vadd.s32 v6, v32;
	v33 =	vld [tilespmem:s6+$0xE6E0]  }
0x313: {  	v36 =	vadd.s32 v7, v32;
	v35 =	vld [tilespmem:s6+$0xE6F0];
	_ =	sdelay $0x3  }
0x314: {  	[tilespmem:v34+s12+$0x0] =	vst.idx.msk $0xffff, v33  }
0x315: {  	[tilespmem:v36+s12+$0x0] =	vst.idx.msk $0xffff, v35  }
0x316: {  	v34 =	vadd.s32 v8, v32;
	v33 =	vld [tilespmem:s6+$0xED20]  }
0x317: {  	v36 =	vadd.s32 v9, v32;
	v35 =	vld [tilespmem:s6+$0xED30];
	_ =	sdelay $0x3  }
0x318: {  	[tilespmem:v34+s12+$0x0] =	vst.idx.msk $0xffff, v33  }
0x319: {  	[tilespmem:v36+s12+$0x0] =	vst.idx.msk $0xffff, v35  }
0x31a: {  	v34 =	vadd.s32 v10, v32;
	v33 =	vld [tilespmem:s6+$0xF360]  }
0x31b: {  	v36 =	vadd.s32 v11, v32;
	v35 =	vld [tilespmem:s6+$0xF370];
	_ =	sdelay $0x3  }
0x31c: {  	[tilespmem:v34+s12+$0x0] =	vst.idx.msk $0xffff, v33  }
0x31d: {  	[tilespmem:v36+s12+$0x0] =	vst.idx.msk $0xffff, v35  }
0x31e: {  	v34 =	vadd.s32 v12, v32;
	v33 =	vld [tilespmem:s6+$0xF9A0]  }
0x31f: {  	v36 =	vadd.s32 v13, v32;
	v35 =	vld [tilespmem:s6+$0xF9B0];
	_ =	sdelay $0x3  }
0x320: {  	[tilespmem:v34+s12+$0x0] =	vst.idx.msk $0xffff, v33  }
0x321: {  	[tilespmem:v36+s12+$0x0] =	vst.idx.msk $0xffff, v35  }
0x322: {  	v34 =	vadd.s32 v14, v32;
	v33 =	vld [tilespmem:s6+$0xFFE0]  }
0x323: {  	v36 =	vadd.s32 v15, v32;
	v35 =	vld [tilespmem:s6+$0xFFF0];
	_ =	sdelay $0x3  }
0x324: {  	[tilespmem:v34+s12+$0x0] =	vst.idx.msk $0xffff, v33  }
0x325: {  	[tilespmem:v36+s12+$0x0] =	vst.idx.msk $0xffff, v35  }
0x326: {  	v34 =	vadd.s32 v16, v32;
	v33 =	vld [tilespmem:s6+$0x10620]  }
0x327: {  	v36 =	vadd.s32 v17, v32;
	v35 =	vld [tilespmem:s6+$0x10630];
	_ =	sdelay $0x3  }
0x328: {  	[tilespmem:v34+s12+$0x0] =	vst.idx.msk $0xffff, v33  }
0x329: {  	[tilespmem:v36+s12+$0x0] =	vst.idx.msk $0xffff, v35  }
0x32a: {  	v34 =	vadd.s32 v18, v32;
	v33 =	vld [tilespmem:s6+$0x10C60]  }
0x32b: {  	v36 =	vadd.s32 v19, v32;
	v35 =	vld [tilespmem:s6+$0x10C70];
	_ =	sdelay $0x3  }
0x32c: {  	[tilespmem:v34+s12+$0x0] =	vst.idx.msk $0xffff, v33  }
0x32d: {  	[tilespmem:v36+s12+$0x0] =	vst.idx.msk $0xffff, v35  }
0x32e: {  	v34 =	vadd.s32 v20, v32;
	v33 =	vld [tilespmem:s6+$0x112A0]  }
0x32f: {  	v36 =	vadd.s32 v21, v32;
	v35 =	vld [tilespmem:s6+$0x112B0];
	_ =	sdelay $0x3  }
0x330: {  	[tilespmem:v34+s12+$0x0] =	vst.idx.msk $0xffff, v33  }
0x331: {  	[tilespmem:v36+s12+$0x0] =	vst.idx.msk $0xffff, v35  }
0x332: {  	v34 =	vadd.s32 v22, v32;
	v33 =	vld [tilespmem:s6+$0x118E0]  }
0x333: {  	v36 =	vadd.s32 v23, v32;
	v35 =	vld [tilespmem:s6+$0x118F0];
	_ =	sdelay $0x3  }
0x334: {  	[tilespmem:v34+s12+$0x0] =	vst.idx.msk $0xffff, v33  }
0x335: {  	[tilespmem:v36+s12+$0x0] =	vst.idx.msk $0xffff, v35  }
0x336: {  	v34 =	vadd.s32 v24, v32;
	v33 =	vld [tilespmem:s6+$0x11F20]  }
0x337: {  	v36 =	vadd.s32 v25, v32;
	v35 =	vld [tilespmem:s6+$0x11F30];
	_ =	sdelay $0x3  }
0x338: {  	[tilespmem:v34+s12+$0x0] =	vst.idx.msk $0xffff, v33  }
0x339: {  	[tilespmem:v36+s12+$0x0] =	vst.idx.msk $0xffff, v35  }
0x33a: {  	v34 =	vadd.s32 v26, v32;
	v33 =	vld [tilespmem:s6+$0x12560]  }
0x33b: {  	v36 =	vadd.s32 v27, v32;
	v35 =	vld [tilespmem:s6+$0x12570];
	_ =	sdelay $0x3  }
0x33c: {  	[tilespmem:v34+s12+$0x0] =	vst.idx.msk $0xffff, v33  }
0x33d: {  	[tilespmem:v36+s12+$0x0] =	vst.idx.msk $0xffff, v35  }
0x33e: {  	v34 =	vadd.s32 v28, v32;
	v33 =	vld [tilespmem:s6+$0x12BA0]  }
0x33f: {  	v36 =	vadd.s32 v29, v32;
	v35 =	vld [tilespmem:s6+$0x12BB0];
	_ =	sdelay $0x3  }
0x340: {  	[tilespmem:v34+s12+$0x0] =	vst.idx.msk $0xffff, v33  }
0x341: {  	[tilespmem:v36+s12+$0x0] =	vst.idx.msk $0xffff, v35  }
0x342: {  	s7 =	sadd.s32 $0x2, s7;
	v36 =	vadd.s32 v30, v32;
	v35 =	vld [tilespmem:s6+$0x131E0]  }
.Ltmp2:
0x343: {  	s19 =	sadd.s32 $0xFFFFFFFF, s7;
	v34 =	vadd.s32 v31, v32;
	v33 =	vld [tilespmem:s6+$0x131F0];
	s6 =	smov.u32 s15;
	(pc) =	sbr.rel @p0 .LBB2_7-.Ltmp2, $3  }
0x344: {  	v32 =	vmov s19  }
0x345: {  	v32 =	vmul.u32 $0x300, v32;
	_ =	sdelay $0x1  }
0x346: {  	v32 =	vbroadcast v32, $0x0;
	[tilespmem:v36+s12+$0x0] =	vst.idx.msk $0xffff, v35  }
0x347: {  	_ =	sdelay $0x3  }
0x348: {  	[tilespmem:v34+s12+$0x0] =	vst.idx.msk $0xffff, v33  }
0x349: {  	v33 =	vld [tilespmem:s6+$0xD400];
	v50 =	vadd.s32 v0, v32  }
0x34a: {  	v35 =	vld [tilespmem:s6+$0xD410];
	v36 =	vadd.s32 v1, v32;
	_ =	sdelay $0x3  }
0x34b: {  	[tilespmem:v50+s12+$0x0] =	vst.idx.msk $0xffff, v33  }
0x34c: {  	[tilespmem:v36+s12+$0x0] =	vst.idx.msk $0xffff, v35  }
0x34d: {  	v51 =	vadd.s32 v2, v32;
	v33 =	vld [tilespmem:s6+$0xDA40]  }
0x34e: {  	v52 =	vadd.s32 v3, v32;
	v35 =	vld [tilespmem:s6+$0xDA50];
	_ =	sdelay $0x3  }
0x34f: {  	[tilespmem:v51+s12+$0x0] =	vst.idx.msk $0xffff, v33  }
0x350: {  	[tilespmem:v52+s12+$0x0] =	vst.idx.msk $0xffff, v35  }
0x351: {  	v53 =	vadd.s32 v4, v32;
	v33 =	vld [tilespmem:s6+$0xE080]  }
0x352: {  	v54 =	vadd.s32 v5, v32;
	v35 =	vld [tilespmem:s6+$0xE090];
	_ =	sdelay $0x3  }
0x353: {  	[tilespmem:v53+s12+$0x0] =	vst.idx.msk $0xffff, v33  }
0x354: {  	[tilespmem:v54+s12+$0x0] =	vst.idx.msk $0xffff, v35  }
0x355: {  	v55 =	vadd.s32 v6, v32;
	v33 =	vld [tilespmem:s6+$0xE6C0]  }
0x356: {  	v56 =	vadd.s32 v7, v32;
	v35 =	vld [tilespmem:s6+$0xE6D0];
	_ =	sdelay $0x3  }
0x357: {  	[tilespmem:v55+s12+$0x0] =	vst.idx.msk $0xffff, v33  }
0x358: {  	[tilespmem:v56+s12+$0x0] =	vst.idx.msk $0xffff, v35  }
0x359: {  	v57 =	vadd.s32 v8, v32;
	v33 =	vld [tilespmem:s6+$0xED00]  }
0x35a: {  	v58 =	vadd.s32 v9, v32;
	v35 =	vld [tilespmem:s6+$0xED10];
	_ =	sdelay $0x3  }
0x35b: {  	[tilespmem:v57+s12+$0x0] =	vst.idx.msk $0xffff, v33  }
0x35c: {  	[tilespmem:v58+s12+$0x0] =	vst.idx.msk $0xffff, v35  }
0x35d: {  	v59 =	vadd.s32 v10, v32;
	v33 =	vld [tilespmem:s6+$0xF340]  }
0x35e: {  	v60 =	vadd.s32 v11, v32;
	v35 =	vld [tilespmem:s6+$0xF350];
	_ =	sdelay $0x3  }
0x35f: {  	[tilespmem:v59+s12+$0x0] =	vst.idx.msk $0xffff, v33  }
0x360: {  	[tilespmem:v60+s12+$0x0] =	vst.idx.msk $0xffff, v35  }
0x361: {  	v61 =	vadd.s32 v12, v32;
	v33 =	vld [tilespmem:s6+$0xF980]  }
0x362: {  	v62 =	vadd.s32 v13, v32;
	v35 =	vld [tilespmem:s6+$0xF990];
	_ =	sdelay $0x3  }
0x363: {  	[tilespmem:v61+s12+$0x0] =	vst.idx.msk $0xffff, v33  }
0x364: {  	[tilespmem:v62+s12+$0x0] =	vst.idx.msk $0xffff, v35  }
0x365: {  	v63 =	vadd.s32 v14, v32;
	v33 =	vld [tilespmem:s6+$0xFFC0]  }
0x366: {  	v40 =	vadd.s32 v15, v32;
	v35 =	vld [tilespmem:s6+$0xFFD0];
	_ =	sdelay $0x3  }
0x367: {  	[tilespmem:v63+s12+$0x0] =	vst.idx.msk $0xffff, v33  }
0x368: {  	[tilespmem:v40+s12+$0x0] =	vst.idx.msk $0xffff, v35  }
0x369: {  	v41 =	vadd.s32 v16, v32;
	v33 =	vld [tilespmem:s6+$0x10600]  }
0x36a: {  	v42 =	vadd.s32 v17, v32;
	v35 =	vld [tilespmem:s6+$0x10610];
	_ =	sdelay $0x3  }
0x36b: {  	[tilespmem:v41+s12+$0x0] =	vst.idx.msk $0xffff, v33  }
0x36c: {  	[tilespmem:v42+s12+$0x0] =	vst.idx.msk $0xffff, v35  }
0x36d: {  	v43 =	vadd.s32 v18, v32;
	v33 =	vld [tilespmem:s6+$0x10C40]  }
0x36e: {  	v44 =	vadd.s32 v19, v32;
	v35 =	vld [tilespmem:s6+$0x10C50];
	_ =	sdelay $0x3  }
0x36f: {  	[tilespmem:v43+s12+$0x0] =	vst.idx.msk $0xffff, v33  }
0x370: {  	[tilespmem:v44+s12+$0x0] =	vst.idx.msk $0xffff, v35  }
0x371: {  	v45 =	vadd.s32 v20, v32;
	v33 =	vld [tilespmem:s6+$0x11280]  }
0x372: {  	v46 =	vadd.s32 v21, v32;
	v35 =	vld [tilespmem:s6+$0x11290];
	_ =	sdelay $0x3  }
0x373: {  	[tilespmem:v45+s12+$0x0] =	vst.idx.msk $0xffff, v33  }
0x374: {  	[tilespmem:v46+s12+$0x0] =	vst.idx.msk $0xffff, v35  }
0x375: {  	v47 =	vadd.s32 v22, v32;
	v33 =	vld [tilespmem:s6+$0x118C0]  }
0x376: {  	v48 =	vadd.s32 v23, v32;
	v35 =	vld [tilespmem:s6+$0x118D0];
	_ =	sdelay $0x3  }
0x377: {  	[tilespmem:v47+s12+$0x0] =	vst.idx.msk $0xffff, v33  }
0x378: {  	[tilespmem:v48+s12+$0x0] =	vst.idx.msk $0xffff, v35  }
0x379: {  	v49 =	vadd.s32 v24, v32;
	v33 =	vld [tilespmem:s6+$0x11F00]  }
0x37a: {  	v50 =	vadd.s32 v25, v32;
	v35 =	vld [tilespmem:s6+$0x11F10];
	_ =	sdelay $0x3  }
0x37b: {  	[tilespmem:v49+s12+$0x0] =	vst.idx.msk $0xffff, v33  }
0x37c: {  	[tilespmem:v50+s12+$0x0] =	vst.idx.msk $0xffff, v35  }
0x37d: {  	v51 =	vadd.s32 v26, v32;
	v33 =	vld [tilespmem:s6+$0x12540]  }
0x37e: {  	v52 =	vadd.s32 v27, v32;
	v35 =	vld [tilespmem:s6+$0x12550];
	_ =	sdelay $0x3  }
0x37f: {  	[tilespmem:v51+s12+$0x0] =	vst.idx.msk $0xffff, v33  }
0x380: {  	[tilespmem:v52+s12+$0x0] =	vst.idx.msk $0xffff, v35  }
0x381: {  	v53 =	vadd.s32 v28, v32;
	v33 =	vld [tilespmem:s6+$0x12B80]  }
0x382: {  	v54 =	vadd.s32 v29, v32;
	v35 =	vld [tilespmem:s6+$0x12B90];
	_ =	sdelay $0x3  }
0x383: {  	[tilespmem:v53+s12+$0x0] =	vst.idx.msk $0xffff, v33  }
0x384: {  	[tilespmem:v54+s12+$0x0] =	vst.idx.msk $0xffff, v35  }
0x385: {  	v55 =	vadd.s32 v30, v32;
	v33 =	vld [tilespmem:s6+$0x131C0]  }
0x386: {  	v56 =	vadd.s32 v31, v32;
	v35 =	vld [tilespmem:s6+$0x131D0]  }
0x387: {  	v57 =	vmov s7  }
0x388: {  	v36 =	vmul.u32 $0x300, v57;
	_ =	sdelay $0x1  }
0x389: {  	[tilespmem:v55+s12+$0x0] =	vst.idx.msk $0xffff, v33;
	v33 =	vbroadcast v36, $0x0  }
0x38a: {  	[tilespmem:v56+s12+$0x0] =	vst.idx.msk $0xffff, v35  }
0x38b: {  	v32 =	vld [tilespmem:s6+$0xD420];
	v58 =	vadd.s32 v0, v33  }
0x38c: {  	v35 =	vld [tilespmem:s6+$0xD430];
	v36 =	vadd.s32 v1, v33;
	_ =	sdelay $0x3  }
0x38d: {  	[tilespmem:v58+s12+$0x0] =	vst.idx.msk $0xffff, v32  }
0x38e: {  	[tilespmem:v36+s12+$0x0] =	vst.idx.msk $0xffff, v35  }
0x38f: {  	v59 =	vadd.s32 v2, v33;
	v32 =	vld [tilespmem:s6+$0xDA60]  }
0x390: {  	v60 =	vadd.s32 v3, v33;
	v35 =	vld [tilespmem:s6+$0xDA70];
	_ =	sdelay $0x3  }
0x391: {  	[tilespmem:v59+s12+$0x0] =	vst.idx.msk $0xffff, v32  }
0x392: {  	[tilespmem:v60+s12+$0x0] =	vst.idx.msk $0xffff, v35  }
0x393: {  	v61 =	vadd.s32 v4, v33;
	v32 =	vld [tilespmem:s6+$0xE0A0]  }
0x394: {  	v62 =	vadd.s32 v5, v33;
	v35 =	vld [tilespmem:s6+$0xE0B0];
	_ =	sdelay $0x3  }
0x395: {  	[tilespmem:v61+s12+$0x0] =	vst.idx.msk $0xffff, v32  }
0x396: {  	[tilespmem:v62+s12+$0x0] =	vst.idx.msk $0xffff, v35  }
0x397: {  	v63 =	vadd.s32 v6, v33;
	v32 =	vld [tilespmem:s6+$0xE6E0]  }
0x398: {  	v40 =	vadd.s32 v7, v33;
	v35 =	vld [tilespmem:s6+$0xE6F0];
	_ =	sdelay $0x3  }
0x399: {  	[tilespmem:v63+s12+$0x0] =	vst.idx.msk $0xffff, v32  }
0x39a: {  	[tilespmem:v40+s12+$0x0] =	vst.idx.msk $0xffff, v35  }
0x39b: {  	v41 =	vadd.s32 v8, v33;
	v32 =	vld [tilespmem:s6+$0xED20]  }
0x39c: {  	v42 =	vadd.s32 v9, v33;
	v35 =	vld [tilespmem:s6+$0xED30];
	_ =	sdelay $0x3  }
0x39d: {  	[tilespmem:v41+s12+$0x0] =	vst.idx.msk $0xffff, v32  }
0x39e: {  	[tilespmem:v42+s12+$0x0] =	vst.idx.msk $0xffff, v35  }
0x39f: {  	v43 =	vadd.s32 v10, v33;
	v32 =	vld [tilespmem:s6+$0xF360]  }
0x3a0: {  	v44 =	vadd.s32 v11, v33;
	v35 =	vld [tilespmem:s6+$0xF370];
	_ =	sdelay $0x3  }
0x3a1: {  	[tilespmem:v43+s12+$0x0] =	vst.idx.msk $0xffff, v32  }
0x3a2: {  	[tilespmem:v44+s12+$0x0] =	vst.idx.msk $0xffff, v35  }
0x3a3: {  	v45 =	vadd.s32 v12, v33;
	v32 =	vld [tilespmem:s6+$0xF9A0]  }
0x3a4: {  	v46 =	vadd.s32 v13, v33;
	v35 =	vld [tilespmem:s6+$0xF9B0];
	_ =	sdelay $0x3  }
0x3a5: {  	[tilespmem:v45+s12+$0x0] =	vst.idx.msk $0xffff, v32  }
0x3a6: {  	[tilespmem:v46+s12+$0x0] =	vst.idx.msk $0xffff, v35  }
0x3a7: {  	v47 =	vadd.s32 v14, v33;
	v32 =	vld [tilespmem:s6+$0xFFE0]  }
0x3a8: {  	v48 =	vadd.s32 v15, v33;
	v35 =	vld [tilespmem:s6+$0xFFF0];
	_ =	sdelay $0x3  }
0x3a9: {  	[tilespmem:v47+s12+$0x0] =	vst.idx.msk $0xffff, v32  }
0x3aa: {  	[tilespmem:v48+s12+$0x0] =	vst.idx.msk $0xffff, v35  }
0x3ab: {  	v49 =	vadd.s32 v16, v33;
	v32 =	vld [tilespmem:s6+$0x10620]  }
0x3ac: {  	v50 =	vadd.s32 v17, v33;
	v35 =	vld [tilespmem:s6+$0x10630];
	_ =	sdelay $0x3  }
0x3ad: {  	[tilespmem:v49+s12+$0x0] =	vst.idx.msk $0xffff, v32  }
0x3ae: {  	[tilespmem:v50+s12+$0x0] =	vst.idx.msk $0xffff, v35  }
0x3af: {  	v51 =	vadd.s32 v18, v33;
	v32 =	vld [tilespmem:s6+$0x10C60]  }
0x3b0: {  	v52 =	vadd.s32 v19, v33;
	v35 =	vld [tilespmem:s6+$0x10C70];
	_ =	sdelay $0x3  }
0x3b1: {  	[tilespmem:v51+s12+$0x0] =	vst.idx.msk $0xffff, v32  }
0x3b2: {  	[tilespmem:v52+s12+$0x0] =	vst.idx.msk $0xffff, v35  }
0x3b3: {  	v53 =	vadd.s32 v20, v33;
	v32 =	vld [tilespmem:s6+$0x112A0]  }
0x3b4: {  	v54 =	vadd.s32 v21, v33;
	v35 =	vld [tilespmem:s6+$0x112B0];
	_ =	sdelay $0x3  }
0x3b5: {  	[tilespmem:v53+s12+$0x0] =	vst.idx.msk $0xffff, v32  }
0x3b6: {  	[tilespmem:v54+s12+$0x0] =	vst.idx.msk $0xffff, v35  }
0x3b7: {  	v55 =	vadd.s32 v22, v33;
	v32 =	vld [tilespmem:s6+$0x118E0]  }
0x3b8: {  	v56 =	vadd.s32 v23, v33;
	v35 =	vld [tilespmem:s6+$0x118F0];
	_ =	sdelay $0x3  }
0x3b9: {  	[tilespmem:v55+s12+$0x0] =	vst.idx.msk $0xffff, v32  }
0x3ba: {  	[tilespmem:v56+s12+$0x0] =	vst.idx.msk $0xffff, v35  }
0x3bb: {  	v57 =	vadd.s32 v24, v33;
	v32 =	vld [tilespmem:s6+$0x11F20]  }
0x3bc: {  	v58 =	vadd.s32 v25, v33;
	v35 =	vld [tilespmem:s6+$0x11F30];
	_ =	sdelay $0x3  }
0x3bd: {  	[tilespmem:v57+s12+$0x0] =	vst.idx.msk $0xffff, v32  }
0x3be: {  	[tilespmem:v58+s12+$0x0] =	vst.idx.msk $0xffff, v35  }
0x3bf: {  	v59 =	vadd.s32 v26, v33;
	v32 =	vld [tilespmem:s6+$0x12560]  }
0x3c0: {  	v60 =	vadd.s32 v27, v33;
	v35 =	vld [tilespmem:s6+$0x12570];
	_ =	sdelay $0x3  }
0x3c1: {  	[tilespmem:v59+s12+$0x0] =	vst.idx.msk $0xffff, v32  }
0x3c2: {  	[tilespmem:v60+s12+$0x0] =	vst.idx.msk $0xffff, v35  }
0x3c3: {  	v61 =	vadd.s32 v28, v33;
	v32 =	vld [tilespmem:s6+$0x12BA0]  }
0x3c4: {  	v62 =	vadd.s32 v29, v33;
	v35 =	vld [tilespmem:s6+$0x12BB0];
	_ =	sdelay $0x3  }
0x3c5: {  	[tilespmem:v61+s12+$0x0] =	vst.idx.msk $0xffff, v32  }
0x3c6: {  	[tilespmem:v62+s12+$0x0] =	vst.idx.msk $0xffff, v35  }
0x3c7: {  	s20 =	sshll.u32 s17, $0x4;
	v63 =	vadd.s32 v30, v33;
	v32 =	vld [tilespmem:s6+$0x131E0]  }
0x3c8: {  	s8 =	sadd.s32 s5, s20;
	v33 =	vadd.s32 v31, v33;
	v35 =	vld [tilespmem:s6+$0x131F0]  }
0x3c9: {  	s6 =	sshll.u32 s8, $0x3  }
0x3ca: {  	s7 =	sand.u32 $0x70, s20;
	s6 =	sand.u32 $0x7FFFFC00, s6  }
0x3cb: {  	s6 =	sor.u32 s7, s6  }
0x3cc: {  	s6 =	sshrl.u32 s6, $0x3;
	[tilespmem:v63+s12+$0x0] =	vst.idx.msk $0xffff, v32  }
0x3cd: {  	s15 =	simm.s32 $0x13800;
	s7 =	sadd.s32 s2, s6;
	[tilespmem:v33+s12+$0x0] =	vst.idx.msk $0xffff, v35  }
0x3ce: {  	[hbm4b:s7+s3] =	stream.linear.scatter [tilespmem:s15], [sflag:$0x3], $0x10, $0x38;
	[tilespmem:$0x1CE00] =	vst v63  }
0x3cf: {  	s17 =	simm.s32 $0x13818;
	s8 =	sadd.s32 $0x10, s7  }
0x3d0: {  	[hbm4b:s8+s3] =	stream.linear.scatter [tilespmem:s17], [sflag:$0x3], $0x10, $0x38;
	[tilespmem:$0x1CE00] =	vst v63  }
0x3d1: {  	s19 =	simm.s32 $0x13830;
	s6 =	simm.s32 $0xC0;
	s20 =	sadd.s32 $0x20, s7  }
0x3d2: {  	[hbm4b:s20+s3] =	stream.linear.scatter [tilespmem:s19], [sflag:$0x3], $0x10, $0x38;
	[tilespmem:$0x1CE00] =	vst v63  }
0x3d3: {  	s15 =	simm.s32 $0x13848;
	s17 =	sadd.s32 $0x30, s7;
	s8 =	simm.s32 $0x600  }
0x3d4: {  	[hbm4b:s17+s3] =	stream.linear.scatter [tilespmem:s15], [sflag:$0x3], $0x10, $0x38;
	[tilespmem:$0x1CE00] =	vst v63  }
0x3d5: {  	s19 =	simm.s32 $0x13860;
	s20 =	sadd.s32 $0x40, s7;
	s15 =	simm.s32 $0x13878  }
0x3d6: {  	[hbm4b:s20+s3] =	stream.linear.scatter [tilespmem:s19], [sflag:$0x3], $0x10, $0x38;
	[tilespmem:$0x1CE00] =	vst v63  }
0x3d7: {  	s17 =	sadd.s32 $0x50, s7;
	s19 =	simm.s32 $0x13890;
	s20 =	sadd.s32 $0x60, s7  }
0x3d8: {  	[hbm4b:s17+s3] =	stream.linear.scatter [tilespmem:s15], [sflag:$0x3], $0x10, $0x38;
	[tilespmem:$0x1CE00] =	vst v63  }
0x3d9: {  	s15 =	simm.s32 $0x138A8;
	s17 =	sadd.s32 $0x70, s7;
	s7 =	sadd.s32 $0x4000, s7  }
0x3da: {  	[hbm4b:s20+s3] =	stream.linear.scatter [tilespmem:s19], [sflag:$0x3], $0x10, $0x38;
	[tilespmem:$0x1CE00] =	vst v63  }
.LBB2_9:
0x3db: {  	[hbm4b:s17+s3] =	stream.linear.scatter [tilespmem:s15], [sflag:$0x3], $0x10, $0x38;
	[tilespmem:$0x1CE00] =	vst v63  }
0x3dc: {  	s15 =	smov.u32 s6;
	s6 =	smov.u32 s8  }
0x3dd: {  	s19 =	sadd.s32 $0x300, s8;
	s6 =	sshra.s32 s6, $0x2;
	s17 =	sadd.s32 $0x13800, s15  }
0x3de: {  	[hbm4b:s7+s3] =	stream.linear.scatter [tilespmem:s17], [sflag:$0x3], $0x10, $0x38;
	[tilespmem:$0x1CE00] =	vst v63  }
0x3df: {  	p0 =	sne.s32 s8, $0x25500;
	s8 =	sadd.s32 $0x13818, s15;
	s17 =	sadd.s32 $0x10, s7  }
0x3e0: {  	[hbm4b:s17+s3] =	stream.linear.scatter [tilespmem:s8], [sflag:$0x3], $0x10, $0x38;
	[tilespmem:$0x1CE00] =	vst v63  }
0x3e1: {  	s8 =	sadd.s32 $0x13830, s15;
	s17 =	sadd.s32 $0x20, s7  }
0x3e2: {  	[hbm4b:s17+s3] =	stream.linear.scatter [tilespmem:s8], [sflag:$0x3], $0x10, $0x38;
	[tilespmem:$0x1CE00] =	vst v63  }
0x3e3: {  	s8 =	sadd.s32 $0x13848, s15;
	s17 =	sadd.s32 $0x30, s7  }
0x3e4: {  	[hbm4b:s17+s3] =	stream.linear.scatter [tilespmem:s8], [sflag:$0x3], $0x10, $0x38;
	[tilespmem:$0x1CE00] =	vst v63  }
0x3e5: {  	s8 =	sadd.s32 $0x13860, s15;
	s17 =	sadd.s32 $0x40, s7  }
0x3e6: {  	[hbm4b:s17+s3] =	stream.linear.scatter [tilespmem:s8], [sflag:$0x3], $0x10, $0x38;
	[tilespmem:$0x1CE00] =	vst v63  }
.Ltmp3:
0x3e7: {  	s8 =	sadd.s32 $0x13878, s15;
	s17 =	sadd.s32 $0x50, s7;
	(pc) =	sbr.rel @p0 .LBB2_9-.Ltmp3, $4  }
0x3e8: {  	[hbm4b:s17+s3] =	stream.linear.scatter [tilespmem:s8], [sflag:$0x3], $0x10, $0x38;
	[tilespmem:$0x1CE00] =	vst v63  }
0x3e9: {  	s8 =	sadd.s32 $0x13890, s15;
	s17 =	sadd.s32 $0x60, s7;
	s15 =	sadd.s32 $0x138A8, s15  }
0x3ea: {  	[hbm4b:s17+s3] =	stream.linear.scatter [tilespmem:s8], [sflag:$0x3], $0x10, $0x38;
	[tilespmem:$0x1CE00] =	vst v63  }
0x3eb: {  	s17 =	sadd.s32 $0x70, s7;
	s7 =	sadd.s32 $0x4000, s7;
	s8 =	smov.u32 s19  }
0x3ec: {  	[hbm4b:s17+s3] =	stream.linear.scatter [tilespmem:s15], [sflag:$0x3], $0x10, $0x38;
	[tilespmem:$0x1CE00] =	vst v63  }
0x3ed: {  	s8 =	sadd.s32 $0x13800, s6  }
0x3ee: {  	[hbm4b:s7+s3] =	stream.linear.scatter [tilespmem:s8], [sflag:$0x3], $0x10, $0x38;
	[tilespmem:$0x1CE00] =	vst v63  }
0x3ef: {  	s19 =	sadd.s32 $0x13818, s6;
	s20 =	sadd.s32 $0x10, s7  }
0x3f0: {  	[hbm4b:s20+s3] =	stream.linear.scatter [tilespmem:s19], [sflag:$0x3], $0x10, $0x38;
	[tilespmem:$0x1CE00] =	vst v63  }
0x3f1: {  	s15 =	sadd.s32 $0x13830, s6;
	s17 =	sadd.s32 $0x20, s7  }
0x3f2: {  	[hbm4b:s17+s3] =	stream.linear.scatter [tilespmem:s15], [sflag:$0x3], $0x10, $0x38;
	[tilespmem:$0x1CE00] =	vst v63  }
0x3f3: {  	s19 =	sadd.s32 $0x13848, s6;
	s20 =	sadd.s32 $0x30, s7  }
0x3f4: {  	[hbm4b:s20+s3] =	stream.linear.scatter [tilespmem:s19], [sflag:$0x3], $0x10, $0x38;
	[tilespmem:$0x1CE00] =	vst v63  }
0x3f5: {  	s16 =	sadd.s32 $0x1, s16;
	s15 =	sadd.s32 $0x13860, s6;
	s17 =	sadd.s32 $0x40, s7  }
0x3f6: {  	[hbm4b:s17+s3] =	stream.linear.scatter [tilespmem:s15], [sflag:$0x3], $0x10, $0x38;
	[tilespmem:$0x1CE00] =	vst v63  }
0x3f7: {  	p0 =	sne.s32 s16, $0x10;
	s19 =	sadd.s32 $0x13878, s6;
	s20 =	sadd.s32 $0x50, s7  }
0x3f8: {  	[hbm4b:s20+s3] =	stream.linear.scatter [tilespmem:s19], [sflag:$0x3], $0x10, $0x38;
	[tilespmem:$0x1CE00] =	vst v63  }
.Ltmp4:
0x3f9: {  	_ = 	snop;
	(pc) =	sbr.rel @p0 .LBB2_2-.Ltmp4, $4  }
0x3fa: {  	s15 =	sadd.s32 $0x13890, s6;
	s17 =	sadd.s32 $0x60, s7  }
0x3fb: {  	[hbm4b:s17+s3] =	stream.linear.scatter [tilespmem:s15], [sflag:$0x3], $0x10, $0x38;
	[tilespmem:$0x1CE00] =	vst v63  }
0x3fc: {  	s19 =	sadd.s32 $0x138A8, s6;
	s20 =	sadd.s32 $0x70, s7  }
0x3fd: {  	[hbm4b:s20+s3] =	stream.linear.scatter [tilespmem:s19], [sflag:$0x3], $0x10, $0x38;
	[tilespmem:$0x1CE00] =	vst v63  }
0x3fe: {  	_ =	swait.ge [sflag:s14], $0x6400  }
0x3ff: {  	s7 =	rddreg [dreg:$0x5]  }
0x400: {  	s6 =	rddreg [dreg:$0x4];
	s7 =	sadd.s32 $0x1, s7  }
0x401: {  	p0 =	sne.s32 s7, s6  }
.Ltmp5:
0x402: {  	_ = 	snop;
	(pc) =	sbr.rel @p0 .LBB2_1-.Ltmp5, $3  }
0x403: {  	_ =	sdelay $0x1  }
0x404: {  	[sflag:s14] =	ssyncset.done $0x0  }
0x405: {  	[sflag:s14] =	ssyncadd.s32 $0xFFFF9C00  }
0x406: {  	_ =	sfence.sel $0x180000  }
0x407: {  	[bflag:$0x0] =	sbarrier.arrive $0xFFFF  }
0x408: {  	_ =	strace $0x90000047  }
0x409: {  	s0 =	stileid.u32;
	[bflag:$0x2] =	sbarrier.arrive $0xFFFF  }
0x40a: {  	p0 =	sne.s32 s0, $0x0;
	s0 =	rddreg [dreg:$0x2]  }
0x40b: {  	s0 =	sadd.s32 @!p0 $0x100000, s0  }
0x40c: {  	[sflag:s0] =	ssyncadd.tile.s32 @!p0 $0x1;
	_ =	shalt  }
.Lfunc_end2:
_tile_overlayer_lowered:
.L_overlay_start_2:
0x40d: {  	(tag) =	ssettag $0x2  }
0x40e: {  	s0 =	rddreg [dreg:$0x0];
	s2 =	stileid.u32  }
0x40f: {  	s1 =	rddreg [dreg:$0x1];
	p0 =	sne.s32 s2, $0x0  }
0x410: {  	s3 =	rddreg [dreg:$0x2];
	[bflag:$0x3] =	sbarrier.arrive $0xFFFF;
	s2 =	simm.s32 @!p0 $0x1C04  }
0x411: {  	[timem:s3], [sflag:s2] =	dma.local @!p0 [hbm:s0], s1  }
0x412: {  	s0 =	simm.s32 @!p0 $0x4  }
0x413: {  	_ =	swait.ge @!p0 [sflag:s0], s1  }
0x414: {  	s1 =	ssub.s32 @!p0 $0x0, s1;
	[sflag:s0] =	ssyncset.done @!p0 $0x0  }
0x415: {  	[sflag:s0] =	ssyncadd.s32 @!p0 s1  }
0x416: {  	[bflag:$0x3] =	sbarrier.arrive $0xFFFF  }
0x417: {  	_ =	shalt  }

</sc_bundles>
